<compile_context>
chip_gen: v7x
topology: tpu7x:2x2x1
jax: 0.10.2.dev20260603
libtpu: 0.0.44.dev20260713+nightly
codegen_flags: <defaults>
</compile_context>

<pallas_src>
import math

import jax
import jax.numpy as jnp
from jax import lax
from jax.experimental import pallas as pl
from jax.experimental.pallas import tpu as pltpu
from jax.experimental.pallas import tpu_sc as plsc

V_ = 100000
B_ = 16384
NC_ = 2
NS_ = 16
L_ = 16
NW_ = NC_ * NS_
BPW_ = B_ // NW_
NIDX_ = BPW_ // 128
NCHUNK_ = BPW_ // L_

_CA = tuple(float((-1) ** k) / math.factorial(2 * k + 1) for k in range(9))
_CB = tuple(float((-1) ** k) / math.factorial(2 * k + 2) for k in range(9))


def _pose_body(ids_hbm, rx_hbm, ry_hbm, rz_hbm, tx_hbm, ty_hbm, tz_hbm,
               out_hbm, idx_v, k_v, comp_v, out_v, sem):
    wid = lax.axis_index("s") * NC_ + lax.axis_index("c")
    base = wid * BPW_

    for j in range(NIDX_):
        pltpu.sync_copy(ids_hbm.at[pl.ds(base + j * 128, 128)], idx_v.at[j])

    def mk_idx(i, carry):
        jrow = i // 8
        jcol = (i % 8) * L_
        k_v[jrow, pl.ds(jcol, L_)] = idx_v[jrow, pl.ds(jcol, L_)]
        return carry
    lax.fori_loop(0, NCHUNK_, mk_idx, 0, unroll=True)

    comps = (rx_hbm, ry_hbm, rz_hbm, tx_hbm, ty_hbm, tz_hbm)
    cps = []
    for c, src in enumerate(comps):
        for j in range(NIDX_):
            cps.append(pltpu.async_copy(
                src.at[k_v.at[j]],
                comp_v.at[c, pl.ds(j * 128, 128)], sem))
    for cp in cps:
        cp.wait()

    zeros = jnp.zeros((L_,), jnp.float32)
    ones = jnp.ones((L_,), jnp.float32)

    def chunk(i, carry):
        off = i * L_
        rows = off + lax.iota(jnp.int32, L_)
        x = comp_v[0, pl.ds(off, L_)]
        y = comp_v[1, pl.ds(off, L_)]
        z = comp_v[2, pl.ds(off, L_)]
        tx = comp_v[3, pl.ds(off, L_)]
        ty = comp_v[4, pl.ds(off, L_)]
        tz = comp_v[5, pl.ds(off, L_)]

        xx = x * x
        yy = y * y
        zz = z * z
        u = xx + yy + zz
        a = jnp.full((L_,), _CA[-1], jnp.float32)
        b = jnp.full((L_,), _CB[-1], jnp.float32)
        for k in range(len(_CA) - 2, -1, -1):
            a = a * u + jnp.float32(_CA[k])
            b = b * u + jnp.float32(_CB[k])
        xy = b * (x * y)
        xz = b * (x * z)
        yz = b * (y * z)
        ax = a * x
        ay = a * y
        az = a * z

        cols = (
            ones - b * (yy + zz), xy - az, ay + xz, tx,
            az + xy, ones - b * (xx + zz), yz - ax, ty,
            xz - ay, ax + yz, ones - b * (xx + yy), tz,
            zeros, zeros, zeros, ones,
        )
        for c, v in enumerate(cols):
            plsc.store_scatter(out_v, [rows, jnp.full((L_,), c, jnp.int32)], v)
        return carry

    lax.fori_loop(0, NCHUNK_, chunk, 0)
    pltpu.sync_copy(out_v, out_hbm.at[pl.ds(base, BPW_)])


@jax.jit
def kernel(cam_ids, r, t):
    mesh = plsc.VectorSubcoreMesh(
        core_axis_name="c", subcore_axis_name="s",
        num_cores=NC_, num_subcores=NS_)
    call = pl.kernel(
        _pose_body,
        out_type=jax.ShapeDtypeStruct((B_, 16), jnp.float32),
        mesh=mesh,
        scratch_types=[
            pltpu.VMEM((NIDX_, 128), jnp.int32),
            pltpu.VMEM((NIDX_, 128), jnp.int32),
            pltpu.VMEM((6, BPW_), jnp.float32),
            pltpu.VMEM((BPW_, 16), jnp.float32),
            pltpu.SemaphoreType.DMA,
        ],
        compiler_params=pltpu.CompilerParams(
            needs_layout_passes=False, use_tc_tiling_on_sc=False),
    )
    out = call(cam_ids.astype(jnp.int32),
               r[:, 0], r[:, 1], r[:, 2], t[:, 0], t[:, 1], t[:, 2])
    return out.reshape(B_, 4, 4)

# --- scband reference (transcript-rebuilt; emitter-appended) ---
"""Pipeline reference for scband-pose-net-17437567222123 (READ-ONLY COPY).

The authoritative reference and input builder live on the scoring server;
editing this copy changes nothing except your own understanding.
"""

import jax, jax.numpy as jnp
import numpy as np

NUM_CAMS = 100000
BATCH = 16384


def setup_inputs(seed: int = 0) -> dict:
    key = jax.random.key(seed)
    k1, k2, k3 = jax.random.split(key, 3)
    cam_ids = jax.random.randint(k1, (BATCH,), 0, NUM_CAMS)
    # learned parameters of Pose_Net (pose_mode='3d'):
    # r: axis-angle per camera (init zeros in torch; use small random values
    # to avoid the theta=0 singularity of Rodrigues while staying faithful)
    r = jax.random.normal(k2, (NUM_CAMS, 3), dtype=jnp.float32) * 0.1
    t = jax.random.normal(k3, (NUM_CAMS, 3), dtype=jnp.float32)
    return {"cam_ids": cam_ids, "r": r, "t": t}


def aa_to_rotmat(aa):
    # Rodrigues formula: (B, 3) axis-angle -> (B, 3, 3) rotation matrices
    theta = jnp.linalg.norm(aa, axis=-1, keepdims=True)  # (B, 1)
    eps = 1e-8
    axis = aa / (theta + eps)
    x, y, z = axis[..., 0], axis[..., 1], axis[..., 2]
    zeros = jnp.zeros_like(x)
    K = jnp.stack([zeros, -z, y,
                   z, zeros, -x,
                   -y, x, zeros], axis=-1).reshape(aa.shape[:-1] + (3, 3))
    th = theta[..., None]  # (B, 1, 1)
    I = jnp.eye(3, dtype=aa.dtype)
    R = I + jnp.sin(th) * K + (1.0 - jnp.cos(th)) * (K @ K)
    return R


def reference(cam_ids, r, t):
    # gather per-camera pose parameters (embedding lookup)
    r_sel = jnp.take(r, cam_ids, axis=0)  # (B, 3)
    t_sel = jnp.take(t, cam_ids, axis=0)  # (B, 3)
    R = aa_to_rotmat(r_sel)               # (B, 3, 3)
    c2w = jnp.concatenate([R, t_sel[..., None]], axis=-1)  # (B, 3, 4)
    # convert3x4_4x4: append [0,0,0,1] bottom row
    bottom = jnp.broadcast_to(jnp.array([0.0, 0.0, 0.0, 1.0], dtype=c2w.dtype),
                              (c2w.shape[0], 1, 4))
    c2w = jnp.concatenate([c2w, bottom], axis=1)  # (B, 4, 4)
    # init_c2w is None in this config, so no extra matmul
    return c2w

if __name__ == "__main__":
    import jax
    _d = setup_inputs()
    print(jax.jit(kernel)(*tuple(_d.values())))

</pallas_src>

<mosaic_0001>
#map = affine_map<(d0, d1) -> (0)>
#map1 = affine_map<(d0, d1) -> (0, 0)>
module attributes {stable_mosaic.version = 14 : i64} {
  func.func @_pose_body(%arg0: i32, %arg1: i32, %arg2: memref<16384xi32, #tpu.memory_space<hbm>>, %arg3: memref<100000xf32, #tpu.memory_space<hbm>>, %arg4: memref<100000xf32, #tpu.memory_space<hbm>>, %arg5: memref<100000xf32, #tpu.memory_space<hbm>>, %arg6: memref<100000xf32, #tpu.memory_space<hbm>>, %arg7: memref<100000xf32, #tpu.memory_space<hbm>>, %arg8: memref<100000xf32, #tpu.memory_space<hbm>>, %arg9: memref<16384x16xf32, #tpu.memory_space<hbm>>, %arg10: memref<4x128xi32, #tpu.memory_space<vmem>>, %arg11: memref<4x128xi32, #tpu.memory_space<vmem>>, %arg12: memref<6x512xf32, #tpu.memory_space<vmem>>, %arg13: memref<512x16xf32, #tpu.memory_space<vmem>>, %arg14: memref<!tpu.dma_semaphore, #tpu.memory_space<semaphore_mem>>) attributes {dimension_semantics = [#tpu.dimension_semantics<core_parallel>, #tpu.dimension_semantics<subcore_parallel>], iteration_bounds = array<i64: 2, 16>, scalar_prefetch = 0 : i64, scratch_operands = 5 : i64, tpu.core_type = #tpu.core_type<sc_vector_subcore>, window_params = [{transform_indices = #map}, {transform_indices = #map}, {transform_indices = #map}, {transform_indices = #map}, {transform_indices = #map}, {transform_indices = #map}, {transform_indices = #map}, {transform_indices = #map1}]} {
    %mul3A = arith.constant 2 : i32
    %mul3A_0 = arith.muli %arg1, %mul3A : i32
    %add3A = arith.addi %mul3A_0, %arg0 : i32
    %mul3A_1 = arith.constant 512 : i32
    %mul3A_2 = arith.muli %add3A, %mul3A_1 : i32
    %add3A_3 = arith.constant 0 : i32
    %add3A_4 = arith.addi %mul3A_2, %add3A_3 : i32
    %run_scoped3A = arith.constant 0 : i32
    "tpu.region"() ({
      %run_scoped3A_2058 = tpu.sem_alloc : memref<!tpu.dma_semaphore, #tpu.memory_space<semaphore_mem>>
      %dma_start3A_2059 = arith.constant 0 : i32
      %dma_start3A_2060 = tpu.memref_slice %arg10[%run_scoped3A, %dma_start3A_2059] : memref<4x128xi32, #tpu.memory_space<vmem>> -> memref<1x128xi32, #tpu.memory_space<vmem>>
      %dma_start3A_2061 = tpu.memref_squeeze %dma_start3A_2060 : memref<1x128xi32, #tpu.memory_space<vmem>> -> memref<128xi32, #tpu.memory_space<vmem>>
      %dma_start3A_2062 = tpu.memref_slice %arg2[%add3A_4] : memref<16384xi32, #tpu.memory_space<hbm>> -> memref<128xi32, #tpu.memory_space<hbm>>
      %dma_start3A_2063 = arith.constant 0 : i32
      %dma_start3A_2064 = tpu.memref_slice %arg10[%run_scoped3A, %dma_start3A_2063] : memref<4x128xi32, #tpu.memory_space<vmem>> -> memref<1x128xi32, #tpu.memory_space<vmem>>
      %dma_start3A_2065 = tpu.memref_squeeze %dma_start3A_2064 : memref<1x128xi32, #tpu.memory_space<vmem>> -> memref<128xi32, #tpu.memory_space<vmem>>
      %dma_start3A_2066 = tpu.memref_slice %arg2[%add3A_4] : memref<16384xi32, #tpu.memory_space<hbm>> -> memref<128xi32, #tpu.memory_space<hbm>>
      tpu.enqueue_dma source(%dma_start3A_2066 : memref<128xi32, #tpu.memory_space<hbm>>) target(%dma_start3A_2065 : memref<128xi32, #tpu.memory_space<vmem>>) target_semaphore(%run_scoped3A_2058 : memref<!tpu.dma_semaphore, #tpu.memory_space<semaphore_mem>>)
      %dma_wait3A_2067 = arith.constant 0 : i32
      %dma_wait3A_2068 = tpu.memref_slice %arg10[%run_scoped3A, %dma_wait3A_2067] : memref<4x128xi32, #tpu.memory_space<vmem>> -> memref<1x128xi32, #tpu.memory_space<vmem>>
      %dma_wait3A_2069 = tpu.memref_squeeze %dma_wait3A_2068 : memref<1x128xi32, #tpu.memory_space<vmem>> -> memref<128xi32, #tpu.memory_space<vmem>>
      %dma_wait3A_2070 = tpu.memref_slice %arg2[%add3A_4] : memref<16384xi32, #tpu.memory_space<hbm>> -> memref<128xi32, #tpu.memory_space<hbm>>
      %dma_wait3A_2071 = arith.constant 0 : i32
      %dma_wait3A_2072 = tpu.memref_slice %arg10[%run_scoped3A, %dma_wait3A_2071] : memref<4x128xi32, #tpu.memory_space<vmem>> -> memref<1x128xi32, #tpu.memory_space<vmem>>
      %dma_wait3A_2073 = tpu.memref_squeeze %dma_wait3A_2072 : memref<1x128xi32, #tpu.memory_space<vmem>> -> memref<128xi32, #tpu.memory_space<vmem>>
      %dma_wait3A_2074 = tpu.memref_slice %arg2[%add3A_4] : memref<16384xi32, #tpu.memory_space<hbm>> -> memref<128xi32, #tpu.memory_space<hbm>>
      tpu.wait_dma2 semaphore(%run_scoped3A_2058 : memref<!tpu.dma_semaphore, #tpu.memory_space<semaphore_mem>>) src(%dma_wait3A_2074 : memref<128xi32, #tpu.memory_space<hbm>>) dst(%dma_wait3A_2073 : memref<128xi32, #tpu.memory_space<vmem>>)
      tpu.yield
    }) : () -> ()
    %add3A_5 = arith.constant 128 : i32
    %add3A_6 = arith.addi %mul3A_2, %add3A_5 : i32
    %run_scoped3A_7 = arith.constant 1 : i32
    "tpu.region"() ({
      %run_scoped3A_2058 = tpu.sem_alloc : memref<!tpu.dma_semaphore, #tpu.memory_space<semaphore_mem>>
      %dma_start3A_2059 = arith.constant 0 : i32
      %dma_start3A_2060 = tpu.memref_slice %arg10[%run_scoped3A_7, %dma_start3A_2059] : memref<4x128xi32, #tpu.memory_space<vmem>> -> memref<1x128xi32, #tpu.memory_space<vmem>>
      %dma_start3A_2061 = tpu.memref_squeeze %dma_start3A_2060 : memref<1x128xi32, #tpu.memory_space<vmem>> -> memref<128xi32, #tpu.memory_space<vmem>>
      %dma_start3A_2062 = tpu.memref_slice %arg2[%add3A_6] : memref<16384xi32, #tpu.memory_space<hbm>> -> memref<128xi32, #tpu.memory_space<hbm>>
      %dma_start3A_2063 = arith.constant 0 : i32
      %dma_start3A_2064 = tpu.memref_slice %arg10[%run_scoped3A_7, %dma_start3A_2063] : memref<4x128xi32, #tpu.memory_space<vmem>> -> memref<1x128xi32, #tpu.memory_space<vmem>>
      %dma_start3A_2065 = tpu.memref_squeeze %dma_start3A_2064 : memref<1x128xi32, #tpu.memory_space<vmem>> -> memref<128xi32, #tpu.memory_space<vmem>>
      %dma_start3A_2066 = tpu.memref_slice %arg2[%add3A_6] : memref<16384xi32, #tpu.memory_space<hbm>> -> memref<128xi32, #tpu.memory_space<hbm>>
      tpu.enqueue_dma source(%dma_start3A_2066 : memref<128xi32, #tpu.memory_space<hbm>>) target(%dma_start3A_2065 : memref<128xi32, #tpu.memory_space<vmem>>) target_semaphore(%run_scoped3A_2058 : memref<!tpu.dma_semaphore, #tpu.memory_space<semaphore_mem>>)
      %dma_wait3A_2067 = arith.constant 0 : i32
      %dma_wait3A_2068 = tpu.memref_slice %arg10[%run_scoped3A_7, %dma_wait3A_2067] : memref<4x128xi32, #tpu.memory_space<vmem>> -> memref<1x128xi32, #tpu.memory_space<vmem>>
      %dma_wait3A_2069 = tpu.memref_squeeze %dma_wait3A_2068 : memref<1x128xi32, #tpu.memory_space<vmem>> -> memref<128xi32, #tpu.memory_space<vmem>>
      %dma_wait3A_2070 = tpu.memref_slice %arg2[%add3A_6] : memref<16384xi32, #tpu.memory_space<hbm>> -> memref<128xi32, #tpu.memory_space<hbm>>
      %dma_wait3A_2071 = arith.constant 0 : i32
      %dma_wait3A_2072 = tpu.memref_slice %arg10[%run_scoped3A_7, %dma_wait3A_2071] : memref<4x128xi32, #tpu.memory_space<vmem>> -> memref<1x128xi32, #tpu.memory_space<vmem>>
      %dma_wait3A_2073 = tpu.memref_squeeze %dma_wait3A_2072 : memref<1x128xi32, #tpu.memory_space<vmem>> -> memref<128xi32, #tpu.memory_space<vmem>>
      %dma_wait3A_2074 = tpu.memref_slice %arg2[%add3A_6] : memref<16384xi32, #tpu.memory_space<hbm>> -> memref<128xi32, #tpu.memory_space<hbm>>
      tpu.wait_dma2 semaphore(%run_scoped3A_2058 : memref<!tpu.dma_semaphore, #tpu.memory_space<semaphore_mem>>) src(%dma_wait3A_2074 : memref<128xi32, #tpu.memory_space<hbm>>) dst(%dma_wait3A_2073 : memref<128xi32, #tpu.memory_space<vmem>>)
      tpu.yield
    }) : () -> ()
    %add3A_8 = arith.constant 256 : i32
    %add3A_9 = arith.addi %mul3A_2, %add3A_8 : i32
    %run_scoped3A_10 = arith.constant 2 : i32
    "tpu.region"() ({
      %run_scoped3A_2058 = tpu.sem_alloc : memref<!tpu.dma_semaphore, #tpu.memory_space<semaphore_mem>>
      %dma_start3A_2059 = arith.constant 0 : i32
      %dma_start3A_2060 = tpu.memref_slice %arg10[%run_scoped3A_10, %dma_start3A_2059] : memref<4x128xi32, #tpu.memory_space<vmem>> -> memref<1x128xi32, #tpu.memory_space<vmem>>
      %dma_start3A_2061 = tpu.memref_squeeze %dma_start3A_2060 : memref<1x128xi32, #tpu.memory_space<vmem>> -> memref<128xi32, #tpu.memory_space<vmem>>
      %dma_start3A_2062 = tpu.memref_slice %arg2[%add3A_9] : memref<16384xi32, #tpu.memory_space<hbm>> -> memref<128xi32, #tpu.memory_space<hbm>>
      %dma_start3A_2063 = arith.constant 0 : i32
      %dma_start3A_2064 = tpu.memref_slice %arg10[%run_scoped3A_10, %dma_start3A_2063] : memref<4x128xi32, #tpu.memory_space<vmem>> -> memref<1x128xi32, #tpu.memory_space<vmem>>
      %dma_start3A_2065 = tpu.memref_squeeze %dma_start3A_2064 : memref<1x128xi32, #tpu.memory_space<vmem>> -> memref<128xi32, #tpu.memory_space<vmem>>
      %dma_start3A_2066 = tpu.memref_slice %arg2[%add3A_9] : memref<16384xi32, #tpu.memory_space<hbm>> -> memref<128xi32, #tpu.memory_space<hbm>>
      tpu.enqueue_dma source(%dma_start3A_2066 : memref<128xi32, #tpu.memory_space<hbm>>) target(%dma_start3A_2065 : memref<128xi32, #tpu.memory_space<vmem>>) target_semaphore(%run_scoped3A_2058 : memref<!tpu.dma_semaphore, #tpu.memory_space<semaphore_mem>>)
      %dma_wait3A_2067 = arith.constant 0 : i32
      %dma_wait3A_2068 = tpu.memref_slice %arg10[%run_scoped3A_10, %dma_wait3A_2067] : memref<4x128xi32, #tpu.memory_space<vmem>> -> memref<1x128xi32, #tpu.memory_space<vmem>>
      %dma_wait3A_2069 = tpu.memref_squeeze %dma_wait3A_2068 : memref<1x128xi32, #tpu.memory_space<vmem>> -> memref<128xi32, #tpu.memory_space<vmem>>
      %dma_wait3A_2070 = tpu.memref_slice %arg2[%add3A_9] : memref<16384xi32, #tpu.memory_space<hbm>> -> memref<128xi32, #tpu.memory_space<hbm>>
      %dma_wait3A_2071 = arith.constant 0 : i32
      %dma_wait3A_2072 = tpu.memref_slice %arg10[%run_scoped3A_10, %dma_wait3A_2071] : memref<4x128xi32, #tpu.memory_space<vmem>> -> memref<1x128xi32, #tpu.memory_space<vmem>>
      %dma_wait3A_2073 = tpu.memref_squeeze %dma_wait3A_2072 : memref<1x128xi32, #tpu.memory_space<vmem>> -> memref<128xi32, #tpu.memory_space<vmem>>
      %dma_wait3A_2074 = tpu.memref_slice %arg2[%add3A_9] : memref<16384xi32, #tpu.memory_space<hbm>> -> memref<128xi32, #tpu.memory_space<hbm>>
      tpu.wait_dma2 semaphore(%run_scoped3A_2058 : memref<!tpu.dma_semaphore, #tpu.memory_space<semaphore_mem>>) src(%dma_wait3A_2074 : memref<128xi32, #tpu.memory_space<hbm>>) dst(%dma_wait3A_2073 : memref<128xi32, #tpu.memory_space<vmem>>)
      tpu.yield
    }) : () -> ()
    %add3A_11 = arith.constant 384 : i32
    %add3A_12 = arith.addi %mul3A_2, %add3A_11 : i32
    %run_scoped3A_13 = arith.constant 3 : i32
    "tpu.region"() ({
      %run_scoped3A_2058 = tpu.sem_alloc : memref<!tpu.dma_semaphore, #tpu.memory_space<semaphore_mem>>
      %dma_start3A_2059 = arith.constant 0 : i32
      %dma_start3A_2060 = tpu.memref_slice %arg10[%run_scoped3A_13, %dma_start3A_2059] : memref<4x128xi32, #tpu.memory_space<vmem>> -> memref<1x128xi32, #tpu.memory_space<vmem>>
      %dma_start3A_2061 = tpu.memref_squeeze %dma_start3A_2060 : memref<1x128xi32, #tpu.memory_space<vmem>> -> memref<128xi32, #tpu.memory_space<vmem>>
      %dma_start3A_2062 = tpu.memref_slice %arg2[%add3A_12] : memref<16384xi32, #tpu.memory_space<hbm>> -> memref<128xi32, #tpu.memory_space<hbm>>
      %dma_start3A_2063 = arith.constant 0 : i32
      %dma_start3A_2064 = tpu.memref_slice %arg10[%run_scoped3A_13, %dma_start3A_2063] : memref<4x128xi32, #tpu.memory_space<vmem>> -> memref<1x128xi32, #tpu.memory_space<vmem>>
      %dma_start3A_2065 = tpu.memref_squeeze %dma_start3A_2064 : memref<1x128xi32, #tpu.memory_space<vmem>> -> memref<128xi32, #tpu.memory_space<vmem>>
      %dma_start3A_2066 = tpu.memref_slice %arg2[%add3A_12] : memref<16384xi32, #tpu.memory_space<hbm>> -> memref<128xi32, #tpu.memory_space<hbm>>
      tpu.enqueue_dma source(%dma_start3A_2066 : memref<128xi32, #tpu.memory_space<hbm>>) target(%dma_start3A_2065 : memref<128xi32, #tpu.memory_space<vmem>>) target_semaphore(%run_scoped3A_2058 : memref<!tpu.dma_semaphore, #tpu.memory_space<semaphore_mem>>)
      %dma_wait3A_2067 = arith.constant 0 : i32
      %dma_wait3A_2068 = tpu.memref_slice %arg10[%run_scoped3A_13, %dma_wait3A_2067] : memref<4x128xi32, #tpu.memory_space<vmem>> -> memref<1x128xi32, #tpu.memory_space<vmem>>
      %dma_wait3A_2069 = tpu.memref_squeeze %dma_wait3A_2068 : memref<1x128xi32, #tpu.memory_space<vmem>> -> memref<128xi32, #tpu.memory_space<vmem>>
      %dma_wait3A_2070 = tpu.memref_slice %arg2[%add3A_12] : memref<16384xi32, #tpu.memory_space<hbm>> -> memref<128xi32, #tpu.memory_space<hbm>>
      %dma_wait3A_2071 = arith.constant 0 : i32
      %dma_wait3A_2072 = tpu.memref_slice %arg10[%run_scoped3A_13, %dma_wait3A_2071] : memref<4x128xi32, #tpu.memory_space<vmem>> -> memref<1x128xi32, #tpu.memory_space<vmem>>
      %dma_wait3A_2073 = tpu.memref_squeeze %dma_wait3A_2072 : memref<1x128xi32, #tpu.memory_space<vmem>> -> memref<128xi32, #tpu.memory_space<vmem>>
      %dma_wait3A_2074 = tpu.memref_slice %arg2[%add3A_12] : memref<16384xi32, #tpu.memory_space<hbm>> -> memref<128xi32, #tpu.memory_space<hbm>>
      tpu.wait_dma2 semaphore(%run_scoped3A_2058 : memref<!tpu.dma_semaphore, #tpu.memory_space<semaphore_mem>>) src(%dma_wait3A_2074 : memref<128xi32, #tpu.memory_space<hbm>>) dst(%dma_wait3A_2073 : memref<128xi32, #tpu.memory_space<vmem>>)
      tpu.yield
    }) : () -> ()
    %scan3A = arith.constant 0 : i32
    %scan3A_14 = arith.constant 0 : i32
    %jit3A = arith.constant 8 : i32
    %div3A = arith.divsi %scan3A_14, %jit3A : i32
    %sign3A = arith.constant 0 : i32
    %sign3A_15 = arith.cmpi sgt, %scan3A_14, %sign3A : i32
    %sign3A_16 = arith.extui %sign3A_15 : i1 to i32
    %sign3A_17 = arith.constant 0 : i32
    %sign3A_18 = arith.cmpi slt, %scan3A_14, %sign3A_17 : i32
    %sign3A_19 = arith.extui %sign3A_18 : i1 to i32
    %sign3A_20 = arith.subi %sign3A_16, %sign3A_19 : i32
    %sign3A_21 = arith.constant 0 : i32
    %sign3A_22 = arith.cmpi sgt, %jit3A, %sign3A_21 : i32
    %sign3A_23 = arith.extui %sign3A_22 : i1 to i32
    %sign3A_24 = arith.constant 0 : i32
    %sign3A_25 = arith.cmpi slt, %jit3A, %sign3A_24 : i32
    %sign3A_26 = arith.extui %sign3A_25 : i1 to i32
    %sign3A_27 = arith.subi %sign3A_23, %sign3A_26 : i32
    %ne3A = arith.cmpi ne, %sign3A_20, %sign3A_27 : i32
    %rem3A = arith.remsi %scan3A_14, %jit3A : i32
    %ne3A_28 = arith.constant 0 : i32
    %ne3A_29 = arith.cmpi ne, %rem3A, %ne3A_28 : i32
    %and3A = arith.andi %ne3A, %ne3A_29 : i1
    %sub3A = arith.constant 1 : i32
    %sub3A_30 = arith.subi %div3A, %sub3A : i32
    %select_n3A = arith.select %and3A, %sub3A_30, %div3A : i32
    %jit3A_31 = arith.constant 8 : i32
    %eq3A = arith.constant 0 : i32
    %eq3A_32 = arith.cmpi eq, %jit3A_31, %eq3A : i32
    %jit3A_33 = arith.constant 1 : i32
    %select_n3A_34 = arith.select %eq3A_32, %jit3A_33, %jit3A_31 : i32
    %rem3A_35 = arith.remsi %scan3A_14, %select_n3A_34 : i32
    %ne3A_36 = arith.constant 0 : i32
    %ne3A_37 = arith.cmpi ne, %rem3A_35, %ne3A_36 : i32
    %lt3A = arith.constant 0 : i32
    %lt3A_38 = arith.cmpi slt, %rem3A_35, %lt3A : i32
    %lt3A_39 = arith.constant 0 : i32
    %lt3A_40 = arith.cmpi slt, %select_n3A_34, %lt3A_39 : i32
    %ne3A_41 = arith.xori %lt3A_38, %lt3A_40 : i1
    %and3A_42 = arith.andi %ne3A_41, %ne3A_37 : i1
    %add3A_43 = arith.addi %rem3A_35, %select_n3A_34 : i32
    %select_n3A_44 = arith.select %and3A_42, %add3A_43, %rem3A_35 : i32
    %mul3A_45 = arith.constant 16 : i32
    %mul3A_46 = arith.muli %select_n3A_44, %mul3A_45 : i32
    %get3A = arith.index_cast %select_n3A : i32 to index
    %get3A_47 = arith.index_cast %mul3A_46 : i32 to index
    %get3A_48 = tpu.vector_load %arg10[%get3A, %get3A_47] {strides = array<i32>} : memref<4x128xi32, #tpu.memory_space<vmem>>, vector<16xi32>,
    %swap3A = arith.index_cast %select_n3A : i32 to index
    %swap3A_49 = arith.index_cast %mul3A_46 : i32 to index
    %swap3A_50 = tpu.vector_load %arg11[%swap3A, %swap3A_49] {strides = array<i32>} : memref<4x128xi32, #tpu.memory_space<vmem>>, vector<16xi32>,
    tpu.vector_store %arg11[%swap3A, %swap3A_49], %get3A_48 {strides = array<i32>} : memref<4x128xi32, #tpu.memory_space<vmem>>, vector<16xi32>,
    %scan3A_51 = arith.constant 1 : i32
    %jit3A_52 = arith.constant 8 : i32
    %div3A_53 = arith.divsi %scan3A_51, %jit3A_52 : i32
    %sign3A_54 = arith.constant 0 : i32
    %sign3A_55 = arith.cmpi sgt, %scan3A_51, %sign3A_54 : i32
    %sign3A_56 = arith.extui %sign3A_55 : i1 to i32
    %sign3A_57 = arith.constant 0 : i32
    %sign3A_58 = arith.cmpi slt, %scan3A_51, %sign3A_57 : i32
    %sign3A_59 = arith.extui %sign3A_58 : i1 to i32
    %sign3A_60 = arith.subi %sign3A_56, %sign3A_59 : i32
    %sign3A_61 = arith.constant 0 : i32
    %sign3A_62 = arith.cmpi sgt, %jit3A_52, %sign3A_61 : i32
    %sign3A_63 = arith.extui %sign3A_62 : i1 to i32
    %sign3A_64 = arith.constant 0 : i32
    %sign3A_65 = arith.cmpi slt, %jit3A_52, %sign3A_64 : i32
    %sign3A_66 = arith.extui %sign3A_65 : i1 to i32
    %sign3A_67 = arith.subi %sign3A_63, %sign3A_66 : i32
    %ne3A_68 = arith.cmpi ne, %sign3A_60, %sign3A_67 : i32
    %rem3A_69 = arith.remsi %scan3A_51, %jit3A_52 : i32
    %ne3A_70 = arith.constant 0 : i32
    %ne3A_71 = arith.cmpi ne, %rem3A_69, %ne3A_70 : i32
    %and3A_72 = arith.andi %ne3A_68, %ne3A_71 : i1
    %sub3A_73 = arith.constant 1 : i32
    %sub3A_74 = arith.subi %div3A_53, %sub3A_73 : i32
    %select_n3A_75 = arith.select %and3A_72, %sub3A_74, %div3A_53 : i32
    %jit3A_76 = arith.constant 8 : i32
    %eq3A_77 = arith.constant 0 : i32
    %eq3A_78 = arith.cmpi eq, %jit3A_76, %eq3A_77 : i32
    %jit3A_79 = arith.constant 1 : i32
    %select_n3A_80 = arith.select %eq3A_78, %jit3A_79, %jit3A_76 : i32
    %rem3A_81 = arith.remsi %scan3A_51, %select_n3A_80 : i32
    %ne3A_82 = arith.constant 0 : i32
    %ne3A_83 = arith.cmpi ne, %rem3A_81, %ne3A_82 : i32
    %lt3A_84 = arith.constant 0 : i32
    %lt3A_85 = arith.cmpi slt, %rem3A_81, %lt3A_84 : i32
    %lt3A_86 = arith.constant 0 : i32
    %lt3A_87 = arith.cmpi slt, %select_n3A_80, %lt3A_86 : i32
    %ne3A_88 = arith.xori %lt3A_85, %lt3A_87 : i1
    %and3A_89 = arith.andi %ne3A_88, %ne3A_83 : i1
    %add3A_90 = arith.addi %rem3A_81, %select_n3A_80 : i32
    %select_n3A_91 = arith.select %and3A_89, %add3A_90, %rem3A_81 : i32
    %mul3A_92 = arith.constant 16 : i32
    %mul3A_93 = arith.muli %select_n3A_91, %mul3A_92 : i32
    %get3A_94 = arith.index_cast %select_n3A_75 : i32 to index
    %get3A_95 = arith.index_cast %mul3A_93 : i32 to index
    %get3A_96 = tpu.vector_load %arg10[%get3A_94, %get3A_95] {strides = array<i32>} : memref<4x128xi32, #tpu.memory_space<vmem>>, vector<16xi32>,
    %swap3A_97 = arith.index_cast %select_n3A_75 : i32 to index
    %swap3A_98 = arith.index_cast %mul3A_93 : i32 to index
    %swap3A_99 = tpu.vector_load %arg11[%swap3A_97, %swap3A_98] {strides = array<i32>} : memref<4x128xi32, #tpu.memory_space<vmem>>, vector<16xi32>,
    tpu.vector_store %arg11[%swap3A_97, %swap3A_98], %get3A_96 {strides = array<i32>} : memref<4x128xi32, #tpu.memory_space<vmem>>, vector<16xi32>,
    %scan3A_100 = arith.constant 2 : i32
    %jit3A_101 = arith.constant 8 : i32
    %div3A_102 = arith.divsi %scan3A_100, %jit3A_101 : i32
    %sign3A_103 = arith.constant 0 : i32
    %sign3A_104 = arith.cmpi sgt, %scan3A_100, %sign3A_103 : i32
    %sign3A_105 = arith.extui %sign3A_104 : i1 to i32
    %sign3A_106 = arith.constant 0 : i32
    %sign3A_107 = arith.cmpi slt, %scan3A_100, %sign3A_106 : i32
    %sign3A_108 = arith.extui %sign3A_107 : i1 to i32
    %sign3A_109 = arith.subi %sign3A_105, %sign3A_108 : i32
    %sign3A_110 = arith.constant 0 : i32
    %sign3A_111 = arith.cmpi sgt, %jit3A_101, %sign3A_110 : i32
    %sign3A_112 = arith.extui %sign3A_111 : i1 to i32
    %sign3A_113 = arith.constant 0 : i32
    %sign3A_114 = arith.cmpi slt, %jit3A_101, %sign3A_113 : i32
    %sign3A_115 = arith.extui %sign3A_114 : i1 to i32
    %sign3A_116 = arith.subi %sign3A_112, %sign3A_115 : i32
    %ne3A_117 = arith.cmpi ne, %sign3A_109, %sign3A_116 : i32
    %rem3A_118 = arith.remsi %scan3A_100, %jit3A_101 : i32
    %ne3A_119 = arith.constant 0 : i32
    %ne3A_120 = arith.cmpi ne, %rem3A_118, %ne3A_119 : i32
    %and3A_121 = arith.andi %ne3A_117, %ne3A_120 : i1
    %sub3A_122 = arith.constant 1 : i32
    %sub3A_123 = arith.subi %div3A_102, %sub3A_122 : i32
    %select_n3A_124 = arith.select %and3A_121, %sub3A_123, %div3A_102 : i32
    %jit3A_125 = arith.constant 8 : i32
    %eq3A_126 = arith.constant 0 : i32
    %eq3A_127 = arith.cmpi eq, %jit3A_125, %eq3A_126 : i32
    %jit3A_128 = arith.constant 1 : i32
    %select_n3A_129 = arith.select %eq3A_127, %jit3A_128, %jit3A_125 : i32
    %rem3A_130 = arith.remsi %scan3A_100, %select_n3A_129 : i32
    %ne3A_131 = arith.constant 0 : i32
    %ne3A_132 = arith.cmpi ne, %rem3A_130, %ne3A_131 : i32
    %lt3A_133 = arith.constant 0 : i32
    %lt3A_134 = arith.cmpi slt, %rem3A_130, %lt3A_133 : i32
    %lt3A_135 = arith.constant 0 : i32
    %lt3A_136 = arith.cmpi slt, %select_n3A_129, %lt3A_135 : i32
    %ne3A_137 = arith.xori %lt3A_134, %lt3A_136 : i1
    %and3A_138 = arith.andi %ne3A_137, %ne3A_132 : i1
    %add3A_139 = arith.addi %rem3A_130, %select_n3A_129 : i32
    %select_n3A_140 = arith.select %and3A_138, %add3A_139, %rem3A_130 : i32
    %mul3A_141 = arith.constant 16 : i32
    %mul3A_142 = arith.muli %select_n3A_140, %mul3A_141 : i32
    %get3A_143 = arith.index_cast %select_n3A_124 : i32 to index
    %get3A_144 = arith.index_cast %mul3A_142 : i32 to index
    %get3A_145 = tpu.vector_load %arg10[%get3A_143, %get3A_144] {strides = array<i32>} : memref<4x128xi32, #tpu.memory_space<vmem>>, vector<16xi32>,
    %swap3A_146 = arith.index_cast %select_n3A_124 : i32 to index
    %swap3A_147 = arith.index_cast %mul3A_142 : i32 to index
    %swap3A_148 = tpu.vector_load %arg11[%swap3A_146, %swap3A_147] {strides = array<i32>} : memref<4x128xi32, #tpu.memory_space<vmem>>, vector<16xi32>,
    tpu.vector_store %arg11[%swap3A_146, %swap3A_147], %get3A_145 {strides = array<i32>} : memref<4x128xi32, #tpu.memory_space<vmem>>, vector<16xi32>,
    %scan3A_149 = arith.constant 3 : i32
    %jit3A_150 = arith.constant 8 : i32
    %div3A_151 = arith.divsi %scan3A_149, %jit3A_150 : i32
    %sign3A_152 = arith.constant 0 : i32
    %sign3A_153 = arith.cmpi sgt, %scan3A_149, %sign3A_152 : i32
    %sign3A_154 = arith.extui %sign3A_153 : i1 to i32
    %sign3A_155 = arith.constant 0 : i32
    %sign3A_156 = arith.cmpi slt, %scan3A_149, %sign3A_155 : i32
    %sign3A_157 = arith.extui %sign3A_156 : i1 to i32
    %sign3A_158 = arith.subi %sign3A_154, %sign3A_157 : i32
    %sign3A_159 = arith.constant 0 : i32
    %sign3A_160 = arith.cmpi sgt, %jit3A_150, %sign3A_159 : i32
    %sign3A_161 = arith.extui %sign3A_160 : i1 to i32
    %sign3A_162 = arith.constant 0 : i32
    %sign3A_163 = arith.cmpi slt, %jit3A_150, %sign3A_162 : i32
    %sign3A_164 = arith.extui %sign3A_163 : i1 to i32
    %sign3A_165 = arith.subi %sign3A_161, %sign3A_164 : i32
    %ne3A_166 = arith.cmpi ne, %sign3A_158, %sign3A_165 : i32
    %rem3A_167 = arith.remsi %scan3A_149, %jit3A_150 : i32
    %ne3A_168 = arith.constant 0 : i32
    %ne3A_169 = arith.cmpi ne, %rem3A_167, %ne3A_168 : i32
    %and3A_170 = arith.andi %ne3A_166, %ne3A_169 : i1
    %sub3A_171 = arith.constant 1 : i32
    %sub3A_172 = arith.subi %div3A_151, %sub3A_171 : i32
    %select_n3A_173 = arith.select %and3A_170, %sub3A_172, %div3A_151 : i32
    %jit3A_174 = arith.constant 8 : i32
    %eq3A_175 = arith.constant 0 : i32
    %eq3A_176 = arith.cmpi eq, %jit3A_174, %eq3A_175 : i32
    %jit3A_177 = arith.constant 1 : i32
    %select_n3A_178 = arith.select %eq3A_176, %jit3A_177, %jit3A_174 : i32
    %rem3A_179 = arith.remsi %scan3A_149, %select_n3A_178 : i32
    %ne3A_180 = arith.constant 0 : i32
    %ne3A_181 = arith.cmpi ne, %rem3A_179, %ne3A_180 : i32
    %lt3A_182 = arith.constant 0 : i32
    %lt3A_183 = arith.cmpi slt, %rem3A_179, %lt3A_182 : i32
    %lt3A_184 = arith.constant 0 : i32
    %lt3A_185 = arith.cmpi slt, %select_n3A_178, %lt3A_184 : i32
    %ne3A_186 = arith.xori %lt3A_183, %lt3A_185 : i1
    %and3A_187 = arith.andi %ne3A_186, %ne3A_181 : i1
    %add3A_188 = arith.addi %rem3A_179, %select_n3A_178 : i32
    %select_n3A_189 = arith.select %and3A_187, %add3A_188, %rem3A_179 : i32
    %mul3A_190 = arith.constant 16 : i32
    %mul3A_191 = arith.muli %select_n3A_189, %mul3A_190 : i32
    %get3A_192 = arith.index_cast %select_n3A_173 : i32 to index
    %get3A_193 = arith.index_cast %mul3A_191 : i32 to index
    %get3A_194 = tpu.vector_load %arg10[%get3A_192, %get3A_193] {strides = array<i32>} : memref<4x128xi32, #tpu.memory_space<vmem>>, vector<16xi32>,
    %swap3A_195 = arith.index_cast %select_n3A_173 : i32 to index
    %swap3A_196 = arith.index_cast %mul3A_191 : i32 to index
    %swap3A_197 = tpu.vector_load %arg11[%swap3A_195, %swap3A_196] {strides = array<i32>} : memref<4x128xi32, #tpu.memory_space<vmem>>, vector<16xi32>,
    tpu.vector_store %arg11[%swap3A_195, %swap3A_196], %get3A_194 {strides = array<i32>} : memref<4x128xi32, #tpu.memory_space<vmem>>, vector<16xi32>,
    %scan3A_198 = arith.constant 4 : i32
    %jit3A_199 = arith.constant 8 : i32
    %div3A_200 = arith.divsi %scan3A_198, %jit3A_199 : i32
    %sign3A_201 = arith.constant 0 : i32
    %sign3A_202 = arith.cmpi sgt, %scan3A_198, %sign3A_201 : i32
    %sign3A_203 = arith.extui %sign3A_202 : i1 to i32
    %sign3A_204 = arith.constant 0 : i32
    %sign3A_205 = arith.cmpi slt, %scan3A_198, %sign3A_204 : i32
    %sign3A_206 = arith.extui %sign3A_205 : i1 to i32
    %sign3A_207 = arith.subi %sign3A_203, %sign3A_206 : i32
    %sign3A_208 = arith.constant 0 : i32
    %sign3A_209 = arith.cmpi sgt, %jit3A_199, %sign3A_208 : i32
    %sign3A_210 = arith.extui %sign3A_209 : i1 to i32
    %sign3A_211 = arith.constant 0 : i32
    %sign3A_212 = arith.cmpi slt, %jit3A_199, %sign3A_211 : i32
    %sign3A_213 = arith.extui %sign3A_212 : i1 to i32
    %sign3A_214 = arith.subi %sign3A_210, %sign3A_213 : i32
    %ne3A_215 = arith.cmpi ne, %sign3A_207, %sign3A_214 : i32
    %rem3A_216 = arith.remsi %scan3A_198, %jit3A_199 : i32
    %ne3A_217 = arith.constant 0 : i32
    %ne3A_218 = arith.cmpi ne, %rem3A_216, %ne3A_217 : i32
    %and3A_219 = arith.andi %ne3A_215, %ne3A_218 : i1
    %sub3A_220 = arith.constant 1 : i32
    %sub3A_221 = arith.subi %div3A_200, %sub3A_220 : i32
    %select_n3A_222 = arith.select %and3A_219, %sub3A_221, %div3A_200 : i32
    %jit3A_223 = arith.constant 8 : i32
    %eq3A_224 = arith.constant 0 : i32
    %eq3A_225 = arith.cmpi eq, %jit3A_223, %eq3A_224 : i32
    %jit3A_226 = arith.constant 1 : i32
    %select_n3A_227 = arith.select %eq3A_225, %jit3A_226, %jit3A_223 : i32
    %rem3A_228 = arith.remsi %scan3A_198, %select_n3A_227 : i32
    %ne3A_229 = arith.constant 0 : i32
    %ne3A_230 = arith.cmpi ne, %rem3A_228, %ne3A_229 : i32
    %lt3A_231 = arith.constant 0 : i32
    %lt3A_232 = arith.cmpi slt, %rem3A_228, %lt3A_231 : i32
    %lt3A_233 = arith.constant 0 : i32
    %lt3A_234 = arith.cmpi slt, %select_n3A_227, %lt3A_233 : i32
    %ne3A_235 = arith.xori %lt3A_232, %lt3A_234 : i1
    %and3A_236 = arith.andi %ne3A_235, %ne3A_230 : i1
    %add3A_237 = arith.addi %rem3A_228, %select_n3A_227 : i32
    %select_n3A_238 = arith.select %and3A_236, %add3A_237, %rem3A_228 : i32
    %mul3A_239 = arith.constant 16 : i32
    %mul3A_240 = arith.muli %select_n3A_238, %mul3A_239 : i32
    %get3A_241 = arith.index_cast %select_n3A_222 : i32 to index
    %get3A_242 = arith.index_cast %mul3A_240 : i32 to index
    %get3A_243 = tpu.vector_load %arg10[%get3A_241, %get3A_242] {strides = array<i32>} : memref<4x128xi32, #tpu.memory_space<vmem>>, vector<16xi32>,
    %swap3A_244 = arith.index_cast %select_n3A_222 : i32 to index
    %swap3A_245 = arith.index_cast %mul3A_240 : i32 to index
    %swap3A_246 = tpu.vector_load %arg11[%swap3A_244, %swap3A_245] {strides = array<i32>} : memref<4x128xi32, #tpu.memory_space<vmem>>, vector<16xi32>,
    tpu.vector_store %arg11[%swap3A_244, %swap3A_245], %get3A_243 {strides = array<i32>} : memref<4x128xi32, #tpu.memory_space<vmem>>, vector<16xi32>,
    %scan3A_247 = arith.constant 5 : i32
    %jit3A_248 = arith.constant 8 : i32
    %div3A_249 = arith.divsi %scan3A_247, %jit3A_248 : i32
    %sign3A_250 = arith.constant 0 : i32
    %sign3A_251 = arith.cmpi sgt, %scan3A_247, %sign3A_250 : i32
    %sign3A_252 = arith.extui %sign3A_251 : i1 to i32
    %sign3A_253 = arith.constant 0 : i32
    %sign3A_254 = arith.cmpi slt, %scan3A_247, %sign3A_253 : i32
    %sign3A_255 = arith.extui %sign3A_254 : i1 to i32
    %sign3A_256 = arith.subi %sign3A_252, %sign3A_255 : i32
    %sign3A_257 = arith.constant 0 : i32
    %sign3A_258 = arith.cmpi sgt, %jit3A_248, %sign3A_257 : i32
    %sign3A_259 = arith.extui %sign3A_258 : i1 to i32
    %sign3A_260 = arith.constant 0 : i32
    %sign3A_261 = arith.cmpi slt, %jit3A_248, %sign3A_260 : i32
    %sign3A_262 = arith.extui %sign3A_261 : i1 to i32
    %sign3A_263 = arith.subi %sign3A_259, %sign3A_262 : i32
    %ne3A_264 = arith.cmpi ne, %sign3A_256, %sign3A_263 : i32
    %rem3A_265 = arith.remsi %scan3A_247, %jit3A_248 : i32
    %ne3A_266 = arith.constant 0 : i32
    %ne3A_267 = arith.cmpi ne, %rem3A_265, %ne3A_266 : i32
    %and3A_268 = arith.andi %ne3A_264, %ne3A_267 : i1
    %sub3A_269 = arith.constant 1 : i32
    %sub3A_270 = arith.subi %div3A_249, %sub3A_269 : i32
    %select_n3A_271 = arith.select %and3A_268, %sub3A_270, %div3A_249 : i32
    %jit3A_272 = arith.constant 8 : i32
    %eq3A_273 = arith.constant 0 : i32
    %eq3A_274 = arith.cmpi eq, %jit3A_272, %eq3A_273 : i32
    %jit3A_275 = arith.constant 1 : i32
    %select_n3A_276 = arith.select %eq3A_274, %jit3A_275, %jit3A_272 : i32
    %rem3A_277 = arith.remsi %scan3A_247, %select_n3A_276 : i32
    %ne3A_278 = arith.constant 0 : i32
    %ne3A_279 = arith.cmpi ne, %rem3A_277, %ne3A_278 : i32
    %lt3A_280 = arith.constant 0 : i32
    %lt3A_281 = arith.cmpi slt, %rem3A_277, %lt3A_280 : i32
    %lt3A_282 = arith.constant 0 : i32
    %lt3A_283 = arith.cmpi slt, %select_n3A_276, %lt3A_282 : i32
    %ne3A_284 = arith.xori %lt3A_281, %lt3A_283 : i1
    %and3A_285 = arith.andi %ne3A_284, %ne3A_279 : i1
    %add3A_286 = arith.addi %rem3A_277, %select_n3A_276 : i32
    %select_n3A_287 = arith.select %and3A_285, %add3A_286, %rem3A_277 : i32
    %mul3A_288 = arith.constant 16 : i32
    %mul3A_289 = arith.muli %select_n3A_287, %mul3A_288 : i32
    %get3A_290 = arith.index_cast %select_n3A_271 : i32 to index
    %get3A_291 = arith.index_cast %mul3A_289 : i32 to index
    %get3A_292 = tpu.vector_load %arg10[%get3A_290, %get3A_291] {strides = array<i32>} : memref<4x128xi32, #tpu.memory_space<vmem>>, vector<16xi32>,
    %swap3A_293 = arith.index_cast %select_n3A_271 : i32 to index
    %swap3A_294 = arith.index_cast %mul3A_289 : i32 to index
    %swap3A_295 = tpu.vector_load %arg11[%swap3A_293, %swap3A_294] {strides = array<i32>} : memref<4x128xi32, #tpu.memory_space<vmem>>, vector<16xi32>,
    tpu.vector_store %arg11[%swap3A_293, %swap3A_294], %get3A_292 {strides = array<i32>} : memref<4x128xi32, #tpu.memory_space<vmem>>, vector<16xi32>,
    %scan3A_296 = arith.constant 6 : i32
    %jit3A_297 = arith.constant 8 : i32
    %div3A_298 = arith.divsi %scan3A_296, %jit3A_297 : i32
    %sign3A_299 = arith.constant 0 : i32
    %sign3A_300 = arith.cmpi sgt, %scan3A_296, %sign3A_299 : i32
    %sign3A_301 = arith.extui %sign3A_300 : i1 to i32
    %sign3A_302 = arith.constant 0 : i32
    %sign3A_303 = arith.cmpi slt, %scan3A_296, %sign3A_302 : i32
    %sign3A_304 = arith.extui %sign3A_303 : i1 to i32
    %sign3A_305 = arith.subi %sign3A_301, %sign3A_304 : i32
    %sign3A_306 = arith.constant 0 : i32
    %sign3A_307 = arith.cmpi sgt, %jit3A_297, %sign3A_306 : i32
    %sign3A_308 = arith.extui %sign3A_307 : i1 to i32
    %sign3A_309 = arith.constant 0 : i32
    %sign3A_310 = arith.cmpi slt, %jit3A_297, %sign3A_309 : i32
    %sign3A_311 = arith.extui %sign3A_310 : i1 to i32
    %sign3A_312 = arith.subi %sign3A_308, %sign3A_311 : i32
    %ne3A_313 = arith.cmpi ne, %sign3A_305, %sign3A_312 : i32
    %rem3A_314 = arith.remsi %scan3A_296, %jit3A_297 : i32
    %ne3A_315 = arith.constant 0 : i32
    %ne3A_316 = arith.cmpi ne, %rem3A_314, %ne3A_315 : i32
    %and3A_317 = arith.andi %ne3A_313, %ne3A_316 : i1
    %sub3A_318 = arith.constant 1 : i32
    %sub3A_319 = arith.subi %div3A_298, %sub3A_318 : i32
    %select_n3A_320 = arith.select %and3A_317, %sub3A_319, %div3A_298 : i32
    %jit3A_321 = arith.constant 8 : i32
    %eq3A_322 = arith.constant 0 : i32
    %eq3A_323 = arith.cmpi eq, %jit3A_321, %eq3A_322 : i32
    %jit3A_324 = arith.constant 1 : i32
    %select_n3A_325 = arith.select %eq3A_323, %jit3A_324, %jit3A_321 : i32
    %rem3A_326 = arith.remsi %scan3A_296, %select_n3A_325 : i32
    %ne3A_327 = arith.constant 0 : i32
    %ne3A_328 = arith.cmpi ne, %rem3A_326, %ne3A_327 : i32
    %lt3A_329 = arith.constant 0 : i32
    %lt3A_330 = arith.cmpi slt, %rem3A_326, %lt3A_329 : i32
    %lt3A_331 = arith.constant 0 : i32
    %lt3A_332 = arith.cmpi slt, %select_n3A_325, %lt3A_331 : i32
    %ne3A_333 = arith.xori %lt3A_330, %lt3A_332 : i1
    %and3A_334 = arith.andi %ne3A_333, %ne3A_328 : i1
    %add3A_335 = arith.addi %rem3A_326, %select_n3A_325 : i32
    %select_n3A_336 = arith.select %and3A_334, %add3A_335, %rem3A_326 : i32
    %mul3A_337 = arith.constant 16 : i32
    %mul3A_338 = arith.muli %select_n3A_336, %mul3A_337 : i32
    %get3A_339 = arith.index_cast %select_n3A_320 : i32 to index
    %get3A_340 = arith.index_cast %mul3A_338 : i32 to index
    %get3A_341 = tpu.vector_load %arg10[%get3A_339, %get3A_340] {strides = array<i32>} : memref<4x128xi32, #tpu.memory_space<vmem>>, vector<16xi32>,
    %swap3A_342 = arith.index_cast %select_n3A_320 : i32 to index
    %swap3A_343 = arith.index_cast %mul3A_338 : i32 to index
    %swap3A_344 = tpu.vector_load %arg11[%swap3A_342, %swap3A_343] {strides = array<i32>} : memref<4x128xi32, #tpu.memory_space<vmem>>, vector<16xi32>,
    tpu.vector_store %arg11[%swap3A_342, %swap3A_343], %get3A_341 {strides = array<i32>} : memref<4x128xi32, #tpu.memory_space<vmem>>, vector<16xi32>,
    %scan3A_345 = arith.constant 7 : i32
    %jit3A_346 = arith.constant 8 : i32
    %div3A_347 = arith.divsi %scan3A_345, %jit3A_346 : i32
    %sign3A_348 = arith.constant 0 : i32
    %sign3A_349 = arith.cmpi sgt, %scan3A_345, %sign3A_348 : i32
    %sign3A_350 = arith.extui %sign3A_349 : i1 to i32
    %sign3A_351 = arith.constant 0 : i32
    %sign3A_352 = arith.cmpi slt, %scan3A_345, %sign3A_351 : i32
    %sign3A_353 = arith.extui %sign3A_352 : i1 to i32
    %sign3A_354 = arith.subi %sign3A_350, %sign3A_353 : i32
    %sign3A_355 = arith.constant 0 : i32
    %sign3A_356 = arith.cmpi sgt, %jit3A_346, %sign3A_355 : i32
    %sign3A_357 = arith.extui %sign3A_356 : i1 to i32
    %sign3A_358 = arith.constant 0 : i32
    %sign3A_359 = arith.cmpi slt, %jit3A_346, %sign3A_358 : i32
    %sign3A_360 = arith.extui %sign3A_359 : i1 to i32
    %sign3A_361 = arith.subi %sign3A_357, %sign3A_360 : i32
    %ne3A_362 = arith.cmpi ne, %sign3A_354, %sign3A_361 : i32
    %rem3A_363 = arith.remsi %scan3A_345, %jit3A_346 : i32
    %ne3A_364 = arith.constant 0 : i32
    %ne3A_365 = arith.cmpi ne, %rem3A_363, %ne3A_364 : i32
    %and3A_366 = arith.andi %ne3A_362, %ne3A_365 : i1
    %sub3A_367 = arith.constant 1 : i32
    %sub3A_368 = arith.subi %div3A_347, %sub3A_367 : i32
    %select_n3A_369 = arith.select %and3A_366, %sub3A_368, %div3A_347 : i32
    %jit3A_370 = arith.constant 8 : i32
    %eq3A_371 = arith.constant 0 : i32
    %eq3A_372 = arith.cmpi eq, %jit3A_370, %eq3A_371 : i32
    %jit3A_373 = arith.constant 1 : i32
    %select_n3A_374 = arith.select %eq3A_372, %jit3A_373, %jit3A_370 : i32
    %rem3A_375 = arith.remsi %scan3A_345, %select_n3A_374 : i32
    %ne3A_376 = arith.constant 0 : i32
    %ne3A_377 = arith.cmpi ne, %rem3A_375, %ne3A_376 : i32
    %lt3A_378 = arith.constant 0 : i32
    %lt3A_379 = arith.cmpi slt, %rem3A_375, %lt3A_378 : i32
    %lt3A_380 = arith.constant 0 : i32
    %lt3A_381 = arith.cmpi slt, %select_n3A_374, %lt3A_380 : i32
    %ne3A_382 = arith.xori %lt3A_379, %lt3A_381 : i1
    %and3A_383 = arith.andi %ne3A_382, %ne3A_377 : i1
    %add3A_384 = arith.addi %rem3A_375, %select_n3A_374 : i32
    %select_n3A_385 = arith.select %and3A_383, %add3A_384, %rem3A_375 : i32
    %mul3A_386 = arith.constant 16 : i32
    %mul3A_387 = arith.muli %select_n3A_385, %mul3A_386 : i32
    %get3A_388 = arith.index_cast %select_n3A_369 : i32 to index
    %get3A_389 = arith.index_cast %mul3A_387 : i32 to index
    %get3A_390 = tpu.vector_load %arg10[%get3A_388, %get3A_389] {strides = array<i32>} : memref<4x128xi32, #tpu.memory_space<vmem>>, vector<16xi32>,
    %swap3A_391 = arith.index_cast %select_n3A_369 : i32 to index
    %swap3A_392 = arith.index_cast %mul3A_387 : i32 to index
    %swap3A_393 = tpu.vector_load %arg11[%swap3A_391, %swap3A_392] {strides = array<i32>} : memref<4x128xi32, #tpu.memory_space<vmem>>, vector<16xi32>,
    tpu.vector_store %arg11[%swap3A_391, %swap3A_392], %get3A_390 {strides = array<i32>} : memref<4x128xi32, #tpu.memory_space<vmem>>, vector<16xi32>,
    %scan3A_394 = arith.constant 8 : i32
    %jit3A_395 = arith.constant 8 : i32
    %div3A_396 = arith.divsi %scan3A_394, %jit3A_395 : i32
    %sign3A_397 = arith.constant 0 : i32
    %sign3A_398 = arith.cmpi sgt, %scan3A_394, %sign3A_397 : i32
    %sign3A_399 = arith.extui %sign3A_398 : i1 to i32
    %sign3A_400 = arith.constant 0 : i32
    %sign3A_401 = arith.cmpi slt, %scan3A_394, %sign3A_400 : i32
    %sign3A_402 = arith.extui %sign3A_401 : i1 to i32
    %sign3A_403 = arith.subi %sign3A_399, %sign3A_402 : i32
    %sign3A_404 = arith.constant 0 : i32
    %sign3A_405 = arith.cmpi sgt, %jit3A_395, %sign3A_404 : i32
    %sign3A_406 = arith.extui %sign3A_405 : i1 to i32
    %sign3A_407 = arith.constant 0 : i32
    %sign3A_408 = arith.cmpi slt, %jit3A_395, %sign3A_407 : i32
    %sign3A_409 = arith.extui %sign3A_408 : i1 to i32
    %sign3A_410 = arith.subi %sign3A_406, %sign3A_409 : i32
    %ne3A_411 = arith.cmpi ne, %sign3A_403, %sign3A_410 : i32
    %rem3A_412 = arith.remsi %scan3A_394, %jit3A_395 : i32
    %ne3A_413 = arith.constant 0 : i32
    %ne3A_414 = arith.cmpi ne, %rem3A_412, %ne3A_413 : i32
    %and3A_415 = arith.andi %ne3A_411, %ne3A_414 : i1
    %sub3A_416 = arith.constant 1 : i32
    %sub3A_417 = arith.subi %div3A_396, %sub3A_416 : i32
    %select_n3A_418 = arith.select %and3A_415, %sub3A_417, %div3A_396 : i32
    %jit3A_419 = arith.constant 8 : i32
    %eq3A_420 = arith.constant 0 : i32
    %eq3A_421 = arith.cmpi eq, %jit3A_419, %eq3A_420 : i32
    %jit3A_422 = arith.constant 1 : i32
    %select_n3A_423 = arith.select %eq3A_421, %jit3A_422, %jit3A_419 : i32
    %rem3A_424 = arith.remsi %scan3A_394, %select_n3A_423 : i32
    %ne3A_425 = arith.constant 0 : i32
    %ne3A_426 = arith.cmpi ne, %rem3A_424, %ne3A_425 : i32
    %lt3A_427 = arith.constant 0 : i32
    %lt3A_428 = arith.cmpi slt, %rem3A_424, %lt3A_427 : i32
    %lt3A_429 = arith.constant 0 : i32
    %lt3A_430 = arith.cmpi slt, %select_n3A_423, %lt3A_429 : i32
    %ne3A_431 = arith.xori %lt3A_428, %lt3A_430 : i1
    %and3A_432 = arith.andi %ne3A_431, %ne3A_426 : i1
    %add3A_433 = arith.addi %rem3A_424, %select_n3A_423 : i32
    %select_n3A_434 = arith.select %and3A_432, %add3A_433, %rem3A_424 : i32
    %mul3A_435 = arith.constant 16 : i32
    %mul3A_436 = arith.muli %select_n3A_434, %mul3A_435 : i32
    %get3A_437 = arith.index_cast %select_n3A_418 : i32 to index
    %get3A_438 = arith.index_cast %mul3A_436 : i32 to index
    %get3A_439 = tpu.vector_load %arg10[%get3A_437, %get3A_438] {strides = array<i32>} : memref<4x128xi32, #tpu.memory_space<vmem>>, vector<16xi32>,
    %swap3A_440 = arith.index_cast %select_n3A_418 : i32 to index
    %swap3A_441 = arith.index_cast %mul3A_436 : i32 to index
    %swap3A_442 = tpu.vector_load %arg11[%swap3A_440, %swap3A_441] {strides = array<i32>} : memref<4x128xi32, #tpu.memory_space<vmem>>, vector<16xi32>,
    tpu.vector_store %arg11[%swap3A_440, %swap3A_441], %get3A_439 {strides = array<i32>} : memref<4x128xi32, #tpu.memory_space<vmem>>, vector<16xi32>,
    %scan3A_443 = arith.constant 9 : i32
    %jit3A_444 = arith.constant 8 : i32
    %div3A_445 = arith.divsi %scan3A_443, %jit3A_444 : i32
    %sign3A_446 = arith.constant 0 : i32
    %sign3A_447 = arith.cmpi sgt, %scan3A_443, %sign3A_446 : i32
    %sign3A_448 = arith.extui %sign3A_447 : i1 to i32
    %sign3A_449 = arith.constant 0 : i32
    %sign3A_450 = arith.cmpi slt, %scan3A_443, %sign3A_449 : i32
    %sign3A_451 = arith.extui %sign3A_450 : i1 to i32
    %sign3A_452 = arith.subi %sign3A_448, %sign3A_451 : i32
    %sign3A_453 = arith.constant 0 : i32
    %sign3A_454 = arith.cmpi sgt, %jit3A_444, %sign3A_453 : i32
    %sign3A_455 = arith.extui %sign3A_454 : i1 to i32
    %sign3A_456 = arith.constant 0 : i32
    %sign3A_457 = arith.cmpi slt, %jit3A_444, %sign3A_456 : i32
    %sign3A_458 = arith.extui %sign3A_457 : i1 to i32
    %sign3A_459 = arith.subi %sign3A_455, %sign3A_458 : i32
    %ne3A_460 = arith.cmpi ne, %sign3A_452, %sign3A_459 : i32
    %rem3A_461 = arith.remsi %scan3A_443, %jit3A_444 : i32
    %ne3A_462 = arith.constant 0 : i32
    %ne3A_463 = arith.cmpi ne, %rem3A_461, %ne3A_462 : i32
    %and3A_464 = arith.andi %ne3A_460, %ne3A_463 : i1
    %sub3A_465 = arith.constant 1 : i32
    %sub3A_466 = arith.subi %div3A_445, %sub3A_465 : i32
    %select_n3A_467 = arith.select %and3A_464, %sub3A_466, %div3A_445 : i32
    %jit3A_468 = arith.constant 8 : i32
    %eq3A_469 = arith.constant 0 : i32
    %eq3A_470 = arith.cmpi eq, %jit3A_468, %eq3A_469 : i32
    %jit3A_471 = arith.constant 1 : i32
    %select_n3A_472 = arith.select %eq3A_470, %jit3A_471, %jit3A_468 : i32
    %rem3A_473 = arith.remsi %scan3A_443, %select_n3A_472 : i32
    %ne3A_474 = arith.constant 0 : i32
    %ne3A_475 = arith.cmpi ne, %rem3A_473, %ne3A_474 : i32
    %lt3A_476 = arith.constant 0 : i32
    %lt3A_477 = arith.cmpi slt, %rem3A_473, %lt3A_476 : i32
    %lt3A_478 = arith.constant 0 : i32
    %lt3A_479 = arith.cmpi slt, %select_n3A_472, %lt3A_478 : i32
    %ne3A_480 = arith.xori %lt3A_477, %lt3A_479 : i1
    %and3A_481 = arith.andi %ne3A_480, %ne3A_475 : i1
    %add3A_482 = arith.addi %rem3A_473, %select_n3A_472 : i32
    %select_n3A_483 = arith.select %and3A_481, %add3A_482, %rem3A_473 : i32
    %mul3A_484 = arith.constant 16 : i32
    %mul3A_485 = arith.muli %select_n3A_483, %mul3A_484 : i32
    %get3A_486 = arith.index_cast %select_n3A_467 : i32 to index
    %get3A_487 = arith.index_cast %mul3A_485 : i32 to index
    %get3A_488 = tpu.vector_load %arg10[%get3A_486, %get3A_487] {strides = array<i32>} : memref<4x128xi32, #tpu.memory_space<vmem>>, vector<16xi32>,
    %swap3A_489 = arith.index_cast %select_n3A_467 : i32 to index
    %swap3A_490 = arith.index_cast %mul3A_485 : i32 to index
    %swap3A_491 = tpu.vector_load %arg11[%swap3A_489, %swap3A_490] {strides = array<i32>} : memref<4x128xi32, #tpu.memory_space<vmem>>, vector<16xi32>,
    tpu.vector_store %arg11[%swap3A_489, %swap3A_490], %get3A_488 {strides = array<i32>} : memref<4x128xi32, #tpu.memory_space<vmem>>, vector<16xi32>,
    %scan3A_492 = arith.constant 10 : i32
    %jit3A_493 = arith.constant 8 : i32
    %div3A_494 = arith.divsi %scan3A_492, %jit3A_493 : i32
    %sign3A_495 = arith.constant 0 : i32
    %sign3A_496 = arith.cmpi sgt, %scan3A_492, %sign3A_495 : i32
    %sign3A_497 = arith.extui %sign3A_496 : i1 to i32
    %sign3A_498 = arith.constant 0 : i32
    %sign3A_499 = arith.cmpi slt, %scan3A_492, %sign3A_498 : i32
    %sign3A_500 = arith.extui %sign3A_499 : i1 to i32
    %sign3A_501 = arith.subi %sign3A_497, %sign3A_500 : i32
    %sign3A_502 = arith.constant 0 : i32
    %sign3A_503 = arith.cmpi sgt, %jit3A_493, %sign3A_502 : i32
    %sign3A_504 = arith.extui %sign3A_503 : i1 to i32
    %sign3A_505 = arith.constant 0 : i32
    %sign3A_506 = arith.cmpi slt, %jit3A_493, %sign3A_505 : i32
    %sign3A_507 = arith.extui %sign3A_506 : i1 to i32
    %sign3A_508 = arith.subi %sign3A_504, %sign3A_507 : i32
    %ne3A_509 = arith.cmpi ne, %sign3A_501, %sign3A_508 : i32
    %rem3A_510 = arith.remsi %scan3A_492, %jit3A_493 : i32
    %ne3A_511 = arith.constant 0 : i32
    %ne3A_512 = arith.cmpi ne, %rem3A_510, %ne3A_511 : i32
    %and3A_513 = arith.andi %ne3A_509, %ne3A_512 : i1
    %sub3A_514 = arith.constant 1 : i32
    %sub3A_515 = arith.subi %div3A_494, %sub3A_514 : i32
    %select_n3A_516 = arith.select %and3A_513, %sub3A_515, %div3A_494 : i32
    %jit3A_517 = arith.constant 8 : i32
    %eq3A_518 = arith.constant 0 : i32
    %eq3A_519 = arith.cmpi eq, %jit3A_517, %eq3A_518 : i32
    %jit3A_520 = arith.constant 1 : i32
    %select_n3A_521 = arith.select %eq3A_519, %jit3A_520, %jit3A_517 : i32
    %rem3A_522 = arith.remsi %scan3A_492, %select_n3A_521 : i32
    %ne3A_523 = arith.constant 0 : i32
    %ne3A_524 = arith.cmpi ne, %rem3A_522, %ne3A_523 : i32
    %lt3A_525 = arith.constant 0 : i32
    %lt3A_526 = arith.cmpi slt, %rem3A_522, %lt3A_525 : i32
    %lt3A_527 = arith.constant 0 : i32
    %lt3A_528 = arith.cmpi slt, %select_n3A_521, %lt3A_527 : i32
    %ne3A_529 = arith.xori %lt3A_526, %lt3A_528 : i1
    %and3A_530 = arith.andi %ne3A_529, %ne3A_524 : i1
    %add3A_531 = arith.addi %rem3A_522, %select_n3A_521 : i32
    %select_n3A_532 = arith.select %and3A_530, %add3A_531, %rem3A_522 : i32
    %mul3A_533 = arith.constant 16 : i32
    %mul3A_534 = arith.muli %select_n3A_532, %mul3A_533 : i32
    %get3A_535 = arith.index_cast %select_n3A_516 : i32 to index
    %get3A_536 = arith.index_cast %mul3A_534 : i32 to index
    %get3A_537 = tpu.vector_load %arg10[%get3A_535, %get3A_536] {strides = array<i32>} : memref<4x128xi32, #tpu.memory_space<vmem>>, vector<16xi32>,
    %swap3A_538 = arith.index_cast %select_n3A_516 : i32 to index
    %swap3A_539 = arith.index_cast %mul3A_534 : i32 to index
    %swap3A_540 = tpu.vector_load %arg11[%swap3A_538, %swap3A_539] {strides = array<i32>} : memref<4x128xi32, #tpu.memory_space<vmem>>, vector<16xi32>,
    tpu.vector_store %arg11[%swap3A_538, %swap3A_539], %get3A_537 {strides = array<i32>} : memref<4x128xi32, #tpu.memory_space<vmem>>, vector<16xi32>,
    %scan3A_541 = arith.constant 11 : i32
    %jit3A_542 = arith.constant 8 : i32
    %div3A_543 = arith.divsi %scan3A_541, %jit3A_542 : i32
    %sign3A_544 = arith.constant 0 : i32
    %sign3A_545 = arith.cmpi sgt, %scan3A_541, %sign3A_544 : i32
    %sign3A_546 = arith.extui %sign3A_545 : i1 to i32
    %sign3A_547 = arith.constant 0 : i32
    %sign3A_548 = arith.cmpi slt, %scan3A_541, %sign3A_547 : i32
    %sign3A_549 = arith.extui %sign3A_548 : i1 to i32
    %sign3A_550 = arith.subi %sign3A_546, %sign3A_549 : i32
    %sign3A_551 = arith.constant 0 : i32
    %sign3A_552 = arith.cmpi sgt, %jit3A_542, %sign3A_551 : i32
    %sign3A_553 = arith.extui %sign3A_552 : i1 to i32
    %sign3A_554 = arith.constant 0 : i32
    %sign3A_555 = arith.cmpi slt, %jit3A_542, %sign3A_554 : i32
    %sign3A_556 = arith.extui %sign3A_555 : i1 to i32
    %sign3A_557 = arith.subi %sign3A_553, %sign3A_556 : i32
    %ne3A_558 = arith.cmpi ne, %sign3A_550, %sign3A_557 : i32
    %rem3A_559 = arith.remsi %scan3A_541, %jit3A_542 : i32
    %ne3A_560 = arith.constant 0 : i32
    %ne3A_561 = arith.cmpi ne, %rem3A_559, %ne3A_560 : i32
    %and3A_562 = arith.andi %ne3A_558, %ne3A_561 : i1
    %sub3A_563 = arith.constant 1 : i32
    %sub3A_564 = arith.subi %div3A_543, %sub3A_563 : i32
    %select_n3A_565 = arith.select %and3A_562, %sub3A_564, %div3A_543 : i32
    %jit3A_566 = arith.constant 8 : i32
    %eq3A_567 = arith.constant 0 : i32
    %eq3A_568 = arith.cmpi eq, %jit3A_566, %eq3A_567 : i32
    %jit3A_569 = arith.constant 1 : i32
    %select_n3A_570 = arith.select %eq3A_568, %jit3A_569, %jit3A_566 : i32
    %rem3A_571 = arith.remsi %scan3A_541, %select_n3A_570 : i32
    %ne3A_572 = arith.constant 0 : i32
    %ne3A_573 = arith.cmpi ne, %rem3A_571, %ne3A_572 : i32
    %lt3A_574 = arith.constant 0 : i32
    %lt3A_575 = arith.cmpi slt, %rem3A_571, %lt3A_574 : i32
    %lt3A_576 = arith.constant 0 : i32
    %lt3A_577 = arith.cmpi slt, %select_n3A_570, %lt3A_576 : i32
    %ne3A_578 = arith.xori %lt3A_575, %lt3A_577 : i1
    %and3A_579 = arith.andi %ne3A_578, %ne3A_573 : i1
    %add3A_580 = arith.addi %rem3A_571, %select_n3A_570 : i32
    %select_n3A_581 = arith.select %and3A_579, %add3A_580, %rem3A_571 : i32
    %mul3A_582 = arith.constant 16 : i32
    %mul3A_583 = arith.muli %select_n3A_581, %mul3A_582 : i32
    %get3A_584 = arith.index_cast %select_n3A_565 : i32 to index
    %get3A_585 = arith.index_cast %mul3A_583 : i32 to index
    %get3A_586 = tpu.vector_load %arg10[%get3A_584, %get3A_585] {strides = array<i32>} : memref<4x128xi32, #tpu.memory_space<vmem>>, vector<16xi32>,
    %swap3A_587 = arith.index_cast %select_n3A_565 : i32 to index
    %swap3A_588 = arith.index_cast %mul3A_583 : i32 to index
    %swap3A_589 = tpu.vector_load %arg11[%swap3A_587, %swap3A_588] {strides = array<i32>} : memref<4x128xi32, #tpu.memory_space<vmem>>, vector<16xi32>,
    tpu.vector_store %arg11[%swap3A_587, %swap3A_588], %get3A_586 {strides = array<i32>} : memref<4x128xi32, #tpu.memory_space<vmem>>, vector<16xi32>,
    %scan3A_590 = arith.constant 12 : i32
    %jit3A_591 = arith.constant 8 : i32
    %div3A_592 = arith.divsi %scan3A_590, %jit3A_591 : i32
    %sign3A_593 = arith.constant 0 : i32
    %sign3A_594 = arith.cmpi sgt, %scan3A_590, %sign3A_593 : i32
    %sign3A_595 = arith.extui %sign3A_594 : i1 to i32
    %sign3A_596 = arith.constant 0 : i32
    %sign3A_597 = arith.cmpi slt, %scan3A_590, %sign3A_596 : i32
    %sign3A_598 = arith.extui %sign3A_597 : i1 to i32
    %sign3A_599 = arith.subi %sign3A_595, %sign3A_598 : i32
    %sign3A_600 = arith.constant 0 : i32
    %sign3A_601 = arith.cmpi sgt, %jit3A_591, %sign3A_600 : i32
    %sign3A_602 = arith.extui %sign3A_601 : i1 to i32
    %sign3A_603 = arith.constant 0 : i32
    %sign3A_604 = arith.cmpi slt, %jit3A_591, %sign3A_603 : i32
    %sign3A_605 = arith.extui %sign3A_604 : i1 to i32
    %sign3A_606 = arith.subi %sign3A_602, %sign3A_605 : i32
    %ne3A_607 = arith.cmpi ne, %sign3A_599, %sign3A_606 : i32
    %rem3A_608 = arith.remsi %scan3A_590, %jit3A_591 : i32
    %ne3A_609 = arith.constant 0 : i32
    %ne3A_610 = arith.cmpi ne, %rem3A_608, %ne3A_609 : i32
    %and3A_611 = arith.andi %ne3A_607, %ne3A_610 : i1
    %sub3A_612 = arith.constant 1 : i32
    %sub3A_613 = arith.subi %div3A_592, %sub3A_612 : i32
    %select_n3A_614 = arith.select %and3A_611, %sub3A_613, %div3A_592 : i32
    %jit3A_615 = arith.constant 8 : i32
    %eq3A_616 = arith.constant 0 : i32
    %eq3A_617 = arith.cmpi eq, %jit3A_615, %eq3A_616 : i32
    %jit3A_618 = arith.constant 1 : i32
    %select_n3A_619 = arith.select %eq3A_617, %jit3A_618, %jit3A_615 : i32
    %rem3A_620 = arith.remsi %scan3A_590, %select_n3A_619 : i32
    %ne3A_621 = arith.constant 0 : i32
    %ne3A_622 = arith.cmpi ne, %rem3A_620, %ne3A_621 : i32
    %lt3A_623 = arith.constant 0 : i32
    %lt3A_624 = arith.cmpi slt, %rem3A_620, %lt3A_623 : i32
    %lt3A_625 = arith.constant 0 : i32
    %lt3A_626 = arith.cmpi slt, %select_n3A_619, %lt3A_625 : i32
    %ne3A_627 = arith.xori %lt3A_624, %lt3A_626 : i1
    %and3A_628 = arith.andi %ne3A_627, %ne3A_622 : i1
    %add3A_629 = arith.addi %rem3A_620, %select_n3A_619 : i32
    %select_n3A_630 = arith.select %and3A_628, %add3A_629, %rem3A_620 : i32
    %mul3A_631 = arith.constant 16 : i32
    %mul3A_632 = arith.muli %select_n3A_630, %mul3A_631 : i32
    %get3A_633 = arith.index_cast %select_n3A_614 : i32 to index
    %get3A_634 = arith.index_cast %mul3A_632 : i32 to index
    %get3A_635 = tpu.vector_load %arg10[%get3A_633, %get3A_634] {strides = array<i32>} : memref<4x128xi32, #tpu.memory_space<vmem>>, vector<16xi32>,
    %swap3A_636 = arith.index_cast %select_n3A_614 : i32 to index
    %swap3A_637 = arith.index_cast %mul3A_632 : i32 to index
    %swap3A_638 = tpu.vector_load %arg11[%swap3A_636, %swap3A_637] {strides = array<i32>} : memref<4x128xi32, #tpu.memory_space<vmem>>, vector<16xi32>,
    tpu.vector_store %arg11[%swap3A_636, %swap3A_637], %get3A_635 {strides = array<i32>} : memref<4x128xi32, #tpu.memory_space<vmem>>, vector<16xi32>,
    %scan3A_639 = arith.constant 13 : i32
    %jit3A_640 = arith.constant 8 : i32
    %div3A_641 = arith.divsi %scan3A_639, %jit3A_640 : i32
    %sign3A_642 = arith.constant 0 : i32
    %sign3A_643 = arith.cmpi sgt, %scan3A_639, %sign3A_642 : i32
    %sign3A_644 = arith.extui %sign3A_643 : i1 to i32
    %sign3A_645 = arith.constant 0 : i32
    %sign3A_646 = arith.cmpi slt, %scan3A_639, %sign3A_645 : i32
    %sign3A_647 = arith.extui %sign3A_646 : i1 to i32
    %sign3A_648 = arith.subi %sign3A_644, %sign3A_647 : i32
    %sign3A_649 = arith.constant 0 : i32
    %sign3A_650 = arith.cmpi sgt, %jit3A_640, %sign3A_649 : i32
    %sign3A_651 = arith.extui %sign3A_650 : i1 to i32
    %sign3A_652 = arith.constant 0 : i32
    %sign3A_653 = arith.cmpi slt, %jit3A_640, %sign3A_652 : i32
    %sign3A_654 = arith.extui %sign3A_653 : i1 to i32
    %sign3A_655 = arith.subi %sign3A_651, %sign3A_654 : i32
    %ne3A_656 = arith.cmpi ne, %sign3A_648, %sign3A_655 : i32
    %rem3A_657 = arith.remsi %scan3A_639, %jit3A_640 : i32
    %ne3A_658 = arith.constant 0 : i32
    %ne3A_659 = arith.cmpi ne, %rem3A_657, %ne3A_658 : i32
    %and3A_660 = arith.andi %ne3A_656, %ne3A_659 : i1
    %sub3A_661 = arith.constant 1 : i32
    %sub3A_662 = arith.subi %div3A_641, %sub3A_661 : i32
    %select_n3A_663 = arith.select %and3A_660, %sub3A_662, %div3A_641 : i32
    %jit3A_664 = arith.constant 8 : i32
    %eq3A_665 = arith.constant 0 : i32
    %eq3A_666 = arith.cmpi eq, %jit3A_664, %eq3A_665 : i32
    %jit3A_667 = arith.constant 1 : i32
    %select_n3A_668 = arith.select %eq3A_666, %jit3A_667, %jit3A_664 : i32
    %rem3A_669 = arith.remsi %scan3A_639, %select_n3A_668 : i32
    %ne3A_670 = arith.constant 0 : i32
    %ne3A_671 = arith.cmpi ne, %rem3A_669, %ne3A_670 : i32
    %lt3A_672 = arith.constant 0 : i32
    %lt3A_673 = arith.cmpi slt, %rem3A_669, %lt3A_672 : i32
    %lt3A_674 = arith.constant 0 : i32
    %lt3A_675 = arith.cmpi slt, %select_n3A_668, %lt3A_674 : i32
    %ne3A_676 = arith.xori %lt3A_673, %lt3A_675 : i1
    %and3A_677 = arith.andi %ne3A_676, %ne3A_671 : i1
    %add3A_678 = arith.addi %rem3A_669, %select_n3A_668 : i32
    %select_n3A_679 = arith.select %and3A_677, %add3A_678, %rem3A_669 : i32
    %mul3A_680 = arith.constant 16 : i32
    %mul3A_681 = arith.muli %select_n3A_679, %mul3A_680 : i32
    %get3A_682 = arith.index_cast %select_n3A_663 : i32 to index
    %get3A_683 = arith.index_cast %mul3A_681 : i32 to index
    %get3A_684 = tpu.vector_load %arg10[%get3A_682, %get3A_683] {strides = array<i32>} : memref<4x128xi32, #tpu.memory_space<vmem>>, vector<16xi32>,
    %swap3A_685 = arith.index_cast %select_n3A_663 : i32 to index
    %swap3A_686 = arith.index_cast %mul3A_681 : i32 to index
    %swap3A_687 = tpu.vector_load %arg11[%swap3A_685, %swap3A_686] {strides = array<i32>} : memref<4x128xi32, #tpu.memory_space<vmem>>, vector<16xi32>,
    tpu.vector_store %arg11[%swap3A_685, %swap3A_686], %get3A_684 {strides = array<i32>} : memref<4x128xi32, #tpu.memory_space<vmem>>, vector<16xi32>,
    %scan3A_688 = arith.constant 14 : i32
    %jit3A_689 = arith.constant 8 : i32
    %div3A_690 = arith.divsi %scan3A_688, %jit3A_689 : i32
    %sign3A_691 = arith.constant 0 : i32
    %sign3A_692 = arith.cmpi sgt, %scan3A_688, %sign3A_691 : i32
    %sign3A_693 = arith.extui %sign3A_692 : i1 to i32
    %sign3A_694 = arith.constant 0 : i32
    %sign3A_695 = arith.cmpi slt, %scan3A_688, %sign3A_694 : i32
    %sign3A_696 = arith.extui %sign3A_695 : i1 to i32
    %sign3A_697 = arith.subi %sign3A_693, %sign3A_696 : i32
    %sign3A_698 = arith.constant 0 : i32
    %sign3A_699 = arith.cmpi sgt, %jit3A_689, %sign3A_698 : i32
    %sign3A_700 = arith.extui %sign3A_699 : i1 to i32
    %sign3A_701 = arith.constant 0 : i32
    %sign3A_702 = arith.cmpi slt, %jit3A_689, %sign3A_701 : i32
    %sign3A_703 = arith.extui %sign3A_702 : i1 to i32
    %sign3A_704 = arith.subi %sign3A_700, %sign3A_703 : i32
    %ne3A_705 = arith.cmpi ne, %sign3A_697, %sign3A_704 : i32
    %rem3A_706 = arith.remsi %scan3A_688, %jit3A_689 : i32
    %ne3A_707 = arith.constant 0 : i32
    %ne3A_708 = arith.cmpi ne, %rem3A_706, %ne3A_707 : i32
    %and3A_709 = arith.andi %ne3A_705, %ne3A_708 : i1
    %sub3A_710 = arith.constant 1 : i32
    %sub3A_711 = arith.subi %div3A_690, %sub3A_710 : i32
    %select_n3A_712 = arith.select %and3A_709, %sub3A_711, %div3A_690 : i32
    %jit3A_713 = arith.constant 8 : i32
    %eq3A_714 = arith.constant 0 : i32
    %eq3A_715 = arith.cmpi eq, %jit3A_713, %eq3A_714 : i32
    %jit3A_716 = arith.constant 1 : i32
    %select_n3A_717 = arith.select %eq3A_715, %jit3A_716, %jit3A_713 : i32
    %rem3A_718 = arith.remsi %scan3A_688, %select_n3A_717 : i32
    %ne3A_719 = arith.constant 0 : i32
    %ne3A_720 = arith.cmpi ne, %rem3A_718, %ne3A_719 : i32
    %lt3A_721 = arith.constant 0 : i32
    %lt3A_722 = arith.cmpi slt, %rem3A_718, %lt3A_721 : i32
    %lt3A_723 = arith.constant 0 : i32
    %lt3A_724 = arith.cmpi slt, %select_n3A_717, %lt3A_723 : i32
    %ne3A_725 = arith.xori %lt3A_722, %lt3A_724 : i1
    %and3A_726 = arith.andi %ne3A_725, %ne3A_720 : i1
    %add3A_727 = arith.addi %rem3A_718, %select_n3A_717 : i32
    %select_n3A_728 = arith.select %and3A_726, %add3A_727, %rem3A_718 : i32
    %mul3A_729 = arith.constant 16 : i32
    %mul3A_730 = arith.muli %select_n3A_728, %mul3A_729 : i32
    %get3A_731 = arith.index_cast %select_n3A_712 : i32 to index
    %get3A_732 = arith.index_cast %mul3A_730 : i32 to index
    %get3A_733 = tpu.vector_load %arg10[%get3A_731, %get3A_732] {strides = array<i32>} : memref<4x128xi32, #tpu.memory_space<vmem>>, vector<16xi32>,
    %swap3A_734 = arith.index_cast %select_n3A_712 : i32 to index
    %swap3A_735 = arith.index_cast %mul3A_730 : i32 to index
    %swap3A_736 = tpu.vector_load %arg11[%swap3A_734, %swap3A_735] {strides = array<i32>} : memref<4x128xi32, #tpu.memory_space<vmem>>, vector<16xi32>,
    tpu.vector_store %arg11[%swap3A_734, %swap3A_735], %get3A_733 {strides = array<i32>} : memref<4x128xi32, #tpu.memory_space<vmem>>, vector<16xi32>,
    %scan3A_737 = arith.constant 15 : i32
    %jit3A_738 = arith.constant 8 : i32
    %div3A_739 = arith.divsi %scan3A_737, %jit3A_738 : i32
    %sign3A_740 = arith.constant 0 : i32
    %sign3A_741 = arith.cmpi sgt, %scan3A_737, %sign3A_740 : i32
    %sign3A_742 = arith.extui %sign3A_741 : i1 to i32
    %sign3A_743 = arith.constant 0 : i32
    %sign3A_744 = arith.cmpi slt, %scan3A_737, %sign3A_743 : i32
    %sign3A_745 = arith.extui %sign3A_744 : i1 to i32
    %sign3A_746 = arith.subi %sign3A_742, %sign3A_745 : i32
    %sign3A_747 = arith.constant 0 : i32
    %sign3A_748 = arith.cmpi sgt, %jit3A_738, %sign3A_747 : i32
    %sign3A_749 = arith.extui %sign3A_748 : i1 to i32
    %sign3A_750 = arith.constant 0 : i32
    %sign3A_751 = arith.cmpi slt, %jit3A_738, %sign3A_750 : i32
    %sign3A_752 = arith.extui %sign3A_751 : i1 to i32
    %sign3A_753 = arith.subi %sign3A_749, %sign3A_752 : i32
    %ne3A_754 = arith.cmpi ne, %sign3A_746, %sign3A_753 : i32
    %rem3A_755 = arith.remsi %scan3A_737, %jit3A_738 : i32
    %ne3A_756 = arith.constant 0 : i32
    %ne3A_757 = arith.cmpi ne, %rem3A_755, %ne3A_756 : i32
    %and3A_758 = arith.andi %ne3A_754, %ne3A_757 : i1
    %sub3A_759 = arith.constant 1 : i32
    %sub3A_760 = arith.subi %div3A_739, %sub3A_759 : i32
    %select_n3A_761 = arith.select %and3A_758, %sub3A_760, %div3A_739 : i32
    %jit3A_762 = arith.constant 8 : i32
    %eq3A_763 = arith.constant 0 : i32
    %eq3A_764 = arith.cmpi eq, %jit3A_762, %eq3A_763 : i32
    %jit3A_765 = arith.constant 1 : i32
    %select_n3A_766 = arith.select %eq3A_764, %jit3A_765, %jit3A_762 : i32
    %rem3A_767 = arith.remsi %scan3A_737, %select_n3A_766 : i32
    %ne3A_768 = arith.constant 0 : i32
    %ne3A_769 = arith.cmpi ne, %rem3A_767, %ne3A_768 : i32
    %lt3A_770 = arith.constant 0 : i32
    %lt3A_771 = arith.cmpi slt, %rem3A_767, %lt3A_770 : i32
    %lt3A_772 = arith.constant 0 : i32
    %lt3A_773 = arith.cmpi slt, %select_n3A_766, %lt3A_772 : i32
    %ne3A_774 = arith.xori %lt3A_771, %lt3A_773 : i1
    %and3A_775 = arith.andi %ne3A_774, %ne3A_769 : i1
    %add3A_776 = arith.addi %rem3A_767, %select_n3A_766 : i32
    %select_n3A_777 = arith.select %and3A_775, %add3A_776, %rem3A_767 : i32
    %mul3A_778 = arith.constant 16 : i32
    %mul3A_779 = arith.muli %select_n3A_777, %mul3A_778 : i32
    %get3A_780 = arith.index_cast %select_n3A_761 : i32 to index
    %get3A_781 = arith.index_cast %mul3A_779 : i32 to index
    %get3A_782 = tpu.vector_load %arg10[%get3A_780, %get3A_781] {strides = array<i32>} : memref<4x128xi32, #tpu.memory_space<vmem>>, vector<16xi32>,
    %swap3A_783 = arith.index_cast %select_n3A_761 : i32 to index
    %swap3A_784 = arith.index_cast %mul3A_779 : i32 to index
    %swap3A_785 = tpu.vector_load %arg11[%swap3A_783, %swap3A_784] {strides = array<i32>} : memref<4x128xi32, #tpu.memory_space<vmem>>, vector<16xi32>,
    tpu.vector_store %arg11[%swap3A_783, %swap3A_784], %get3A_782 {strides = array<i32>} : memref<4x128xi32, #tpu.memory_space<vmem>>, vector<16xi32>,
    %scan3A_786 = arith.constant 16 : i32
    %jit3A_787 = arith.constant 8 : i32
    %div3A_788 = arith.divsi %scan3A_786, %jit3A_787 : i32
    %sign3A_789 = arith.constant 0 : i32
    %sign3A_790 = arith.cmpi sgt, %scan3A_786, %sign3A_789 : i32
    %sign3A_791 = arith.extui %sign3A_790 : i1 to i32
    %sign3A_792 = arith.constant 0 : i32
    %sign3A_793 = arith.cmpi slt, %scan3A_786, %sign3A_792 : i32
    %sign3A_794 = arith.extui %sign3A_793 : i1 to i32
    %sign3A_795 = arith.subi %sign3A_791, %sign3A_794 : i32
    %sign3A_796 = arith.constant 0 : i32
    %sign3A_797 = arith.cmpi sgt, %jit3A_787, %sign3A_796 : i32
    %sign3A_798 = arith.extui %sign3A_797 : i1 to i32
    %sign3A_799 = arith.constant 0 : i32
    %sign3A_800 = arith.cmpi slt, %jit3A_787, %sign3A_799 : i32
    %sign3A_801 = arith.extui %sign3A_800 : i1 to i32
    %sign3A_802 = arith.subi %sign3A_798, %sign3A_801 : i32
    %ne3A_803 = arith.cmpi ne, %sign3A_795, %sign3A_802 : i32
    %rem3A_804 = arith.remsi %scan3A_786, %jit3A_787 : i32
    %ne3A_805 = arith.constant 0 : i32
    %ne3A_806 = arith.cmpi ne, %rem3A_804, %ne3A_805 : i32
    %and3A_807 = arith.andi %ne3A_803, %ne3A_806 : i1
    %sub3A_808 = arith.constant 1 : i32
    %sub3A_809 = arith.subi %div3A_788, %sub3A_808 : i32
    %select_n3A_810 = arith.select %and3A_807, %sub3A_809, %div3A_788 : i32
    %jit3A_811 = arith.constant 8 : i32
    %eq3A_812 = arith.constant 0 : i32
    %eq3A_813 = arith.cmpi eq, %jit3A_811, %eq3A_812 : i32
    %jit3A_814 = arith.constant 1 : i32
    %select_n3A_815 = arith.select %eq3A_813, %jit3A_814, %jit3A_811 : i32
    %rem3A_816 = arith.remsi %scan3A_786, %select_n3A_815 : i32
    %ne3A_817 = arith.constant 0 : i32
    %ne3A_818 = arith.cmpi ne, %rem3A_816, %ne3A_817 : i32
    %lt3A_819 = arith.constant 0 : i32
    %lt3A_820 = arith.cmpi slt, %rem3A_816, %lt3A_819 : i32
    %lt3A_821 = arith.constant 0 : i32
    %lt3A_822 = arith.cmpi slt, %select_n3A_815, %lt3A_821 : i32
    %ne3A_823 = arith.xori %lt3A_820, %lt3A_822 : i1
    %and3A_824 = arith.andi %ne3A_823, %ne3A_818 : i1
    %add3A_825 = arith.addi %rem3A_816, %select_n3A_815 : i32
    %select_n3A_826 = arith.select %and3A_824, %add3A_825, %rem3A_816 : i32
    %mul3A_827 = arith.constant 16 : i32
    %mul3A_828 = arith.muli %select_n3A_826, %mul3A_827 : i32
    %get3A_829 = arith.index_cast %select_n3A_810 : i32 to index
    %get3A_830 = arith.index_cast %mul3A_828 : i32 to index
    %get3A_831 = tpu.vector_load %arg10[%get3A_829, %get3A_830] {strides = array<i32>} : memref<4x128xi32, #tpu.memory_space<vmem>>, vector<16xi32>,
    %swap3A_832 = arith.index_cast %select_n3A_810 : i32 to index
    %swap3A_833 = arith.index_cast %mul3A_828 : i32 to index
    %swap3A_834 = tpu.vector_load %arg11[%swap3A_832, %swap3A_833] {strides = array<i32>} : memref<4x128xi32, #tpu.memory_space<vmem>>, vector<16xi32>,
    tpu.vector_store %arg11[%swap3A_832, %swap3A_833], %get3A_831 {strides = array<i32>} : memref<4x128xi32, #tpu.memory_space<vmem>>, vector<16xi32>,
    %scan3A_835 = arith.constant 17 : i32
    %jit3A_836 = arith.constant 8 : i32
    %div3A_837 = arith.divsi %scan3A_835, %jit3A_836 : i32
    %sign3A_838 = arith.constant 0 : i32
    %sign3A_839 = arith.cmpi sgt, %scan3A_835, %sign3A_838 : i32
    %sign3A_840 = arith.extui %sign3A_839 : i1 to i32
    %sign3A_841 = arith.constant 0 : i32
    %sign3A_842 = arith.cmpi slt, %scan3A_835, %sign3A_841 : i32
    %sign3A_843 = arith.extui %sign3A_842 : i1 to i32
    %sign3A_844 = arith.subi %sign3A_840, %sign3A_843 : i32
    %sign3A_845 = arith.constant 0 : i32
    %sign3A_846 = arith.cmpi sgt, %jit3A_836, %sign3A_845 : i32
    %sign3A_847 = arith.extui %sign3A_846 : i1 to i32
    %sign3A_848 = arith.constant 0 : i32
    %sign3A_849 = arith.cmpi slt, %jit3A_836, %sign3A_848 : i32
    %sign3A_850 = arith.extui %sign3A_849 : i1 to i32
    %sign3A_851 = arith.subi %sign3A_847, %sign3A_850 : i32
    %ne3A_852 = arith.cmpi ne, %sign3A_844, %sign3A_851 : i32
    %rem3A_853 = arith.remsi %scan3A_835, %jit3A_836 : i32
    %ne3A_854 = arith.constant 0 : i32
    %ne3A_855 = arith.cmpi ne, %rem3A_853, %ne3A_854 : i32
    %and3A_856 = arith.andi %ne3A_852, %ne3A_855 : i1
    %sub3A_857 = arith.constant 1 : i32
    %sub3A_858 = arith.subi %div3A_837, %sub3A_857 : i32
    %select_n3A_859 = arith.select %and3A_856, %sub3A_858, %div3A_837 : i32
    %jit3A_860 = arith.constant 8 : i32
    %eq3A_861 = arith.constant 0 : i32
    %eq3A_862 = arith.cmpi eq, %jit3A_860, %eq3A_861 : i32
    %jit3A_863 = arith.constant 1 : i32
    %select_n3A_864 = arith.select %eq3A_862, %jit3A_863, %jit3A_860 : i32
    %rem3A_865 = arith.remsi %scan3A_835, %select_n3A_864 : i32
    %ne3A_866 = arith.constant 0 : i32
    %ne3A_867 = arith.cmpi ne, %rem3A_865, %ne3A_866 : i32
    %lt3A_868 = arith.constant 0 : i32
    %lt3A_869 = arith.cmpi slt, %rem3A_865, %lt3A_868 : i32
    %lt3A_870 = arith.constant 0 : i32
    %lt3A_871 = arith.cmpi slt, %select_n3A_864, %lt3A_870 : i32
    %ne3A_872 = arith.xori %lt3A_869, %lt3A_871 : i1
    %and3A_873 = arith.andi %ne3A_872, %ne3A_867 : i1
    %add3A_874 = arith.addi %rem3A_865, %select_n3A_864 : i32
    %select_n3A_875 = arith.select %and3A_873, %add3A_874, %rem3A_865 : i32
    %mul3A_876 = arith.constant 16 : i32
    %mul3A_877 = arith.muli %select_n3A_875, %mul3A_876 : i32
    %get3A_878 = arith.index_cast %select_n3A_859 : i32 to index
    %get3A_879 = arith.index_cast %mul3A_877 : i32 to index
    %get3A_880 = tpu.vector_load %arg10[%get3A_878, %get3A_879] {strides = array<i32>} : memref<4x128xi32, #tpu.memory_space<vmem>>, vector<16xi32>,
    %swap3A_881 = arith.index_cast %select_n3A_859 : i32 to index
    %swap3A_882 = arith.index_cast %mul3A_877 : i32 to index
    %swap3A_883 = tpu.vector_load %arg11[%swap3A_881, %swap3A_882] {strides = array<i32>} : memref<4x128xi32, #tpu.memory_space<vmem>>, vector<16xi32>,
    tpu.vector_store %arg11[%swap3A_881, %swap3A_882], %get3A_880 {strides = array<i32>} : memref<4x128xi32, #tpu.memory_space<vmem>>, vector<16xi32>,
    %scan3A_884 = arith.constant 18 : i32
    %jit3A_885 = arith.constant 8 : i32
    %div3A_886 = arith.divsi %scan3A_884, %jit3A_885 : i32
    %sign3A_887 = arith.constant 0 : i32
    %sign3A_888 = arith.cmpi sgt, %scan3A_884, %sign3A_887 : i32
    %sign3A_889 = arith.extui %sign3A_888 : i1 to i32
    %sign3A_890 = arith.constant 0 : i32
    %sign3A_891 = arith.cmpi slt, %scan3A_884, %sign3A_890 : i32
    %sign3A_892 = arith.extui %sign3A_891 : i1 to i32
    %sign3A_893 = arith.subi %sign3A_889, %sign3A_892 : i32
    %sign3A_894 = arith.constant 0 : i32
    %sign3A_895 = arith.cmpi sgt, %jit3A_885, %sign3A_894 : i32
    %sign3A_896 = arith.extui %sign3A_895 : i1 to i32
    %sign3A_897 = arith.constant 0 : i32
    %sign3A_898 = arith.cmpi slt, %jit3A_885, %sign3A_897 : i32
    %sign3A_899 = arith.extui %sign3A_898 : i1 to i32
    %sign3A_900 = arith.subi %sign3A_896, %sign3A_899 : i32
    %ne3A_901 = arith.cmpi ne, %sign3A_893, %sign3A_900 : i32
    %rem3A_902 = arith.remsi %scan3A_884, %jit3A_885 : i32
    %ne3A_903 = arith.constant 0 : i32
    %ne3A_904 = arith.cmpi ne, %rem3A_902, %ne3A_903 : i32
    %and3A_905 = arith.andi %ne3A_901, %ne3A_904 : i1
    %sub3A_906 = arith.constant 1 : i32
    %sub3A_907 = arith.subi %div3A_886, %sub3A_906 : i32
    %select_n3A_908 = arith.select %and3A_905, %sub3A_907, %div3A_886 : i32
    %jit3A_909 = arith.constant 8 : i32
    %eq3A_910 = arith.constant 0 : i32
    %eq3A_911 = arith.cmpi eq, %jit3A_909, %eq3A_910 : i32
    %jit3A_912 = arith.constant 1 : i32
    %select_n3A_913 = arith.select %eq3A_911, %jit3A_912, %jit3A_909 : i32
    %rem3A_914 = arith.remsi %scan3A_884, %select_n3A_913 : i32
    %ne3A_915 = arith.constant 0 : i32
    %ne3A_916 = arith.cmpi ne, %rem3A_914, %ne3A_915 : i32
    %lt3A_917 = arith.constant 0 : i32
    %lt3A_918 = arith.cmpi slt, %rem3A_914, %lt3A_917 : i32
    %lt3A_919 = arith.constant 0 : i32
    %lt3A_920 = arith.cmpi slt, %select_n3A_913, %lt3A_919 : i32
    %ne3A_921 = arith.xori %lt3A_918, %lt3A_920 : i1
    %and3A_922 = arith.andi %ne3A_921, %ne3A_916 : i1
    %add3A_923 = arith.addi %rem3A_914, %select_n3A_913 : i32
    %select_n3A_924 = arith.select %and3A_922, %add3A_923, %rem3A_914 : i32
    %mul3A_925 = arith.constant 16 : i32
    %mul3A_926 = arith.muli %select_n3A_924, %mul3A_925 : i32
    %get3A_927 = arith.index_cast %select_n3A_908 : i32 to index
    %get3A_928 = arith.index_cast %mul3A_926 : i32 to index
    %get3A_929 = tpu.vector_load %arg10[%get3A_927, %get3A_928] {strides = array<i32>} : memref<4x128xi32, #tpu.memory_space<vmem>>, vector<16xi32>,
    %swap3A_930 = arith.index_cast %select_n3A_908 : i32 to index
    %swap3A_931 = arith.index_cast %mul3A_926 : i32 to index
    %swap3A_932 = tpu.vector_load %arg11[%swap3A_930, %swap3A_931] {strides = array<i32>} : memref<4x128xi32, #tpu.memory_space<vmem>>, vector<16xi32>,
    tpu.vector_store %arg11[%swap3A_930, %swap3A_931], %get3A_929 {strides = array<i32>} : memref<4x128xi32, #tpu.memory_space<vmem>>, vector<16xi32>,
    %scan3A_933 = arith.constant 19 : i32
    %jit3A_934 = arith.constant 8 : i32
    %div3A_935 = arith.divsi %scan3A_933, %jit3A_934 : i32
    %sign3A_936 = arith.constant 0 : i32
    %sign3A_937 = arith.cmpi sgt, %scan3A_933, %sign3A_936 : i32
    %sign3A_938 = arith.extui %sign3A_937 : i1 to i32
    %sign3A_939 = arith.constant 0 : i32
    %sign3A_940 = arith.cmpi slt, %scan3A_933, %sign3A_939 : i32
    %sign3A_941 = arith.extui %sign3A_940 : i1 to i32
    %sign3A_942 = arith.subi %sign3A_938, %sign3A_941 : i32
    %sign3A_943 = arith.constant 0 : i32
    %sign3A_944 = arith.cmpi sgt, %jit3A_934, %sign3A_943 : i32
    %sign3A_945 = arith.extui %sign3A_944 : i1 to i32
    %sign3A_946 = arith.constant 0 : i32
    %sign3A_947 = arith.cmpi slt, %jit3A_934, %sign3A_946 : i32
    %sign3A_948 = arith.extui %sign3A_947 : i1 to i32
    %sign3A_949 = arith.subi %sign3A_945, %sign3A_948 : i32
    %ne3A_950 = arith.cmpi ne, %sign3A_942, %sign3A_949 : i32
    %rem3A_951 = arith.remsi %scan3A_933, %jit3A_934 : i32
    %ne3A_952 = arith.constant 0 : i32
    %ne3A_953 = arith.cmpi ne, %rem3A_951, %ne3A_952 : i32
    %and3A_954 = arith.andi %ne3A_950, %ne3A_953 : i1
    %sub3A_955 = arith.constant 1 : i32
    %sub3A_956 = arith.subi %div3A_935, %sub3A_955 : i32
    %select_n3A_957 = arith.select %and3A_954, %sub3A_956, %div3A_935 : i32
    %jit3A_958 = arith.constant 8 : i32
    %eq3A_959 = arith.constant 0 : i32
    %eq3A_960 = arith.cmpi eq, %jit3A_958, %eq3A_959 : i32
    %jit3A_961 = arith.constant 1 : i32
    %select_n3A_962 = arith.select %eq3A_960, %jit3A_961, %jit3A_958 : i32
    %rem3A_963 = arith.remsi %scan3A_933, %select_n3A_962 : i32
    %ne3A_964 = arith.constant 0 : i32
    %ne3A_965 = arith.cmpi ne, %rem3A_963, %ne3A_964 : i32
    %lt3A_966 = arith.constant 0 : i32
    %lt3A_967 = arith.cmpi slt, %rem3A_963, %lt3A_966 : i32
    %lt3A_968 = arith.constant 0 : i32
    %lt3A_969 = arith.cmpi slt, %select_n3A_962, %lt3A_968 : i32
    %ne3A_970 = arith.xori %lt3A_967, %lt3A_969 : i1
    %and3A_971 = arith.andi %ne3A_970, %ne3A_965 : i1
    %add3A_972 = arith.addi %rem3A_963, %select_n3A_962 : i32
    %select_n3A_973 = arith.select %and3A_971, %add3A_972, %rem3A_963 : i32
    %mul3A_974 = arith.constant 16 : i32
    %mul3A_975 = arith.muli %select_n3A_973, %mul3A_974 : i32
    %get3A_976 = arith.index_cast %select_n3A_957 : i32 to index
    %get3A_977 = arith.index_cast %mul3A_975 : i32 to index
    %get3A_978 = tpu.vector_load %arg10[%get3A_976, %get3A_977] {strides = array<i32>} : memref<4x128xi32, #tpu.memory_space<vmem>>, vector<16xi32>,
    %swap3A_979 = arith.index_cast %select_n3A_957 : i32 to index
    %swap3A_980 = arith.index_cast %mul3A_975 : i32 to index
    %swap3A_981 = tpu.vector_load %arg11[%swap3A_979, %swap3A_980] {strides = array<i32>} : memref<4x128xi32, #tpu.memory_space<vmem>>, vector<16xi32>,
    tpu.vector_store %arg11[%swap3A_979, %swap3A_980], %get3A_978 {strides = array<i32>} : memref<4x128xi32, #tpu.memory_space<vmem>>, vector<16xi32>,
    %scan3A_982 = arith.constant 20 : i32
    %jit3A_983 = arith.constant 8 : i32
    %div3A_984 = arith.divsi %scan3A_982, %jit3A_983 : i32
    %sign3A_985 = arith.constant 0 : i32
    %sign3A_986 = arith.cmpi sgt, %scan3A_982, %sign3A_985 : i32
    %sign3A_987 = arith.extui %sign3A_986 : i1 to i32
    %sign3A_988 = arith.constant 0 : i32
    %sign3A_989 = arith.cmpi slt, %scan3A_982, %sign3A_988 : i32
    %sign3A_990 = arith.extui %sign3A_989 : i1 to i32
    %sign3A_991 = arith.subi %sign3A_987, %sign3A_990 : i32
    %sign3A_992 = arith.constant 0 : i32
    %sign3A_993 = arith.cmpi sgt, %jit3A_983, %sign3A_992 : i32
    %sign3A_994 = arith.extui %sign3A_993 : i1 to i32
    %sign3A_995 = arith.constant 0 : i32
    %sign3A_996 = arith.cmpi slt, %jit3A_983, %sign3A_995 : i32
    %sign3A_997 = arith.extui %sign3A_996 : i1 to i32
    %sign3A_998 = arith.subi %sign3A_994, %sign3A_997 : i32
    %ne3A_999 = arith.cmpi ne, %sign3A_991, %sign3A_998 : i32
    %rem3A_1000 = arith.remsi %scan3A_982, %jit3A_983 : i32
    %ne3A_1001 = arith.constant 0 : i32
    %ne3A_1002 = arith.cmpi ne, %rem3A_1000, %ne3A_1001 : i32
    %and3A_1003 = arith.andi %ne3A_999, %ne3A_1002 : i1
    %sub3A_1004 = arith.constant 1 : i32
    %sub3A_1005 = arith.subi %div3A_984, %sub3A_1004 : i32
    %select_n3A_1006 = arith.select %and3A_1003, %sub3A_1005, %div3A_984 : i32
    %jit3A_1007 = arith.constant 8 : i32
    %eq3A_1008 = arith.constant 0 : i32
    %eq3A_1009 = arith.cmpi eq, %jit3A_1007, %eq3A_1008 : i32
    %jit3A_1010 = arith.constant 1 : i32
    %select_n3A_1011 = arith.select %eq3A_1009, %jit3A_1010, %jit3A_1007 : i32
    %rem3A_1012 = arith.remsi %scan3A_982, %select_n3A_1011 : i32
    %ne3A_1013 = arith.constant 0 : i32
    %ne3A_1014 = arith.cmpi ne, %rem3A_1012, %ne3A_1013 : i32
    %lt3A_1015 = arith.constant 0 : i32
    %lt3A_1016 = arith.cmpi slt, %rem3A_1012, %lt3A_1015 : i32
    %lt3A_1017 = arith.constant 0 : i32
    %lt3A_1018 = arith.cmpi slt, %select_n3A_1011, %lt3A_1017 : i32
    %ne3A_1019 = arith.xori %lt3A_1016, %lt3A_1018 : i1
    %and3A_1020 = arith.andi %ne3A_1019, %ne3A_1014 : i1
    %add3A_1021 = arith.addi %rem3A_1012, %select_n3A_1011 : i32
    %select_n3A_1022 = arith.select %and3A_1020, %add3A_1021, %rem3A_1012 : i32
    %mul3A_1023 = arith.constant 16 : i32
    %mul3A_1024 = arith.muli %select_n3A_1022, %mul3A_1023 : i32
    %get3A_1025 = arith.index_cast %select_n3A_1006 : i32 to index
    %get3A_1026 = arith.index_cast %mul3A_1024 : i32 to index
    %get3A_1027 = tpu.vector_load %arg10[%get3A_1025, %get3A_1026] {strides = array<i32>} : memref<4x128xi32, #tpu.memory_space<vmem>>, vector<16xi32>,
    %swap3A_1028 = arith.index_cast %select_n3A_1006 : i32 to index
    %swap3A_1029 = arith.index_cast %mul3A_1024 : i32 to index
    %swap3A_1030 = tpu.vector_load %arg11[%swap3A_1028, %swap3A_1029] {strides = array<i32>} : memref<4x128xi32, #tpu.memory_space<vmem>>, vector<16xi32>,
    tpu.vector_store %arg11[%swap3A_1028, %swap3A_1029], %get3A_1027 {strides = array<i32>} : memref<4x128xi32, #tpu.memory_space<vmem>>, vector<16xi32>,
    %scan3A_1031 = arith.constant 21 : i32
    %jit3A_1032 = arith.constant 8 : i32
    %div3A_1033 = arith.divsi %scan3A_1031, %jit3A_1032 : i32
    %sign3A_1034 = arith.constant 0 : i32
    %sign3A_1035 = arith.cmpi sgt, %scan3A_1031, %sign3A_1034 : i32
    %sign3A_1036 = arith.extui %sign3A_1035 : i1 to i32
    %sign3A_1037 = arith.constant 0 : i32
    %sign3A_1038 = arith.cmpi slt, %scan3A_1031, %sign3A_1037 : i32
    %sign3A_1039 = arith.extui %sign3A_1038 : i1 to i32
    %sign3A_1040 = arith.subi %sign3A_1036, %sign3A_1039 : i32
    %sign3A_1041 = arith.constant 0 : i32
    %sign3A_1042 = arith.cmpi sgt, %jit3A_1032, %sign3A_1041 : i32
    %sign3A_1043 = arith.extui %sign3A_1042 : i1 to i32
    %sign3A_1044 = arith.constant 0 : i32
    %sign3A_1045 = arith.cmpi slt, %jit3A_1032, %sign3A_1044 : i32
    %sign3A_1046 = arith.extui %sign3A_1045 : i1 to i32
    %sign3A_1047 = arith.subi %sign3A_1043, %sign3A_1046 : i32
    %ne3A_1048 = arith.cmpi ne, %sign3A_1040, %sign3A_1047 : i32
    %rem3A_1049 = arith.remsi %scan3A_1031, %jit3A_1032 : i32
    %ne3A_1050 = arith.constant 0 : i32
    %ne3A_1051 = arith.cmpi ne, %rem3A_1049, %ne3A_1050 : i32
    %and3A_1052 = arith.andi %ne3A_1048, %ne3A_1051 : i1
    %sub3A_1053 = arith.constant 1 : i32
    %sub3A_1054 = arith.subi %div3A_1033, %sub3A_1053 : i32
    %select_n3A_1055 = arith.select %and3A_1052, %sub3A_1054, %div3A_1033 : i32
    %jit3A_1056 = arith.constant 8 : i32
    %eq3A_1057 = arith.constant 0 : i32
    %eq3A_1058 = arith.cmpi eq, %jit3A_1056, %eq3A_1057 : i32
    %jit3A_1059 = arith.constant 1 : i32
    %select_n3A_1060 = arith.select %eq3A_1058, %jit3A_1059, %jit3A_1056 : i32
    %rem3A_1061 = arith.remsi %scan3A_1031, %select_n3A_1060 : i32
    %ne3A_1062 = arith.constant 0 : i32
    %ne3A_1063 = arith.cmpi ne, %rem3A_1061, %ne3A_1062 : i32
    %lt3A_1064 = arith.constant 0 : i32
    %lt3A_1065 = arith.cmpi slt, %rem3A_1061, %lt3A_1064 : i32
    %lt3A_1066 = arith.constant 0 : i32
    %lt3A_1067 = arith.cmpi slt, %select_n3A_1060, %lt3A_1066 : i32
    %ne3A_1068 = arith.xori %lt3A_1065, %lt3A_1067 : i1
    %and3A_1069 = arith.andi %ne3A_1068, %ne3A_1063 : i1
    %add3A_1070 = arith.addi %rem3A_1061, %select_n3A_1060 : i32
    %select_n3A_1071 = arith.select %and3A_1069, %add3A_1070, %rem3A_1061 : i32
    %mul3A_1072 = arith.constant 16 : i32
    %mul3A_1073 = arith.muli %select_n3A_1071, %mul3A_1072 : i32
    %get3A_1074 = arith.index_cast %select_n3A_1055 : i32 to index
    %get3A_1075 = arith.index_cast %mul3A_1073 : i32 to index
    %get3A_1076 = tpu.vector_load %arg10[%get3A_1074, %get3A_1075] {strides = array<i32>} : memref<4x128xi32, #tpu.memory_space<vmem>>, vector<16xi32>,
    %swap3A_1077 = arith.index_cast %select_n3A_1055 : i32 to index
    %swap3A_1078 = arith.index_cast %mul3A_1073 : i32 to index
    %swap3A_1079 = tpu.vector_load %arg11[%swap3A_1077, %swap3A_1078] {strides = array<i32>} : memref<4x128xi32, #tpu.memory_space<vmem>>, vector<16xi32>,
    tpu.vector_store %arg11[%swap3A_1077, %swap3A_1078], %get3A_1076 {strides = array<i32>} : memref<4x128xi32, #tpu.memory_space<vmem>>, vector<16xi32>,
    %scan3A_1080 = arith.constant 22 : i32
    %jit3A_1081 = arith.constant 8 : i32
    %div3A_1082 = arith.divsi %scan3A_1080, %jit3A_1081 : i32
    %sign3A_1083 = arith.constant 0 : i32
    %sign3A_1084 = arith.cmpi sgt, %scan3A_1080, %sign3A_1083 : i32
    %sign3A_1085 = arith.extui %sign3A_1084 : i1 to i32
    %sign3A_1086 = arith.constant 0 : i32
    %sign3A_1087 = arith.cmpi slt, %scan3A_1080, %sign3A_1086 : i32
    %sign3A_1088 = arith.extui %sign3A_1087 : i1 to i32
    %sign3A_1089 = arith.subi %sign3A_1085, %sign3A_1088 : i32
    %sign3A_1090 = arith.constant 0 : i32
    %sign3A_1091 = arith.cmpi sgt, %jit3A_1081, %sign3A_1090 : i32
    %sign3A_1092 = arith.extui %sign3A_1091 : i1 to i32
    %sign3A_1093 = arith.constant 0 : i32
    %sign3A_1094 = arith.cmpi slt, %jit3A_1081, %sign3A_1093 : i32
    %sign3A_1095 = arith.extui %sign3A_1094 : i1 to i32
    %sign3A_1096 = arith.subi %sign3A_1092, %sign3A_1095 : i32
    %ne3A_1097 = arith.cmpi ne, %sign3A_1089, %sign3A_1096 : i32
    %rem3A_1098 = arith.remsi %scan3A_1080, %jit3A_1081 : i32
    %ne3A_1099 = arith.constant 0 : i32
    %ne3A_1100 = arith.cmpi ne, %rem3A_1098, %ne3A_1099 : i32
    %and3A_1101 = arith.andi %ne3A_1097, %ne3A_1100 : i1
    %sub3A_1102 = arith.constant 1 : i32
    %sub3A_1103 = arith.subi %div3A_1082, %sub3A_1102 : i32
    %select_n3A_1104 = arith.select %and3A_1101, %sub3A_1103, %div3A_1082 : i32
    %jit3A_1105 = arith.constant 8 : i32
    %eq3A_1106 = arith.constant 0 : i32
    %eq3A_1107 = arith.cmpi eq, %jit3A_1105, %eq3A_1106 : i32
    %jit3A_1108 = arith.constant 1 : i32
    %select_n3A_1109 = arith.select %eq3A_1107, %jit3A_1108, %jit3A_1105 : i32
    %rem3A_1110 = arith.remsi %scan3A_1080, %select_n3A_1109 : i32
    %ne3A_1111 = arith.constant 0 : i32
    %ne3A_1112 = arith.cmpi ne, %rem3A_1110, %ne3A_1111 : i32
    %lt3A_1113 = arith.constant 0 : i32
    %lt3A_1114 = arith.cmpi slt, %rem3A_1110, %lt3A_1113 : i32
    %lt3A_1115 = arith.constant 0 : i32
    %lt3A_1116 = arith.cmpi slt, %select_n3A_1109, %lt3A_1115 : i32
    %ne3A_1117 = arith.xori %lt3A_1114, %lt3A_1116 : i1
    %and3A_1118 = arith.andi %ne3A_1117, %ne3A_1112 : i1
    %add3A_1119 = arith.addi %rem3A_1110, %select_n3A_1109 : i32
    %select_n3A_1120 = arith.select %and3A_1118, %add3A_1119, %rem3A_1110 : i32
    %mul3A_1121 = arith.constant 16 : i32
    %mul3A_1122 = arith.muli %select_n3A_1120, %mul3A_1121 : i32
    %get3A_1123 = arith.index_cast %select_n3A_1104 : i32 to index
    %get3A_1124 = arith.index_cast %mul3A_1122 : i32 to index
    %get3A_1125 = tpu.vector_load %arg10[%get3A_1123, %get3A_1124] {strides = array<i32>} : memref<4x128xi32, #tpu.memory_space<vmem>>, vector<16xi32>,
    %swap3A_1126 = arith.index_cast %select_n3A_1104 : i32 to index
    %swap3A_1127 = arith.index_cast %mul3A_1122 : i32 to index
    %swap3A_1128 = tpu.vector_load %arg11[%swap3A_1126, %swap3A_1127] {strides = array<i32>} : memref<4x128xi32, #tpu.memory_space<vmem>>, vector<16xi32>,
    tpu.vector_store %arg11[%swap3A_1126, %swap3A_1127], %get3A_1125 {strides = array<i32>} : memref<4x128xi32, #tpu.memory_space<vmem>>, vector<16xi32>,
    %scan3A_1129 = arith.constant 23 : i32
    %jit3A_1130 = arith.constant 8 : i32
    %div3A_1131 = arith.divsi %scan3A_1129, %jit3A_1130 : i32
    %sign3A_1132 = arith.constant 0 : i32
    %sign3A_1133 = arith.cmpi sgt, %scan3A_1129, %sign3A_1132 : i32
    %sign3A_1134 = arith.extui %sign3A_1133 : i1 to i32
    %sign3A_1135 = arith.constant 0 : i32
    %sign3A_1136 = arith.cmpi slt, %scan3A_1129, %sign3A_1135 : i32
    %sign3A_1137 = arith.extui %sign3A_1136 : i1 to i32
    %sign3A_1138 = arith.subi %sign3A_1134, %sign3A_1137 : i32
    %sign3A_1139 = arith.constant 0 : i32
    %sign3A_1140 = arith.cmpi sgt, %jit3A_1130, %sign3A_1139 : i32
    %sign3A_1141 = arith.extui %sign3A_1140 : i1 to i32
    %sign3A_1142 = arith.constant 0 : i32
    %sign3A_1143 = arith.cmpi slt, %jit3A_1130, %sign3A_1142 : i32
    %sign3A_1144 = arith.extui %sign3A_1143 : i1 to i32
    %sign3A_1145 = arith.subi %sign3A_1141, %sign3A_1144 : i32
    %ne3A_1146 = arith.cmpi ne, %sign3A_1138, %sign3A_1145 : i32
    %rem3A_1147 = arith.remsi %scan3A_1129, %jit3A_1130 : i32
    %ne3A_1148 = arith.constant 0 : i32
    %ne3A_1149 = arith.cmpi ne, %rem3A_1147, %ne3A_1148 : i32
    %and3A_1150 = arith.andi %ne3A_1146, %ne3A_1149 : i1
    %sub3A_1151 = arith.constant 1 : i32
    %sub3A_1152 = arith.subi %div3A_1131, %sub3A_1151 : i32
    %select_n3A_1153 = arith.select %and3A_1150, %sub3A_1152, %div3A_1131 : i32
    %jit3A_1154 = arith.constant 8 : i32
    %eq3A_1155 = arith.constant 0 : i32
    %eq3A_1156 = arith.cmpi eq, %jit3A_1154, %eq3A_1155 : i32
    %jit3A_1157 = arith.constant 1 : i32
    %select_n3A_1158 = arith.select %eq3A_1156, %jit3A_1157, %jit3A_1154 : i32
    %rem3A_1159 = arith.remsi %scan3A_1129, %select_n3A_1158 : i32
    %ne3A_1160 = arith.constant 0 : i32
    %ne3A_1161 = arith.cmpi ne, %rem3A_1159, %ne3A_1160 : i32
    %lt3A_1162 = arith.constant 0 : i32
    %lt3A_1163 = arith.cmpi slt, %rem3A_1159, %lt3A_1162 : i32
    %lt3A_1164 = arith.constant 0 : i32
    %lt3A_1165 = arith.cmpi slt, %select_n3A_1158, %lt3A_1164 : i32
    %ne3A_1166 = arith.xori %lt3A_1163, %lt3A_1165 : i1
    %and3A_1167 = arith.andi %ne3A_1166, %ne3A_1161 : i1
    %add3A_1168 = arith.addi %rem3A_1159, %select_n3A_1158 : i32
    %select_n3A_1169 = arith.select %and3A_1167, %add3A_1168, %rem3A_1159 : i32
    %mul3A_1170 = arith.constant 16 : i32
    %mul3A_1171 = arith.muli %select_n3A_1169, %mul3A_1170 : i32
    %get3A_1172 = arith.index_cast %select_n3A_1153 : i32 to index
    %get3A_1173 = arith.index_cast %mul3A_1171 : i32 to index
    %get3A_1174 = tpu.vector_load %arg10[%get3A_1172, %get3A_1173] {strides = array<i32>} : memref<4x128xi32, #tpu.memory_space<vmem>>, vector<16xi32>,
    %swap3A_1175 = arith.index_cast %select_n3A_1153 : i32 to index
    %swap3A_1176 = arith.index_cast %mul3A_1171 : i32 to index
    %swap3A_1177 = tpu.vector_load %arg11[%swap3A_1175, %swap3A_1176] {strides = array<i32>} : memref<4x128xi32, #tpu.memory_space<vmem>>, vector<16xi32>,
    tpu.vector_store %arg11[%swap3A_1175, %swap3A_1176], %get3A_1174 {strides = array<i32>} : memref<4x128xi32, #tpu.memory_space<vmem>>, vector<16xi32>,
    %scan3A_1178 = arith.constant 24 : i32
    %jit3A_1179 = arith.constant 8 : i32
    %div3A_1180 = arith.divsi %scan3A_1178, %jit3A_1179 : i32
    %sign3A_1181 = arith.constant 0 : i32
    %sign3A_1182 = arith.cmpi sgt, %scan3A_1178, %sign3A_1181 : i32
    %sign3A_1183 = arith.extui %sign3A_1182 : i1 to i32
    %sign3A_1184 = arith.constant 0 : i32
    %sign3A_1185 = arith.cmpi slt, %scan3A_1178, %sign3A_1184 : i32
    %sign3A_1186 = arith.extui %sign3A_1185 : i1 to i32
    %sign3A_1187 = arith.subi %sign3A_1183, %sign3A_1186 : i32
    %sign3A_1188 = arith.constant 0 : i32
    %sign3A_1189 = arith.cmpi sgt, %jit3A_1179, %sign3A_1188 : i32
    %sign3A_1190 = arith.extui %sign3A_1189 : i1 to i32
    %sign3A_1191 = arith.constant 0 : i32
    %sign3A_1192 = arith.cmpi slt, %jit3A_1179, %sign3A_1191 : i32
    %sign3A_1193 = arith.extui %sign3A_1192 : i1 to i32
    %sign3A_1194 = arith.subi %sign3A_1190, %sign3A_1193 : i32
    %ne3A_1195 = arith.cmpi ne, %sign3A_1187, %sign3A_1194 : i32
    %rem3A_1196 = arith.remsi %scan3A_1178, %jit3A_1179 : i32
    %ne3A_1197 = arith.constant 0 : i32
    %ne3A_1198 = arith.cmpi ne, %rem3A_1196, %ne3A_1197 : i32
    %and3A_1199 = arith.andi %ne3A_1195, %ne3A_1198 : i1
    %sub3A_1200 = arith.constant 1 : i32
    %sub3A_1201 = arith.subi %div3A_1180, %sub3A_1200 : i32
    %select_n3A_1202 = arith.select %and3A_1199, %sub3A_1201, %div3A_1180 : i32
    %jit3A_1203 = arith.constant 8 : i32
    %eq3A_1204 = arith.constant 0 : i32
    %eq3A_1205 = arith.cmpi eq, %jit3A_1203, %eq3A_1204 : i32
    %jit3A_1206 = arith.constant 1 : i32
    %select_n3A_1207 = arith.select %eq3A_1205, %jit3A_1206, %jit3A_1203 : i32
    %rem3A_1208 = arith.remsi %scan3A_1178, %select_n3A_1207 : i32
    %ne3A_1209 = arith.constant 0 : i32
    %ne3A_1210 = arith.cmpi ne, %rem3A_1208, %ne3A_1209 : i32
    %lt3A_1211 = arith.constant 0 : i32
    %lt3A_1212 = arith.cmpi slt, %rem3A_1208, %lt3A_1211 : i32
    %lt3A_1213 = arith.constant 0 : i32
    %lt3A_1214 = arith.cmpi slt, %select_n3A_1207, %lt3A_1213 : i32
    %ne3A_1215 = arith.xori %lt3A_1212, %lt3A_1214 : i1
    %and3A_1216 = arith.andi %ne3A_1215, %ne3A_1210 : i1
    %add3A_1217 = arith.addi %rem3A_1208, %select_n3A_1207 : i32
    %select_n3A_1218 = arith.select %and3A_1216, %add3A_1217, %rem3A_1208 : i32
    %mul3A_1219 = arith.constant 16 : i32
    %mul3A_1220 = arith.muli %select_n3A_1218, %mul3A_1219 : i32
    %get3A_1221 = arith.index_cast %select_n3A_1202 : i32 to index
    %get3A_1222 = arith.index_cast %mul3A_1220 : i32 to index
    %get3A_1223 = tpu.vector_load %arg10[%get3A_1221, %get3A_1222] {strides = array<i32>} : memref<4x128xi32, #tpu.memory_space<vmem>>, vector<16xi32>,
    %swap3A_1224 = arith.index_cast %select_n3A_1202 : i32 to index
    %swap3A_1225 = arith.index_cast %mul3A_1220 : i32 to index
    %swap3A_1226 = tpu.vector_load %arg11[%swap3A_1224, %swap3A_1225] {strides = array<i32>} : memref<4x128xi32, #tpu.memory_space<vmem>>, vector<16xi32>,
    tpu.vector_store %arg11[%swap3A_1224, %swap3A_1225], %get3A_1223 {strides = array<i32>} : memref<4x128xi32, #tpu.memory_space<vmem>>, vector<16xi32>,
    %scan3A_1227 = arith.constant 25 : i32
    %jit3A_1228 = arith.constant 8 : i32
    %div3A_1229 = arith.divsi %scan3A_1227, %jit3A_1228 : i32
    %sign3A_1230 = arith.constant 0 : i32
    %sign3A_1231 = arith.cmpi sgt, %scan3A_1227, %sign3A_1230 : i32
    %sign3A_1232 = arith.extui %sign3A_1231 : i1 to i32
    %sign3A_1233 = arith.constant 0 : i32
    %sign3A_1234 = arith.cmpi slt, %scan3A_1227, %sign3A_1233 : i32
    %sign3A_1235 = arith.extui %sign3A_1234 : i1 to i32
    %sign3A_1236 = arith.subi %sign3A_1232, %sign3A_1235 : i32
    %sign3A_1237 = arith.constant 0 : i32
    %sign3A_1238 = arith.cmpi sgt, %jit3A_1228, %sign3A_1237 : i32
    %sign3A_1239 = arith.extui %sign3A_1238 : i1 to i32
    %sign3A_1240 = arith.constant 0 : i32
    %sign3A_1241 = arith.cmpi slt, %jit3A_1228, %sign3A_1240 : i32
    %sign3A_1242 = arith.extui %sign3A_1241 : i1 to i32
    %sign3A_1243 = arith.subi %sign3A_1239, %sign3A_1242 : i32
    %ne3A_1244 = arith.cmpi ne, %sign3A_1236, %sign3A_1243 : i32
    %rem3A_1245 = arith.remsi %scan3A_1227, %jit3A_1228 : i32
    %ne3A_1246 = arith.constant 0 : i32
    %ne3A_1247 = arith.cmpi ne, %rem3A_1245, %ne3A_1246 : i32
    %and3A_1248 = arith.andi %ne3A_1244, %ne3A_1247 : i1
    %sub3A_1249 = arith.constant 1 : i32
    %sub3A_1250 = arith.subi %div3A_1229, %sub3A_1249 : i32
    %select_n3A_1251 = arith.select %and3A_1248, %sub3A_1250, %div3A_1229 : i32
    %jit3A_1252 = arith.constant 8 : i32
    %eq3A_1253 = arith.constant 0 : i32
    %eq3A_1254 = arith.cmpi eq, %jit3A_1252, %eq3A_1253 : i32
    %jit3A_1255 = arith.constant 1 : i32
    %select_n3A_1256 = arith.select %eq3A_1254, %jit3A_1255, %jit3A_1252 : i32
    %rem3A_1257 = arith.remsi %scan3A_1227, %select_n3A_1256 : i32
    %ne3A_1258 = arith.constant 0 : i32
    %ne3A_1259 = arith.cmpi ne, %rem3A_1257, %ne3A_1258 : i32
    %lt3A_1260 = arith.constant 0 : i32
    %lt3A_1261 = arith.cmpi slt, %rem3A_1257, %lt3A_1260 : i32
    %lt3A_1262 = arith.constant 0 : i32
    %lt3A_1263 = arith.cmpi slt, %select_n3A_1256, %lt3A_1262 : i32
    %ne3A_1264 = arith.xori %lt3A_1261, %lt3A_1263 : i1
    %and3A_1265 = arith.andi %ne3A_1264, %ne3A_1259 : i1
    %add3A_1266 = arith.addi %rem3A_1257, %select_n3A_1256 : i32
    %select_n3A_1267 = arith.select %and3A_1265, %add3A_1266, %rem3A_1257 : i32
    %mul3A_1268 = arith.constant 16 : i32
    %mul3A_1269 = arith.muli %select_n3A_1267, %mul3A_1268 : i32
    %get3A_1270 = arith.index_cast %select_n3A_1251 : i32 to index
    %get3A_1271 = arith.index_cast %mul3A_1269 : i32 to index
    %get3A_1272 = tpu.vector_load %arg10[%get3A_1270, %get3A_1271] {strides = array<i32>} : memref<4x128xi32, #tpu.memory_space<vmem>>, vector<16xi32>,
    %swap3A_1273 = arith.index_cast %select_n3A_1251 : i32 to index
    %swap3A_1274 = arith.index_cast %mul3A_1269 : i32 to index
    %swap3A_1275 = tpu.vector_load %arg11[%swap3A_1273, %swap3A_1274] {strides = array<i32>} : memref<4x128xi32, #tpu.memory_space<vmem>>, vector<16xi32>,
    tpu.vector_store %arg11[%swap3A_1273, %swap3A_1274], %get3A_1272 {strides = array<i32>} : memref<4x128xi32, #tpu.memory_space<vmem>>, vector<16xi32>,
    %scan3A_1276 = arith.constant 26 : i32
    %jit3A_1277 = arith.constant 8 : i32
    %div3A_1278 = arith.divsi %scan3A_1276, %jit3A_1277 : i32
    %sign3A_1279 = arith.constant 0 : i32
    %sign3A_1280 = arith.cmpi sgt, %scan3A_1276, %sign3A_1279 : i32
    %sign3A_1281 = arith.extui %sign3A_1280 : i1 to i32
    %sign3A_1282 = arith.constant 0 : i32
    %sign3A_1283 = arith.cmpi slt, %scan3A_1276, %sign3A_1282 : i32
    %sign3A_1284 = arith.extui %sign3A_1283 : i1 to i32
    %sign3A_1285 = arith.subi %sign3A_1281, %sign3A_1284 : i32
    %sign3A_1286 = arith.constant 0 : i32
    %sign3A_1287 = arith.cmpi sgt, %jit3A_1277, %sign3A_1286 : i32
    %sign3A_1288 = arith.extui %sign3A_1287 : i1 to i32
    %sign3A_1289 = arith.constant 0 : i32
    %sign3A_1290 = arith.cmpi slt, %jit3A_1277, %sign3A_1289 : i32
    %sign3A_1291 = arith.extui %sign3A_1290 : i1 to i32
    %sign3A_1292 = arith.subi %sign3A_1288, %sign3A_1291 : i32
    %ne3A_1293 = arith.cmpi ne, %sign3A_1285, %sign3A_1292 : i32
    %rem3A_1294 = arith.remsi %scan3A_1276, %jit3A_1277 : i32
    %ne3A_1295 = arith.constant 0 : i32
    %ne3A_1296 = arith.cmpi ne, %rem3A_1294, %ne3A_1295 : i32
    %and3A_1297 = arith.andi %ne3A_1293, %ne3A_1296 : i1
    %sub3A_1298 = arith.constant 1 : i32
    %sub3A_1299 = arith.subi %div3A_1278, %sub3A_1298 : i32
    %select_n3A_1300 = arith.select %and3A_1297, %sub3A_1299, %div3A_1278 : i32
    %jit3A_1301 = arith.constant 8 : i32
    %eq3A_1302 = arith.constant 0 : i32
    %eq3A_1303 = arith.cmpi eq, %jit3A_1301, %eq3A_1302 : i32
    %jit3A_1304 = arith.constant 1 : i32
    %select_n3A_1305 = arith.select %eq3A_1303, %jit3A_1304, %jit3A_1301 : i32
    %rem3A_1306 = arith.remsi %scan3A_1276, %select_n3A_1305 : i32
    %ne3A_1307 = arith.constant 0 : i32
    %ne3A_1308 = arith.cmpi ne, %rem3A_1306, %ne3A_1307 : i32
    %lt3A_1309 = arith.constant 0 : i32
    %lt3A_1310 = arith.cmpi slt, %rem3A_1306, %lt3A_1309 : i32
    %lt3A_1311 = arith.constant 0 : i32
    %lt3A_1312 = arith.cmpi slt, %select_n3A_1305, %lt3A_1311 : i32
    %ne3A_1313 = arith.xori %lt3A_1310, %lt3A_1312 : i1
    %and3A_1314 = arith.andi %ne3A_1313, %ne3A_1308 : i1
    %add3A_1315 = arith.addi %rem3A_1306, %select_n3A_1305 : i32
    %select_n3A_1316 = arith.select %and3A_1314, %add3A_1315, %rem3A_1306 : i32
    %mul3A_1317 = arith.constant 16 : i32
    %mul3A_1318 = arith.muli %select_n3A_1316, %mul3A_1317 : i32
    %get3A_1319 = arith.index_cast %select_n3A_1300 : i32 to index
    %get3A_1320 = arith.index_cast %mul3A_1318 : i32 to index
    %get3A_1321 = tpu.vector_load %arg10[%get3A_1319, %get3A_1320] {strides = array<i32>} : memref<4x128xi32, #tpu.memory_space<vmem>>, vector<16xi32>,
    %swap3A_1322 = arith.index_cast %select_n3A_1300 : i32 to index
    %swap3A_1323 = arith.index_cast %mul3A_1318 : i32 to index
    %swap3A_1324 = tpu.vector_load %arg11[%swap3A_1322, %swap3A_1323] {strides = array<i32>} : memref<4x128xi32, #tpu.memory_space<vmem>>, vector<16xi32>,
    tpu.vector_store %arg11[%swap3A_1322, %swap3A_1323], %get3A_1321 {strides = array<i32>} : memref<4x128xi32, #tpu.memory_space<vmem>>, vector<16xi32>,
    %scan3A_1325 = arith.constant 27 : i32
    %jit3A_1326 = arith.constant 8 : i32
    %div3A_1327 = arith.divsi %scan3A_1325, %jit3A_1326 : i32
    %sign3A_1328 = arith.constant 0 : i32
    %sign3A_1329 = arith.cmpi sgt, %scan3A_1325, %sign3A_1328 : i32
    %sign3A_1330 = arith.extui %sign3A_1329 : i1 to i32
    %sign3A_1331 = arith.constant 0 : i32
    %sign3A_1332 = arith.cmpi slt, %scan3A_1325, %sign3A_1331 : i32
    %sign3A_1333 = arith.extui %sign3A_1332 : i1 to i32
    %sign3A_1334 = arith.subi %sign3A_1330, %sign3A_1333 : i32
    %sign3A_1335 = arith.constant 0 : i32
    %sign3A_1336 = arith.cmpi sgt, %jit3A_1326, %sign3A_1335 : i32
    %sign3A_1337 = arith.extui %sign3A_1336 : i1 to i32
    %sign3A_1338 = arith.constant 0 : i32
    %sign3A_1339 = arith.cmpi slt, %jit3A_1326, %sign3A_1338 : i32
    %sign3A_1340 = arith.extui %sign3A_1339 : i1 to i32
    %sign3A_1341 = arith.subi %sign3A_1337, %sign3A_1340 : i32
    %ne3A_1342 = arith.cmpi ne, %sign3A_1334, %sign3A_1341 : i32
    %rem3A_1343 = arith.remsi %scan3A_1325, %jit3A_1326 : i32
    %ne3A_1344 = arith.constant 0 : i32
    %ne3A_1345 = arith.cmpi ne, %rem3A_1343, %ne3A_1344 : i32
    %and3A_1346 = arith.andi %ne3A_1342, %ne3A_1345 : i1
    %sub3A_1347 = arith.constant 1 : i32
    %sub3A_1348 = arith.subi %div3A_1327, %sub3A_1347 : i32
    %select_n3A_1349 = arith.select %and3A_1346, %sub3A_1348, %div3A_1327 : i32
    %jit3A_1350 = arith.constant 8 : i32
    %eq3A_1351 = arith.constant 0 : i32
    %eq3A_1352 = arith.cmpi eq, %jit3A_1350, %eq3A_1351 : i32
    %jit3A_1353 = arith.constant 1 : i32
    %select_n3A_1354 = arith.select %eq3A_1352, %jit3A_1353, %jit3A_1350 : i32
    %rem3A_1355 = arith.remsi %scan3A_1325, %select_n3A_1354 : i32
    %ne3A_1356 = arith.constant 0 : i32
    %ne3A_1357 = arith.cmpi ne, %rem3A_1355, %ne3A_1356 : i32
    %lt3A_1358 = arith.constant 0 : i32
    %lt3A_1359 = arith.cmpi slt, %rem3A_1355, %lt3A_1358 : i32
    %lt3A_1360 = arith.constant 0 : i32
    %lt3A_1361 = arith.cmpi slt, %select_n3A_1354, %lt3A_1360 : i32
    %ne3A_1362 = arith.xori %lt3A_1359, %lt3A_1361 : i1
    %and3A_1363 = arith.andi %ne3A_1362, %ne3A_1357 : i1
    %add3A_1364 = arith.addi %rem3A_1355, %select_n3A_1354 : i32
    %select_n3A_1365 = arith.select %and3A_1363, %add3A_1364, %rem3A_1355 : i32
    %mul3A_1366 = arith.constant 16 : i32
    %mul3A_1367 = arith.muli %select_n3A_1365, %mul3A_1366 : i32
    %get3A_1368 = arith.index_cast %select_n3A_1349 : i32 to index
    %get3A_1369 = arith.index_cast %mul3A_1367 : i32 to index
    %get3A_1370 = tpu.vector_load %arg10[%get3A_1368, %get3A_1369] {strides = array<i32>} : memref<4x128xi32, #tpu.memory_space<vmem>>, vector<16xi32>,
    %swap3A_1371 = arith.index_cast %select_n3A_1349 : i32 to index
    %swap3A_1372 = arith.index_cast %mul3A_1367 : i32 to index
    %swap3A_1373 = tpu.vector_load %arg11[%swap3A_1371, %swap3A_1372] {strides = array<i32>} : memref<4x128xi32, #tpu.memory_space<vmem>>, vector<16xi32>,
    tpu.vector_store %arg11[%swap3A_1371, %swap3A_1372], %get3A_1370 {strides = array<i32>} : memref<4x128xi32, #tpu.memory_space<vmem>>, vector<16xi32>,
    %scan3A_1374 = arith.constant 28 : i32
    %jit3A_1375 = arith.constant 8 : i32
    %div3A_1376 = arith.divsi %scan3A_1374, %jit3A_1375 : i32
    %sign3A_1377 = arith.constant 0 : i32
    %sign3A_1378 = arith.cmpi sgt, %scan3A_1374, %sign3A_1377 : i32
    %sign3A_1379 = arith.extui %sign3A_1378 : i1 to i32
    %sign3A_1380 = arith.constant 0 : i32
    %sign3A_1381 = arith.cmpi slt, %scan3A_1374, %sign3A_1380 : i32
    %sign3A_1382 = arith.extui %sign3A_1381 : i1 to i32
    %sign3A_1383 = arith.subi %sign3A_1379, %sign3A_1382 : i32
    %sign3A_1384 = arith.constant 0 : i32
    %sign3A_1385 = arith.cmpi sgt, %jit3A_1375, %sign3A_1384 : i32
    %sign3A_1386 = arith.extui %sign3A_1385 : i1 to i32
    %sign3A_1387 = arith.constant 0 : i32
    %sign3A_1388 = arith.cmpi slt, %jit3A_1375, %sign3A_1387 : i32
    %sign3A_1389 = arith.extui %sign3A_1388 : i1 to i32
    %sign3A_1390 = arith.subi %sign3A_1386, %sign3A_1389 : i32
    %ne3A_1391 = arith.cmpi ne, %sign3A_1383, %sign3A_1390 : i32
    %rem3A_1392 = arith.remsi %scan3A_1374, %jit3A_1375 : i32
    %ne3A_1393 = arith.constant 0 : i32
    %ne3A_1394 = arith.cmpi ne, %rem3A_1392, %ne3A_1393 : i32
    %and3A_1395 = arith.andi %ne3A_1391, %ne3A_1394 : i1
    %sub3A_1396 = arith.constant 1 : i32
    %sub3A_1397 = arith.subi %div3A_1376, %sub3A_1396 : i32
    %select_n3A_1398 = arith.select %and3A_1395, %sub3A_1397, %div3A_1376 : i32
    %jit3A_1399 = arith.constant 8 : i32
    %eq3A_1400 = arith.constant 0 : i32
    %eq3A_1401 = arith.cmpi eq, %jit3A_1399, %eq3A_1400 : i32
    %jit3A_1402 = arith.constant 1 : i32
    %select_n3A_1403 = arith.select %eq3A_1401, %jit3A_1402, %jit3A_1399 : i32
    %rem3A_1404 = arith.remsi %scan3A_1374, %select_n3A_1403 : i32
    %ne3A_1405 = arith.constant 0 : i32
    %ne3A_1406 = arith.cmpi ne, %rem3A_1404, %ne3A_1405 : i32
    %lt3A_1407 = arith.constant 0 : i32
    %lt3A_1408 = arith.cmpi slt, %rem3A_1404, %lt3A_1407 : i32
    %lt3A_1409 = arith.constant 0 : i32
    %lt3A_1410 = arith.cmpi slt, %select_n3A_1403, %lt3A_1409 : i32
    %ne3A_1411 = arith.xori %lt3A_1408, %lt3A_1410 : i1
    %and3A_1412 = arith.andi %ne3A_1411, %ne3A_1406 : i1
    %add3A_1413 = arith.addi %rem3A_1404, %select_n3A_1403 : i32
    %select_n3A_1414 = arith.select %and3A_1412, %add3A_1413, %rem3A_1404 : i32
    %mul3A_1415 = arith.constant 16 : i32
    %mul3A_1416 = arith.muli %select_n3A_1414, %mul3A_1415 : i32
    %get3A_1417 = arith.index_cast %select_n3A_1398 : i32 to index
    %get3A_1418 = arith.index_cast %mul3A_1416 : i32 to index
    %get3A_1419 = tpu.vector_load %arg10[%get3A_1417, %get3A_1418] {strides = array<i32>} : memref<4x128xi32, #tpu.memory_space<vmem>>, vector<16xi32>,
    %swap3A_1420 = arith.index_cast %select_n3A_1398 : i32 to index
    %swap3A_1421 = arith.index_cast %mul3A_1416 : i32 to index
    %swap3A_1422 = tpu.vector_load %arg11[%swap3A_1420, %swap3A_1421] {strides = array<i32>} : memref<4x128xi32, #tpu.memory_space<vmem>>, vector<16xi32>,
    tpu.vector_store %arg11[%swap3A_1420, %swap3A_1421], %get3A_1419 {strides = array<i32>} : memref<4x128xi32, #tpu.memory_space<vmem>>, vector<16xi32>,
    %scan3A_1423 = arith.constant 29 : i32
    %jit3A_1424 = arith.constant 8 : i32
    %div3A_1425 = arith.divsi %scan3A_1423, %jit3A_1424 : i32
    %sign3A_1426 = arith.constant 0 : i32
    %sign3A_1427 = arith.cmpi sgt, %scan3A_1423, %sign3A_1426 : i32
    %sign3A_1428 = arith.extui %sign3A_1427 : i1 to i32
    %sign3A_1429 = arith.constant 0 : i32
    %sign3A_1430 = arith.cmpi slt, %scan3A_1423, %sign3A_1429 : i32
    %sign3A_1431 = arith.extui %sign3A_1430 : i1 to i32
    %sign3A_1432 = arith.subi %sign3A_1428, %sign3A_1431 : i32
    %sign3A_1433 = arith.constant 0 : i32
    %sign3A_1434 = arith.cmpi sgt, %jit3A_1424, %sign3A_1433 : i32
    %sign3A_1435 = arith.extui %sign3A_1434 : i1 to i32
    %sign3A_1436 = arith.constant 0 : i32
    %sign3A_1437 = arith.cmpi slt, %jit3A_1424, %sign3A_1436 : i32
    %sign3A_1438 = arith.extui %sign3A_1437 : i1 to i32
    %sign3A_1439 = arith.subi %sign3A_1435, %sign3A_1438 : i32
    %ne3A_1440 = arith.cmpi ne, %sign3A_1432, %sign3A_1439 : i32
    %rem3A_1441 = arith.remsi %scan3A_1423, %jit3A_1424 : i32
    %ne3A_1442 = arith.constant 0 : i32
    %ne3A_1443 = arith.cmpi ne, %rem3A_1441, %ne3A_1442 : i32
    %and3A_1444 = arith.andi %ne3A_1440, %ne3A_1443 : i1
    %sub3A_1445 = arith.constant 1 : i32
    %sub3A_1446 = arith.subi %div3A_1425, %sub3A_1445 : i32
    %select_n3A_1447 = arith.select %and3A_1444, %sub3A_1446, %div3A_1425 : i32
    %jit3A_1448 = arith.constant 8 : i32
    %eq3A_1449 = arith.constant 0 : i32
    %eq3A_1450 = arith.cmpi eq, %jit3A_1448, %eq3A_1449 : i32
    %jit3A_1451 = arith.constant 1 : i32
    %select_n3A_1452 = arith.select %eq3A_1450, %jit3A_1451, %jit3A_1448 : i32
    %rem3A_1453 = arith.remsi %scan3A_1423, %select_n3A_1452 : i32
    %ne3A_1454 = arith.constant 0 : i32
    %ne3A_1455 = arith.cmpi ne, %rem3A_1453, %ne3A_1454 : i32
    %lt3A_1456 = arith.constant 0 : i32
    %lt3A_1457 = arith.cmpi slt, %rem3A_1453, %lt3A_1456 : i32
    %lt3A_1458 = arith.constant 0 : i32
    %lt3A_1459 = arith.cmpi slt, %select_n3A_1452, %lt3A_1458 : i32
    %ne3A_1460 = arith.xori %lt3A_1457, %lt3A_1459 : i1
    %and3A_1461 = arith.andi %ne3A_1460, %ne3A_1455 : i1
    %add3A_1462 = arith.addi %rem3A_1453, %select_n3A_1452 : i32
    %select_n3A_1463 = arith.select %and3A_1461, %add3A_1462, %rem3A_1453 : i32
    %mul3A_1464 = arith.constant 16 : i32
    %mul3A_1465 = arith.muli %select_n3A_1463, %mul3A_1464 : i32
    %get3A_1466 = arith.index_cast %select_n3A_1447 : i32 to index
    %get3A_1467 = arith.index_cast %mul3A_1465 : i32 to index
    %get3A_1468 = tpu.vector_load %arg10[%get3A_1466, %get3A_1467] {strides = array<i32>} : memref<4x128xi32, #tpu.memory_space<vmem>>, vector<16xi32>,
    %swap3A_1469 = arith.index_cast %select_n3A_1447 : i32 to index
    %swap3A_1470 = arith.index_cast %mul3A_1465 : i32 to index
    %swap3A_1471 = tpu.vector_load %arg11[%swap3A_1469, %swap3A_1470] {strides = array<i32>} : memref<4x128xi32, #tpu.memory_space<vmem>>, vector<16xi32>,
    tpu.vector_store %arg11[%swap3A_1469, %swap3A_1470], %get3A_1468 {strides = array<i32>} : memref<4x128xi32, #tpu.memory_space<vmem>>, vector<16xi32>,
    %scan3A_1472 = arith.constant 30 : i32
    %jit3A_1473 = arith.constant 8 : i32
    %div3A_1474 = arith.divsi %scan3A_1472, %jit3A_1473 : i32
    %sign3A_1475 = arith.constant 0 : i32
    %sign3A_1476 = arith.cmpi sgt, %scan3A_1472, %sign3A_1475 : i32
    %sign3A_1477 = arith.extui %sign3A_1476 : i1 to i32
    %sign3A_1478 = arith.constant 0 : i32
    %sign3A_1479 = arith.cmpi slt, %scan3A_1472, %sign3A_1478 : i32
    %sign3A_1480 = arith.extui %sign3A_1479 : i1 to i32
    %sign3A_1481 = arith.subi %sign3A_1477, %sign3A_1480 : i32
    %sign3A_1482 = arith.constant 0 : i32
    %sign3A_1483 = arith.cmpi sgt, %jit3A_1473, %sign3A_1482 : i32
    %sign3A_1484 = arith.extui %sign3A_1483 : i1 to i32
    %sign3A_1485 = arith.constant 0 : i32
    %sign3A_1486 = arith.cmpi slt, %jit3A_1473, %sign3A_1485 : i32
    %sign3A_1487 = arith.extui %sign3A_1486 : i1 to i32
    %sign3A_1488 = arith.subi %sign3A_1484, %sign3A_1487 : i32
    %ne3A_1489 = arith.cmpi ne, %sign3A_1481, %sign3A_1488 : i32
    %rem3A_1490 = arith.remsi %scan3A_1472, %jit3A_1473 : i32
    %ne3A_1491 = arith.constant 0 : i32
    %ne3A_1492 = arith.cmpi ne, %rem3A_1490, %ne3A_1491 : i32
    %and3A_1493 = arith.andi %ne3A_1489, %ne3A_1492 : i1
    %sub3A_1494 = arith.constant 1 : i32
    %sub3A_1495 = arith.subi %div3A_1474, %sub3A_1494 : i32
    %select_n3A_1496 = arith.select %and3A_1493, %sub3A_1495, %div3A_1474 : i32
    %jit3A_1497 = arith.constant 8 : i32
    %eq3A_1498 = arith.constant 0 : i32
    %eq3A_1499 = arith.cmpi eq, %jit3A_1497, %eq3A_1498 : i32
    %jit3A_1500 = arith.constant 1 : i32
    %select_n3A_1501 = arith.select %eq3A_1499, %jit3A_1500, %jit3A_1497 : i32
    %rem3A_1502 = arith.remsi %scan3A_1472, %select_n3A_1501 : i32
    %ne3A_1503 = arith.constant 0 : i32
    %ne3A_1504 = arith.cmpi ne, %rem3A_1502, %ne3A_1503 : i32
    %lt3A_1505 = arith.constant 0 : i32
    %lt3A_1506 = arith.cmpi slt, %rem3A_1502, %lt3A_1505 : i32
    %lt3A_1507 = arith.constant 0 : i32
    %lt3A_1508 = arith.cmpi slt, %select_n3A_1501, %lt3A_1507 : i32
    %ne3A_1509 = arith.xori %lt3A_1506, %lt3A_1508 : i1
    %and3A_1510 = arith.andi %ne3A_1509, %ne3A_1504 : i1
    %add3A_1511 = arith.addi %rem3A_1502, %select_n3A_1501 : i32
    %select_n3A_1512 = arith.select %and3A_1510, %add3A_1511, %rem3A_1502 : i32
    %mul3A_1513 = arith.constant 16 : i32
    %mul3A_1514 = arith.muli %select_n3A_1512, %mul3A_1513 : i32
    %get3A_1515 = arith.index_cast %select_n3A_1496 : i32 to index
    %get3A_1516 = arith.index_cast %mul3A_1514 : i32 to index
    %get3A_1517 = tpu.vector_load %arg10[%get3A_1515, %get3A_1516] {strides = array<i32>} : memref<4x128xi32, #tpu.memory_space<vmem>>, vector<16xi32>,
    %swap3A_1518 = arith.index_cast %select_n3A_1496 : i32 to index
    %swap3A_1519 = arith.index_cast %mul3A_1514 : i32 to index
    %swap3A_1520 = tpu.vector_load %arg11[%swap3A_1518, %swap3A_1519] {strides = array<i32>} : memref<4x128xi32, #tpu.memory_space<vmem>>, vector<16xi32>,
    tpu.vector_store %arg11[%swap3A_1518, %swap3A_1519], %get3A_1517 {strides = array<i32>} : memref<4x128xi32, #tpu.memory_space<vmem>>, vector<16xi32>,
    %scan3A_1521 = arith.constant 31 : i32
    %jit3A_1522 = arith.constant 8 : i32
    %div3A_1523 = arith.divsi %scan3A_1521, %jit3A_1522 : i32
    %sign3A_1524 = arith.constant 0 : i32
    %sign3A_1525 = arith.cmpi sgt, %scan3A_1521, %sign3A_1524 : i32
    %sign3A_1526 = arith.extui %sign3A_1525 : i1 to i32
    %sign3A_1527 = arith.constant 0 : i32
    %sign3A_1528 = arith.cmpi slt, %scan3A_1521, %sign3A_1527 : i32
    %sign3A_1529 = arith.extui %sign3A_1528 : i1 to i32
    %sign3A_1530 = arith.subi %sign3A_1526, %sign3A_1529 : i32
    %sign3A_1531 = arith.constant 0 : i32
    %sign3A_1532 = arith.cmpi sgt, %jit3A_1522, %sign3A_1531 : i32
    %sign3A_1533 = arith.extui %sign3A_1532 : i1 to i32
    %sign3A_1534 = arith.constant 0 : i32
    %sign3A_1535 = arith.cmpi slt, %jit3A_1522, %sign3A_1534 : i32
    %sign3A_1536 = arith.extui %sign3A_1535 : i1 to i32
    %sign3A_1537 = arith.subi %sign3A_1533, %sign3A_1536 : i32
    %ne3A_1538 = arith.cmpi ne, %sign3A_1530, %sign3A_1537 : i32
    %rem3A_1539 = arith.remsi %scan3A_1521, %jit3A_1522 : i32
    %ne3A_1540 = arith.constant 0 : i32
    %ne3A_1541 = arith.cmpi ne, %rem3A_1539, %ne3A_1540 : i32
    %and3A_1542 = arith.andi %ne3A_1538, %ne3A_1541 : i1
    %sub3A_1543 = arith.constant 1 : i32
    %sub3A_1544 = arith.subi %div3A_1523, %sub3A_1543 : i32
    %select_n3A_1545 = arith.select %and3A_1542, %sub3A_1544, %div3A_1523 : i32
    %jit3A_1546 = arith.constant 8 : i32
    %eq3A_1547 = arith.constant 0 : i32
    %eq3A_1548 = arith.cmpi eq, %jit3A_1546, %eq3A_1547 : i32
    %jit3A_1549 = arith.constant 1 : i32
    %select_n3A_1550 = arith.select %eq3A_1548, %jit3A_1549, %jit3A_1546 : i32
    %rem3A_1551 = arith.remsi %scan3A_1521, %select_n3A_1550 : i32
    %ne3A_1552 = arith.constant 0 : i32
    %ne3A_1553 = arith.cmpi ne, %rem3A_1551, %ne3A_1552 : i32
    %lt3A_1554 = arith.constant 0 : i32
    %lt3A_1555 = arith.cmpi slt, %rem3A_1551, %lt3A_1554 : i32
    %lt3A_1556 = arith.constant 0 : i32
    %lt3A_1557 = arith.cmpi slt, %select_n3A_1550, %lt3A_1556 : i32
    %ne3A_1558 = arith.xori %lt3A_1555, %lt3A_1557 : i1
    %and3A_1559 = arith.andi %ne3A_1558, %ne3A_1553 : i1
    %add3A_1560 = arith.addi %rem3A_1551, %select_n3A_1550 : i32
    %select_n3A_1561 = arith.select %and3A_1559, %add3A_1560, %rem3A_1551 : i32
    %mul3A_1562 = arith.constant 16 : i32
    %mul3A_1563 = arith.muli %select_n3A_1561, %mul3A_1562 : i32
    %get3A_1564 = arith.index_cast %select_n3A_1545 : i32 to index
    %get3A_1565 = arith.index_cast %mul3A_1563 : i32 to index
    %get3A_1566 = tpu.vector_load %arg10[%get3A_1564, %get3A_1565] {strides = array<i32>} : memref<4x128xi32, #tpu.memory_space<vmem>>, vector<16xi32>,
    %swap3A_1567 = arith.index_cast %select_n3A_1545 : i32 to index
    %swap3A_1568 = arith.index_cast %mul3A_1563 : i32 to index
    %swap3A_1569 = tpu.vector_load %arg11[%swap3A_1567, %swap3A_1568] {strides = array<i32>} : memref<4x128xi32, #tpu.memory_space<vmem>>, vector<16xi32>,
    tpu.vector_store %arg11[%swap3A_1567, %swap3A_1568], %get3A_1566 {strides = array<i32>} : memref<4x128xi32, #tpu.memory_space<vmem>>, vector<16xi32>,
    %scan3A_1570 = arith.constant 32 : i32
    %dma_start3A = arith.constant 0 : i32
    %dma_start3A_1571 = arith.constant 0 : i32
    %dma_start3A_1572 = arith.constant 0 : i32
    %dma_start3A_1573 = tpu.memref_slice %arg12[%dma_start3A_1571, %dma_start3A_1572] : memref<6x512xf32, #tpu.memory_space<vmem>> -> memref<1x128xf32, #tpu.memory_space<vmem>>
    %dma_start3A_1574 = tpu.memref_squeeze %dma_start3A_1573 : memref<1x128xf32, #tpu.memory_space<vmem>> -> memref<128xf32, #tpu.memory_space<vmem>>
    %dma_start3A_1575 = arith.constant 0 : i32
    %dma_start3A_1576 = tpu.memref_slice %arg11[%dma_start3A, %dma_start3A_1575] : memref<4x128xi32, #tpu.memory_space<vmem>> -> memref<1x128xi32, #tpu.memory_space<vmem>>
    %dma_start3A_1577 = tpu.memref_squeeze %dma_start3A_1576 : memref<1x128xi32, #tpu.memory_space<vmem>> -> memref<128xi32, #tpu.memory_space<vmem>>
    %dma_start3A_1578 = arith.constant 0 : i32
    %dma_start3A_1579 = tpu.memref_slice %arg3[%dma_start3A_1578] : memref<100000xf32, #tpu.memory_space<hbm>> -> memref<100000xf32, #tpu.memory_space<hbm>>
    tpu.enqueue_indirect_dma source(%dma_start3A_1579 : memref<100000xf32, #tpu.memory_space<hbm>>) target(%dma_start3A_1574 : memref<128xf32, #tpu.memory_space<vmem>>) offsets(%dma_start3A_1577 : memref<128xi32, #tpu.memory_space<vmem>>) semaphore(%arg14 : memref<!tpu.dma_semaphore, #tpu.memory_space<semaphore_mem>>)
    %dma_start3A_1580 = arith.constant 1 : i32
    %dma_start3A_1581 = arith.constant 0 : i32
    %dma_start3A_1582 = arith.constant 128 : i32
    %dma_start3A_1583 = tpu.memref_slice %arg12[%dma_start3A_1581, %dma_start3A_1582] : memref<6x512xf32, #tpu.memory_space<vmem>> -> memref<1x128xf32, #tpu.memory_space<vmem>>
    %dma_start3A_1584 = tpu.memref_squeeze %dma_start3A_1583 : memref<1x128xf32, #tpu.memory_space<vmem>> -> memref<128xf32, #tpu.memory_space<vmem>>
    %dma_start3A_1585 = arith.constant 0 : i32
    %dma_start3A_1586 = tpu.memref_slice %arg11[%dma_start3A_1580, %dma_start3A_1585] : memref<4x128xi32, #tpu.memory_space<vmem>> -> memref<1x128xi32, #tpu.memory_space<vmem>>
    %dma_start3A_1587 = tpu.memref_squeeze %dma_start3A_1586 : memref<1x128xi32, #tpu.memory_space<vmem>> -> memref<128xi32, #tpu.memory_space<vmem>>
    %dma_start3A_1588 = arith.constant 0 : i32
    %dma_start3A_1589 = tpu.memref_slice %arg3[%dma_start3A_1588] : memref<100000xf32, #tpu.memory_space<hbm>> -> memref<100000xf32, #tpu.memory_space<hbm>>
    tpu.enqueue_indirect_dma source(%dma_start3A_1589 : memref<100000xf32, #tpu.memory_space<hbm>>) target(%dma_start3A_1584 : memref<128xf32, #tpu.memory_space<vmem>>) offsets(%dma_start3A_1587 : memref<128xi32, #tpu.memory_space<vmem>>) semaphore(%arg14 : memref<!tpu.dma_semaphore, #tpu.memory_space<semaphore_mem>>)
    %dma_start3A_1590 = arith.constant 2 : i32
    %dma_start3A_1591 = arith.constant 0 : i32
    %dma_start3A_1592 = arith.constant 256 : i32
    %dma_start3A_1593 = tpu.memref_slice %arg12[%dma_start3A_1591, %dma_start3A_1592] : memref<6x512xf32, #tpu.memory_space<vmem>> -> memref<1x128xf32, #tpu.memory_space<vmem>>
    %dma_start3A_1594 = tpu.memref_squeeze %dma_start3A_1593 : memref<1x128xf32, #tpu.memory_space<vmem>> -> memref<128xf32, #tpu.memory_space<vmem>>
    %dma_start3A_1595 = arith.constant 0 : i32
    %dma_start3A_1596 = tpu.memref_slice %arg11[%dma_start3A_1590, %dma_start3A_1595] : memref<4x128xi32, #tpu.memory_space<vmem>> -> memref<1x128xi32, #tpu.memory_space<vmem>>
    %dma_start3A_1597 = tpu.memref_squeeze %dma_start3A_1596 : memref<1x128xi32, #tpu.memory_space<vmem>> -> memref<128xi32, #tpu.memory_space<vmem>>
    %dma_start3A_1598 = arith.constant 0 : i32
    %dma_start3A_1599 = tpu.memref_slice %arg3[%dma_start3A_1598] : memref<100000xf32, #tpu.memory_space<hbm>> -> memref<100000xf32, #tpu.memory_space<hbm>>
    tpu.enqueue_indirect_dma source(%dma_start3A_1599 : memref<100000xf32, #tpu.memory_space<hbm>>) target(%dma_start3A_1594 : memref<128xf32, #tpu.memory_space<vmem>>) offsets(%dma_start3A_1597 : memref<128xi32, #tpu.memory_space<vmem>>) semaphore(%arg14 : memref<!tpu.dma_semaphore, #tpu.memory_space<semaphore_mem>>)
    %dma_start3A_1600 = arith.constant 3 : i32
    %dma_start3A_1601 = arith.constant 0 : i32
    %dma_start3A_1602 = arith.constant 384 : i32
    %dma_start3A_1603 = tpu.memref_slice %arg12[%dma_start3A_1601, %dma_start3A_1602] : memref<6x512xf32, #tpu.memory_space<vmem>> -> memref<1x128xf32, #tpu.memory_space<vmem>>
    %dma_start3A_1604 = tpu.memref_squeeze %dma_start3A_1603 : memref<1x128xf32, #tpu.memory_space<vmem>> -> memref<128xf32, #tpu.memory_space<vmem>>
    %dma_start3A_1605 = arith.constant 0 : i32
    %dma_start3A_1606 = tpu.memref_slice %arg11[%dma_start3A_1600, %dma_start3A_1605] : memref<4x128xi32, #tpu.memory_space<vmem>> -> memref<1x128xi32, #tpu.memory_space<vmem>>
    %dma_start3A_1607 = tpu.memref_squeeze %dma_start3A_1606 : memref<1x128xi32, #tpu.memory_space<vmem>> -> memref<128xi32, #tpu.memory_space<vmem>>
    %dma_start3A_1608 = arith.constant 0 : i32
    %dma_start3A_1609 = tpu.memref_slice %arg3[%dma_start3A_1608] : memref<100000xf32, #tpu.memory_space<hbm>> -> memref<100000xf32, #tpu.memory_space<hbm>>
    tpu.enqueue_indirect_dma source(%dma_start3A_1609 : memref<100000xf32, #tpu.memory_space<hbm>>) target(%dma_start3A_1604 : memref<128xf32, #tpu.memory_space<vmem>>) offsets(%dma_start3A_1607 : memref<128xi32, #tpu.memory_space<vmem>>) semaphore(%arg14 : memref<!tpu.dma_semaphore, #tpu.memory_space<semaphore_mem>>)
    %dma_start3A_1610 = arith.constant 0 : i32
    %dma_start3A_1611 = arith.constant 1 : i32
    %dma_start3A_1612 = arith.constant 0 : i32
    %dma_start3A_1613 = tpu.memref_slice %arg12[%dma_start3A_1611, %dma_start3A_1612] : memref<6x512xf32, #tpu.memory_space<vmem>> -> memref<1x128xf32, #tpu.memory_space<vmem>>
    %dma_start3A_1614 = tpu.memref_squeeze %dma_start3A_1613 : memref<1x128xf32, #tpu.memory_space<vmem>> -> memref<128xf32, #tpu.memory_space<vmem>>
    %dma_start3A_1615 = arith.constant 0 : i32
    %dma_start3A_1616 = tpu.memref_slice %arg11[%dma_start3A_1610, %dma_start3A_1615] : memref<4x128xi32, #tpu.memory_space<vmem>> -> memref<1x128xi32, #tpu.memory_space<vmem>>
    %dma_start3A_1617 = tpu.memref_squeeze %dma_start3A_1616 : memref<1x128xi32, #tpu.memory_space<vmem>> -> memref<128xi32, #tpu.memory_space<vmem>>
    %dma_start3A_1618 = arith.constant 0 : i32
    %dma_start3A_1619 = tpu.memref_slice %arg4[%dma_start3A_1618] : memref<100000xf32, #tpu.memory_space<hbm>> -> memref<100000xf32, #tpu.memory_space<hbm>>
    tpu.enqueue_indirect_dma source(%dma_start3A_1619 : memref<100000xf32, #tpu.memory_space<hbm>>) target(%dma_start3A_1614 : memref<128xf32, #tpu.memory_space<vmem>>) offsets(%dma_start3A_1617 : memref<128xi32, #tpu.memory_space<vmem>>) semaphore(%arg14 : memref<!tpu.dma_semaphore, #tpu.memory_space<semaphore_mem>>)
    %dma_start3A_1620 = arith.constant 1 : i32
    %dma_start3A_1621 = arith.constant 1 : i32
    %dma_start3A_1622 = arith.constant 128 : i32
    %dma_start3A_1623 = tpu.memref_slice %arg12[%dma_start3A_1621, %dma_start3A_1622] : memref<6x512xf32, #tpu.memory_space<vmem>> -> memref<1x128xf32, #tpu.memory_space<vmem>>
    %dma_start3A_1624 = tpu.memref_squeeze %dma_start3A_1623 : memref<1x128xf32, #tpu.memory_space<vmem>> -> memref<128xf32, #tpu.memory_space<vmem>>
    %dma_start3A_1625 = arith.constant 0 : i32
    %dma_start3A_1626 = tpu.memref_slice %arg11[%dma_start3A_1620, %dma_start3A_1625] : memref<4x128xi32, #tpu.memory_space<vmem>> -> memref<1x128xi32, #tpu.memory_space<vmem>>
    %dma_start3A_1627 = tpu.memref_squeeze %dma_start3A_1626 : memref<1x128xi32, #tpu.memory_space<vmem>> -> memref<128xi32, #tpu.memory_space<vmem>>
    %dma_start3A_1628 = arith.constant 0 : i32
    %dma_start3A_1629 = tpu.memref_slice %arg4[%dma_start3A_1628] : memref<100000xf32, #tpu.memory_space<hbm>> -> memref<100000xf32, #tpu.memory_space<hbm>>
    tpu.enqueue_indirect_dma source(%dma_start3A_1629 : memref<100000xf32, #tpu.memory_space<hbm>>) target(%dma_start3A_1624 : memref<128xf32, #tpu.memory_space<vmem>>) offsets(%dma_start3A_1627 : memref<128xi32, #tpu.memory_space<vmem>>) semaphore(%arg14 : memref<!tpu.dma_semaphore, #tpu.memory_space<semaphore_mem>>)
    %dma_start3A_1630 = arith.constant 2 : i32
    %dma_start3A_1631 = arith.constant 1 : i32
    %dma_start3A_1632 = arith.constant 256 : i32
    %dma_start3A_1633 = tpu.memref_slice %arg12[%dma_start3A_1631, %dma_start3A_1632] : memref<6x512xf32, #tpu.memory_space<vmem>> -> memref<1x128xf32, #tpu.memory_space<vmem>>
    %dma_start3A_1634 = tpu.memref_squeeze %dma_start3A_1633 : memref<1x128xf32, #tpu.memory_space<vmem>> -> memref<128xf32, #tpu.memory_space<vmem>>
    %dma_start3A_1635 = arith.constant 0 : i32
    %dma_start3A_1636 = tpu.memref_slice %arg11[%dma_start3A_1630, %dma_start3A_1635] : memref<4x128xi32, #tpu.memory_space<vmem>> -> memref<1x128xi32, #tpu.memory_space<vmem>>
    %dma_start3A_1637 = tpu.memref_squeeze %dma_start3A_1636 : memref<1x128xi32, #tpu.memory_space<vmem>> -> memref<128xi32, #tpu.memory_space<vmem>>
    %dma_start3A_1638 = arith.constant 0 : i32
    %dma_start3A_1639 = tpu.memref_slice %arg4[%dma_start3A_1638] : memref<100000xf32, #tpu.memory_space<hbm>> -> memref<100000xf32, #tpu.memory_space<hbm>>
    tpu.enqueue_indirect_dma source(%dma_start3A_1639 : memref<100000xf32, #tpu.memory_space<hbm>>) target(%dma_start3A_1634 : memref<128xf32, #tpu.memory_space<vmem>>) offsets(%dma_start3A_1637 : memref<128xi32, #tpu.memory_space<vmem>>) semaphore(%arg14 : memref<!tpu.dma_semaphore, #tpu.memory_space<semaphore_mem>>)
    %dma_start3A_1640 = arith.constant 3 : i32
    %dma_start3A_1641 = arith.constant 1 : i32
    %dma_start3A_1642 = arith.constant 384 : i32
    %dma_start3A_1643 = tpu.memref_slice %arg12[%dma_start3A_1641, %dma_start3A_1642] : memref<6x512xf32, #tpu.memory_space<vmem>> -> memref<1x128xf32, #tpu.memory_space<vmem>>
    %dma_start3A_1644 = tpu.memref_squeeze %dma_start3A_1643 : memref<1x128xf32, #tpu.memory_space<vmem>> -> memref<128xf32, #tpu.memory_space<vmem>>
    %dma_start3A_1645 = arith.constant 0 : i32
    %dma_start3A_1646 = tpu.memref_slice %arg11[%dma_start3A_1640, %dma_start3A_1645] : memref<4x128xi32, #tpu.memory_space<vmem>> -> memref<1x128xi32, #tpu.memory_space<vmem>>
    %dma_start3A_1647 = tpu.memref_squeeze %dma_start3A_1646 : memref<1x128xi32, #tpu.memory_space<vmem>> -> memref<128xi32, #tpu.memory_space<vmem>>
    %dma_start3A_1648 = arith.constant 0 : i32
    %dma_start3A_1649 = tpu.memref_slice %arg4[%dma_start3A_1648] : memref<100000xf32, #tpu.memory_space<hbm>> -> memref<100000xf32, #tpu.memory_space<hbm>>
    tpu.enqueue_indirect_dma source(%dma_start3A_1649 : memref<100000xf32, #tpu.memory_space<hbm>>) target(%dma_start3A_1644 : memref<128xf32, #tpu.memory_space<vmem>>) offsets(%dma_start3A_1647 : memref<128xi32, #tpu.memory_space<vmem>>) semaphore(%arg14 : memref<!tpu.dma_semaphore, #tpu.memory_space<semaphore_mem>>)
    %dma_start3A_1650 = arith.constant 0 : i32
    %dma_start3A_1651 = arith.constant 2 : i32
    %dma_start3A_1652 = arith.constant 0 : i32
    %dma_start3A_1653 = tpu.memref_slice %arg12[%dma_start3A_1651, %dma_start3A_1652] : memref<6x512xf32, #tpu.memory_space<vmem>> -> memref<1x128xf32, #tpu.memory_space<vmem>>
    %dma_start3A_1654 = tpu.memref_squeeze %dma_start3A_1653 : memref<1x128xf32, #tpu.memory_space<vmem>> -> memref<128xf32, #tpu.memory_space<vmem>>
    %dma_start3A_1655 = arith.constant 0 : i32
    %dma_start3A_1656 = tpu.memref_slice %arg11[%dma_start3A_1650, %dma_start3A_1655] : memref<4x128xi32, #tpu.memory_space<vmem>> -> memref<1x128xi32, #tpu.memory_space<vmem>>
    %dma_start3A_1657 = tpu.memref_squeeze %dma_start3A_1656 : memref<1x128xi32, #tpu.memory_space<vmem>> -> memref<128xi32, #tpu.memory_space<vmem>>
    %dma_start3A_1658 = arith.constant 0 : i32
    %dma_start3A_1659 = tpu.memref_slice %arg5[%dma_start3A_1658] : memref<100000xf32, #tpu.memory_space<hbm>> -> memref<100000xf32, #tpu.memory_space<hbm>>
    tpu.enqueue_indirect_dma source(%dma_start3A_1659 : memref<100000xf32, #tpu.memory_space<hbm>>) target(%dma_start3A_1654 : memref<128xf32, #tpu.memory_space<vmem>>) offsets(%dma_start3A_1657 : memref<128xi32, #tpu.memory_space<vmem>>) semaphore(%arg14 : memref<!tpu.dma_semaphore, #tpu.memory_space<semaphore_mem>>)
    %dma_start3A_1660 = arith.constant 1 : i32
    %dma_start3A_1661 = arith.constant 2 : i32
    %dma_start3A_1662 = arith.constant 128 : i32
    %dma_start3A_1663 = tpu.memref_slice %arg12[%dma_start3A_1661, %dma_start3A_1662] : memref<6x512xf32, #tpu.memory_space<vmem>> -> memref<1x128xf32, #tpu.memory_space<vmem>>
    %dma_start3A_1664 = tpu.memref_squeeze %dma_start3A_1663 : memref<1x128xf32, #tpu.memory_space<vmem>> -> memref<128xf32, #tpu.memory_space<vmem>>
    %dma_start3A_1665 = arith.constant 0 : i32
    %dma_start3A_1666 = tpu.memref_slice %arg11[%dma_start3A_1660, %dma_start3A_1665] : memref<4x128xi32, #tpu.memory_space<vmem>> -> memref<1x128xi32, #tpu.memory_space<vmem>>
    %dma_start3A_1667 = tpu.memref_squeeze %dma_start3A_1666 : memref<1x128xi32, #tpu.memory_space<vmem>> -> memref<128xi32, #tpu.memory_space<vmem>>
    %dma_start3A_1668 = arith.constant 0 : i32
    %dma_start3A_1669 = tpu.memref_slice %arg5[%dma_start3A_1668] : memref<100000xf32, #tpu.memory_space<hbm>> -> memref<100000xf32, #tpu.memory_space<hbm>>
    tpu.enqueue_indirect_dma source(%dma_start3A_1669 : memref<100000xf32, #tpu.memory_space<hbm>>) target(%dma_start3A_1664 : memref<128xf32, #tpu.memory_space<vmem>>) offsets(%dma_start3A_1667 : memref<128xi32, #tpu.memory_space<vmem>>) semaphore(%arg14 : memref<!tpu.dma_semaphore, #tpu.memory_space<semaphore_mem>>)
    %dma_start3A_1670 = arith.constant 2 : i32
    %dma_start3A_1671 = arith.constant 2 : i32
    %dma_start3A_1672 = arith.constant 256 : i32
    %dma_start3A_1673 = tpu.memref_slice %arg12[%dma_start3A_1671, %dma_start3A_1672] : memref<6x512xf32, #tpu.memory_space<vmem>> -> memref<1x128xf32, #tpu.memory_space<vmem>>
    %dma_start3A_1674 = tpu.memref_squeeze %dma_start3A_1673 : memref<1x128xf32, #tpu.memory_space<vmem>> -> memref<128xf32, #tpu.memory_space<vmem>>
    %dma_start3A_1675 = arith.constant 0 : i32
    %dma_start3A_1676 = tpu.memref_slice %arg11[%dma_start3A_1670, %dma_start3A_1675] : memref<4x128xi32, #tpu.memory_space<vmem>> -> memref<1x128xi32, #tpu.memory_space<vmem>>
    %dma_start3A_1677 = tpu.memref_squeeze %dma_start3A_1676 : memref<1x128xi32, #tpu.memory_space<vmem>> -> memref<128xi32, #tpu.memory_space<vmem>>
    %dma_start3A_1678 = arith.constant 0 : i32
    %dma_start3A_1679 = tpu.memref_slice %arg5[%dma_start3A_1678] : memref<100000xf32, #tpu.memory_space<hbm>> -> memref<100000xf32, #tpu.memory_space<hbm>>
    tpu.enqueue_indirect_dma source(%dma_start3A_1679 : memref<100000xf32, #tpu.memory_space<hbm>>) target(%dma_start3A_1674 : memref<128xf32, #tpu.memory_space<vmem>>) offsets(%dma_start3A_1677 : memref<128xi32, #tpu.memory_space<vmem>>) semaphore(%arg14 : memref<!tpu.dma_semaphore, #tpu.memory_space<semaphore_mem>>)
    %dma_start3A_1680 = arith.constant 3 : i32
    %dma_start3A_1681 = arith.constant 2 : i32
    %dma_start3A_1682 = arith.constant 384 : i32
    %dma_start3A_1683 = tpu.memref_slice %arg12[%dma_start3A_1681, %dma_start3A_1682] : memref<6x512xf32, #tpu.memory_space<vmem>> -> memref<1x128xf32, #tpu.memory_space<vmem>>
    %dma_start3A_1684 = tpu.memref_squeeze %dma_start3A_1683 : memref<1x128xf32, #tpu.memory_space<vmem>> -> memref<128xf32, #tpu.memory_space<vmem>>
    %dma_start3A_1685 = arith.constant 0 : i32
    %dma_start3A_1686 = tpu.memref_slice %arg11[%dma_start3A_1680, %dma_start3A_1685] : memref<4x128xi32, #tpu.memory_space<vmem>> -> memref<1x128xi32, #tpu.memory_space<vmem>>
    %dma_start3A_1687 = tpu.memref_squeeze %dma_start3A_1686 : memref<1x128xi32, #tpu.memory_space<vmem>> -> memref<128xi32, #tpu.memory_space<vmem>>
    %dma_start3A_1688 = arith.constant 0 : i32
    %dma_start3A_1689 = tpu.memref_slice %arg5[%dma_start3A_1688] : memref<100000xf32, #tpu.memory_space<hbm>> -> memref<100000xf32, #tpu.memory_space<hbm>>
    tpu.enqueue_indirect_dma source(%dma_start3A_1689 : memref<100000xf32, #tpu.memory_space<hbm>>) target(%dma_start3A_1684 : memref<128xf32, #tpu.memory_space<vmem>>) offsets(%dma_start3A_1687 : memref<128xi32, #tpu.memory_space<vmem>>) semaphore(%arg14 : memref<!tpu.dma_semaphore, #tpu.memory_space<semaphore_mem>>)
    %dma_start3A_1690 = arith.constant 0 : i32
    %dma_start3A_1691 = arith.constant 3 : i32
    %dma_start3A_1692 = arith.constant 0 : i32
    %dma_start3A_1693 = tpu.memref_slice %arg12[%dma_start3A_1691, %dma_start3A_1692] : memref<6x512xf32, #tpu.memory_space<vmem>> -> memref<1x128xf32, #tpu.memory_space<vmem>>
    %dma_start3A_1694 = tpu.memref_squeeze %dma_start3A_1693 : memref<1x128xf32, #tpu.memory_space<vmem>> -> memref<128xf32, #tpu.memory_space<vmem>>
    %dma_start3A_1695 = arith.constant 0 : i32
    %dma_start3A_1696 = tpu.memref_slice %arg11[%dma_start3A_1690, %dma_start3A_1695] : memref<4x128xi32, #tpu.memory_space<vmem>> -> memref<1x128xi32, #tpu.memory_space<vmem>>
    %dma_start3A_1697 = tpu.memref_squeeze %dma_start3A_1696 : memref<1x128xi32, #tpu.memory_space<vmem>> -> memref<128xi32, #tpu.memory_space<vmem>>
    %dma_start3A_1698 = arith.constant 0 : i32
    %dma_start3A_1699 = tpu.memref_slice %arg6[%dma_start3A_1698] : memref<100000xf32, #tpu.memory_space<hbm>> -> memref<100000xf32, #tpu.memory_space<hbm>>
    tpu.enqueue_indirect_dma source(%dma_start3A_1699 : memref<100000xf32, #tpu.memory_space<hbm>>) target(%dma_start3A_1694 : memref<128xf32, #tpu.memory_space<vmem>>) offsets(%dma_start3A_1697 : memref<128xi32, #tpu.memory_space<vmem>>) semaphore(%arg14 : memref<!tpu.dma_semaphore, #tpu.memory_space<semaphore_mem>>)
    %dma_start3A_1700 = arith.constant 1 : i32
    %dma_start3A_1701 = arith.constant 3 : i32
    %dma_start3A_1702 = arith.constant 128 : i32
    %dma_start3A_1703 = tpu.memref_slice %arg12[%dma_start3A_1701, %dma_start3A_1702] : memref<6x512xf32, #tpu.memory_space<vmem>> -> memref<1x128xf32, #tpu.memory_space<vmem>>
    %dma_start3A_1704 = tpu.memref_squeeze %dma_start3A_1703 : memref<1x128xf32, #tpu.memory_space<vmem>> -> memref<128xf32, #tpu.memory_space<vmem>>
    %dma_start3A_1705 = arith.constant 0 : i32
    %dma_start3A_1706 = tpu.memref_slice %arg11[%dma_start3A_1700, %dma_start3A_1705] : memref<4x128xi32, #tpu.memory_space<vmem>> -> memref<1x128xi32, #tpu.memory_space<vmem>>
    %dma_start3A_1707 = tpu.memref_squeeze %dma_start3A_1706 : memref<1x128xi32, #tpu.memory_space<vmem>> -> memref<128xi32, #tpu.memory_space<vmem>>
    %dma_start3A_1708 = arith.constant 0 : i32
    %dma_start3A_1709 = tpu.memref_slice %arg6[%dma_start3A_1708] : memref<100000xf32, #tpu.memory_space<hbm>> -> memref<100000xf32, #tpu.memory_space<hbm>>
    tpu.enqueue_indirect_dma source(%dma_start3A_1709 : memref<100000xf32, #tpu.memory_space<hbm>>) target(%dma_start3A_1704 : memref<128xf32, #tpu.memory_space<vmem>>) offsets(%dma_start3A_1707 : memref<128xi32, #tpu.memory_space<vmem>>) semaphore(%arg14 : memref<!tpu.dma_semaphore, #tpu.memory_space<semaphore_mem>>)
    %dma_start3A_1710 = arith.constant 2 : i32
    %dma_start3A_1711 = arith.constant 3 : i32
    %dma_start3A_1712 = arith.constant 256 : i32
    %dma_start3A_1713 = tpu.memref_slice %arg12[%dma_start3A_1711, %dma_start3A_1712] : memref<6x512xf32, #tpu.memory_space<vmem>> -> memref<1x128xf32, #tpu.memory_space<vmem>>
    %dma_start3A_1714 = tpu.memref_squeeze %dma_start3A_1713 : memref<1x128xf32, #tpu.memory_space<vmem>> -> memref<128xf32, #tpu.memory_space<vmem>>
    %dma_start3A_1715 = arith.constant 0 : i32
    %dma_start3A_1716 = tpu.memref_slice %arg11[%dma_start3A_1710, %dma_start3A_1715] : memref<4x128xi32, #tpu.memory_space<vmem>> -> memref<1x128xi32, #tpu.memory_space<vmem>>
    %dma_start3A_1717 = tpu.memref_squeeze %dma_start3A_1716 : memref<1x128xi32, #tpu.memory_space<vmem>> -> memref<128xi32, #tpu.memory_space<vmem>>
    %dma_start3A_1718 = arith.constant 0 : i32
    %dma_start3A_1719 = tpu.memref_slice %arg6[%dma_start3A_1718] : memref<100000xf32, #tpu.memory_space<hbm>> -> memref<100000xf32, #tpu.memory_space<hbm>>
    tpu.enqueue_indirect_dma source(%dma_start3A_1719 : memref<100000xf32, #tpu.memory_space<hbm>>) target(%dma_start3A_1714 : memref<128xf32, #tpu.memory_space<vmem>>) offsets(%dma_start3A_1717 : memref<128xi32, #tpu.memory_space<vmem>>) semaphore(%arg14 : memref<!tpu.dma_semaphore, #tpu.memory_space<semaphore_mem>>)
    %dma_start3A_1720 = arith.constant 3 : i32
    %dma_start3A_1721 = arith.constant 3 : i32
    %dma_start3A_1722 = arith.constant 384 : i32
    %dma_start3A_1723 = tpu.memref_slice %arg12[%dma_start3A_1721, %dma_start3A_1722] : memref<6x512xf32, #tpu.memory_space<vmem>> -> memref<1x128xf32, #tpu.memory_space<vmem>>
    %dma_start3A_1724 = tpu.memref_squeeze %dma_start3A_1723 : memref<1x128xf32, #tpu.memory_space<vmem>> -> memref<128xf32, #tpu.memory_space<vmem>>
    %dma_start3A_1725 = arith.constant 0 : i32
    %dma_start3A_1726 = tpu.memref_slice %arg11[%dma_start3A_1720, %dma_start3A_1725] : memref<4x128xi32, #tpu.memory_space<vmem>> -> memref<1x128xi32, #tpu.memory_space<vmem>>
    %dma_start3A_1727 = tpu.memref_squeeze %dma_start3A_1726 : memref<1x128xi32, #tpu.memory_space<vmem>> -> memref<128xi32, #tpu.memory_space<vmem>>
    %dma_start3A_1728 = arith.constant 0 : i32
    %dma_start3A_1729 = tpu.memref_slice %arg6[%dma_start3A_1728] : memref<100000xf32, #tpu.memory_space<hbm>> -> memref<100000xf32, #tpu.memory_space<hbm>>
    tpu.enqueue_indirect_dma source(%dma_start3A_1729 : memref<100000xf32, #tpu.memory_space<hbm>>) target(%dma_start3A_1724 : memref<128xf32, #tpu.memory_space<vmem>>) offsets(%dma_start3A_1727 : memref<128xi32, #tpu.memory_space<vmem>>) semaphore(%arg14 : memref<!tpu.dma_semaphore, #tpu.memory_space<semaphore_mem>>)
    %dma_start3A_1730 = arith.constant 0 : i32
    %dma_start3A_1731 = arith.constant 4 : i32
    %dma_start3A_1732 = arith.constant 0 : i32
    %dma_start3A_1733 = tpu.memref_slice %arg12[%dma_start3A_1731, %dma_start3A_1732] : memref<6x512xf32, #tpu.memory_space<vmem>> -> memref<1x128xf32, #tpu.memory_space<vmem>>
    %dma_start3A_1734 = tpu.memref_squeeze %dma_start3A_1733 : memref<1x128xf32, #tpu.memory_space<vmem>> -> memref<128xf32, #tpu.memory_space<vmem>>
    %dma_start3A_1735 = arith.constant 0 : i32
    %dma_start3A_1736 = tpu.memref_slice %arg11[%dma_start3A_1730, %dma_start3A_1735] : memref<4x128xi32, #tpu.memory_space<vmem>> -> memref<1x128xi32, #tpu.memory_space<vmem>>
    %dma_start3A_1737 = tpu.memref_squeeze %dma_start3A_1736 : memref<1x128xi32, #tpu.memory_space<vmem>> -> memref<128xi32, #tpu.memory_space<vmem>>
    %dma_start3A_1738 = arith.constant 0 : i32
    %dma_start3A_1739 = tpu.memref_slice %arg7[%dma_start3A_1738] : memref<100000xf32, #tpu.memory_space<hbm>> -> memref<100000xf32, #tpu.memory_space<hbm>>
    tpu.enqueue_indirect_dma source(%dma_start3A_1739 : memref<100000xf32, #tpu.memory_space<hbm>>) target(%dma_start3A_1734 : memref<128xf32, #tpu.memory_space<vmem>>) offsets(%dma_start3A_1737 : memref<128xi32, #tpu.memory_space<vmem>>) semaphore(%arg14 : memref<!tpu.dma_semaphore, #tpu.memory_space<semaphore_mem>>)
    %dma_start3A_1740 = arith.constant 1 : i32
    %dma_start3A_1741 = arith.constant 4 : i32
    %dma_start3A_1742 = arith.constant 128 : i32
    %dma_start3A_1743 = tpu.memref_slice %arg12[%dma_start3A_1741, %dma_start3A_1742] : memref<6x512xf32, #tpu.memory_space<vmem>> -> memref<1x128xf32, #tpu.memory_space<vmem>>
    %dma_start3A_1744 = tpu.memref_squeeze %dma_start3A_1743 : memref<1x128xf32, #tpu.memory_space<vmem>> -> memref<128xf32, #tpu.memory_space<vmem>>
    %dma_start3A_1745 = arith.constant 0 : i32
    %dma_start3A_1746 = tpu.memref_slice %arg11[%dma_start3A_1740, %dma_start3A_1745] : memref<4x128xi32, #tpu.memory_space<vmem>> -> memref<1x128xi32, #tpu.memory_space<vmem>>
    %dma_start3A_1747 = tpu.memref_squeeze %dma_start3A_1746 : memref<1x128xi32, #tpu.memory_space<vmem>> -> memref<128xi32, #tpu.memory_space<vmem>>
    %dma_start3A_1748 = arith.constant 0 : i32
    %dma_start3A_1749 = tpu.memref_slice %arg7[%dma_start3A_1748] : memref<100000xf32, #tpu.memory_space<hbm>> -> memref<100000xf32, #tpu.memory_space<hbm>>
    tpu.enqueue_indirect_dma source(%dma_start3A_1749 : memref<100000xf32, #tpu.memory_space<hbm>>) target(%dma_start3A_1744 : memref<128xf32, #tpu.memory_space<vmem>>) offsets(%dma_start3A_1747 : memref<128xi32, #tpu.memory_space<vmem>>) semaphore(%arg14 : memref<!tpu.dma_semaphore, #tpu.memory_space<semaphore_mem>>)
    %dma_start3A_1750 = arith.constant 2 : i32
    %dma_start3A_1751 = arith.constant 4 : i32
    %dma_start3A_1752 = arith.constant 256 : i32
    %dma_start3A_1753 = tpu.memref_slice %arg12[%dma_start3A_1751, %dma_start3A_1752] : memref<6x512xf32, #tpu.memory_space<vmem>> -> memref<1x128xf32, #tpu.memory_space<vmem>>
    %dma_start3A_1754 = tpu.memref_squeeze %dma_start3A_1753 : memref<1x128xf32, #tpu.memory_space<vmem>> -> memref<128xf32, #tpu.memory_space<vmem>>
    %dma_start3A_1755 = arith.constant 0 : i32
    %dma_start3A_1756 = tpu.memref_slice %arg11[%dma_start3A_1750, %dma_start3A_1755] : memref<4x128xi32, #tpu.memory_space<vmem>> -> memref<1x128xi32, #tpu.memory_space<vmem>>
    %dma_start3A_1757 = tpu.memref_squeeze %dma_start3A_1756 : memref<1x128xi32, #tpu.memory_space<vmem>> -> memref<128xi32, #tpu.memory_space<vmem>>
    %dma_start3A_1758 = arith.constant 0 : i32
    %dma_start3A_1759 = tpu.memref_slice %arg7[%dma_start3A_1758] : memref<100000xf32, #tpu.memory_space<hbm>> -> memref<100000xf32, #tpu.memory_space<hbm>>
    tpu.enqueue_indirect_dma source(%dma_start3A_1759 : memref<100000xf32, #tpu.memory_space<hbm>>) target(%dma_start3A_1754 : memref<128xf32, #tpu.memory_space<vmem>>) offsets(%dma_start3A_1757 : memref<128xi32, #tpu.memory_space<vmem>>) semaphore(%arg14 : memref<!tpu.dma_semaphore, #tpu.memory_space<semaphore_mem>>)
    %dma_start3A_1760 = arith.constant 3 : i32
    %dma_start3A_1761 = arith.constant 4 : i32
    %dma_start3A_1762 = arith.constant 384 : i32
    %dma_start3A_1763 = tpu.memref_slice %arg12[%dma_start3A_1761, %dma_start3A_1762] : memref<6x512xf32, #tpu.memory_space<vmem>> -> memref<1x128xf32, #tpu.memory_space<vmem>>
    %dma_start3A_1764 = tpu.memref_squeeze %dma_start3A_1763 : memref<1x128xf32, #tpu.memory_space<vmem>> -> memref<128xf32, #tpu.memory_space<vmem>>
    %dma_start3A_1765 = arith.constant 0 : i32
    %dma_start3A_1766 = tpu.memref_slice %arg11[%dma_start3A_1760, %dma_start3A_1765] : memref<4x128xi32, #tpu.memory_space<vmem>> -> memref<1x128xi32, #tpu.memory_space<vmem>>
    %dma_start3A_1767 = tpu.memref_squeeze %dma_start3A_1766 : memref<1x128xi32, #tpu.memory_space<vmem>> -> memref<128xi32, #tpu.memory_space<vmem>>
    %dma_start3A_1768 = arith.constant 0 : i32
    %dma_start3A_1769 = tpu.memref_slice %arg7[%dma_start3A_1768] : memref<100000xf32, #tpu.memory_space<hbm>> -> memref<100000xf32, #tpu.memory_space<hbm>>
    tpu.enqueue_indirect_dma source(%dma_start3A_1769 : memref<100000xf32, #tpu.memory_space<hbm>>) target(%dma_start3A_1764 : memref<128xf32, #tpu.memory_space<vmem>>) offsets(%dma_start3A_1767 : memref<128xi32, #tpu.memory_space<vmem>>) semaphore(%arg14 : memref<!tpu.dma_semaphore, #tpu.memory_space<semaphore_mem>>)
    %dma_start3A_1770 = arith.constant 0 : i32
    %dma_start3A_1771 = arith.constant 5 : i32
    %dma_start3A_1772 = arith.constant 0 : i32
    %dma_start3A_1773 = tpu.memref_slice %arg12[%dma_start3A_1771, %dma_start3A_1772] : memref<6x512xf32, #tpu.memory_space<vmem>> -> memref<1x128xf32, #tpu.memory_space<vmem>>
    %dma_start3A_1774 = tpu.memref_squeeze %dma_start3A_1773 : memref<1x128xf32, #tpu.memory_space<vmem>> -> memref<128xf32, #tpu.memory_space<vmem>>
    %dma_start3A_1775 = arith.constant 0 : i32
    %dma_start3A_1776 = tpu.memref_slice %arg11[%dma_start3A_1770, %dma_start3A_1775] : memref<4x128xi32, #tpu.memory_space<vmem>> -> memref<1x128xi32, #tpu.memory_space<vmem>>
    %dma_start3A_1777 = tpu.memref_squeeze %dma_start3A_1776 : memref<1x128xi32, #tpu.memory_space<vmem>> -> memref<128xi32, #tpu.memory_space<vmem>>
    %dma_start3A_1778 = arith.constant 0 : i32
    %dma_start3A_1779 = tpu.memref_slice %arg8[%dma_start3A_1778] : memref<100000xf32, #tpu.memory_space<hbm>> -> memref<100000xf32, #tpu.memory_space<hbm>>
    tpu.enqueue_indirect_dma source(%dma_start3A_1779 : memref<100000xf32, #tpu.memory_space<hbm>>) target(%dma_start3A_1774 : memref<128xf32, #tpu.memory_space<vmem>>) offsets(%dma_start3A_1777 : memref<128xi32, #tpu.memory_space<vmem>>) semaphore(%arg14 : memref<!tpu.dma_semaphore, #tpu.memory_space<semaphore_mem>>)
    %dma_start3A_1780 = arith.constant 1 : i32
    %dma_start3A_1781 = arith.constant 5 : i32
    %dma_start3A_1782 = arith.constant 128 : i32
    %dma_start3A_1783 = tpu.memref_slice %arg12[%dma_start3A_1781, %dma_start3A_1782] : memref<6x512xf32, #tpu.memory_space<vmem>> -> memref<1x128xf32, #tpu.memory_space<vmem>>
    %dma_start3A_1784 = tpu.memref_squeeze %dma_start3A_1783 : memref<1x128xf32, #tpu.memory_space<vmem>> -> memref<128xf32, #tpu.memory_space<vmem>>
    %dma_start3A_1785 = arith.constant 0 : i32
    %dma_start3A_1786 = tpu.memref_slice %arg11[%dma_start3A_1780, %dma_start3A_1785] : memref<4x128xi32, #tpu.memory_space<vmem>> -> memref<1x128xi32, #tpu.memory_space<vmem>>
    %dma_start3A_1787 = tpu.memref_squeeze %dma_start3A_1786 : memref<1x128xi32, #tpu.memory_space<vmem>> -> memref<128xi32, #tpu.memory_space<vmem>>
    %dma_start3A_1788 = arith.constant 0 : i32
    %dma_start3A_1789 = tpu.memref_slice %arg8[%dma_start3A_1788] : memref<100000xf32, #tpu.memory_space<hbm>> -> memref<100000xf32, #tpu.memory_space<hbm>>
    tpu.enqueue_indirect_dma source(%dma_start3A_1789 : memref<100000xf32, #tpu.memory_space<hbm>>) target(%dma_start3A_1784 : memref<128xf32, #tpu.memory_space<vmem>>) offsets(%dma_start3A_1787 : memref<128xi32, #tpu.memory_space<vmem>>) semaphore(%arg14 : memref<!tpu.dma_semaphore, #tpu.memory_space<semaphore_mem>>)
    %dma_start3A_1790 = arith.constant 2 : i32
    %dma_start3A_1791 = arith.constant 5 : i32
    %dma_start3A_1792 = arith.constant 256 : i32
    %dma_start3A_1793 = tpu.memref_slice %arg12[%dma_start3A_1791, %dma_start3A_1792] : memref<6x512xf32, #tpu.memory_space<vmem>> -> memref<1x128xf32, #tpu.memory_space<vmem>>
    %dma_start3A_1794 = tpu.memref_squeeze %dma_start3A_1793 : memref<1x128xf32, #tpu.memory_space<vmem>> -> memref<128xf32, #tpu.memory_space<vmem>>
    %dma_start3A_1795 = arith.constant 0 : i32
    %dma_start3A_1796 = tpu.memref_slice %arg11[%dma_start3A_1790, %dma_start3A_1795] : memref<4x128xi32, #tpu.memory_space<vmem>> -> memref<1x128xi32, #tpu.memory_space<vmem>>
    %dma_start3A_1797 = tpu.memref_squeeze %dma_start3A_1796 : memref<1x128xi32, #tpu.memory_space<vmem>> -> memref<128xi32, #tpu.memory_space<vmem>>
    %dma_start3A_1798 = arith.constant 0 : i32
    %dma_start3A_1799 = tpu.memref_slice %arg8[%dma_start3A_1798] : memref<100000xf32, #tpu.memory_space<hbm>> -> memref<100000xf32, #tpu.memory_space<hbm>>
    tpu.enqueue_indirect_dma source(%dma_start3A_1799 : memref<100000xf32, #tpu.memory_space<hbm>>) target(%dma_start3A_1794 : memref<128xf32, #tpu.memory_space<vmem>>) offsets(%dma_start3A_1797 : memref<128xi32, #tpu.memory_space<vmem>>) semaphore(%arg14 : memref<!tpu.dma_semaphore, #tpu.memory_space<semaphore_mem>>)
    %dma_start3A_1800 = arith.constant 3 : i32
    %dma_start3A_1801 = arith.constant 5 : i32
    %dma_start3A_1802 = arith.constant 384 : i32
    %dma_start3A_1803 = tpu.memref_slice %arg12[%dma_start3A_1801, %dma_start3A_1802] : memref<6x512xf32, #tpu.memory_space<vmem>> -> memref<1x128xf32, #tpu.memory_space<vmem>>
    %dma_start3A_1804 = tpu.memref_squeeze %dma_start3A_1803 : memref<1x128xf32, #tpu.memory_space<vmem>> -> memref<128xf32, #tpu.memory_space<vmem>>
    %dma_start3A_1805 = arith.constant 0 : i32
    %dma_start3A_1806 = tpu.memref_slice %arg11[%dma_start3A_1800, %dma_start3A_1805] : memref<4x128xi32, #tpu.memory_space<vmem>> -> memref<1x128xi32, #tpu.memory_space<vmem>>
    %dma_start3A_1807 = tpu.memref_squeeze %dma_start3A_1806 : memref<1x128xi32, #tpu.memory_space<vmem>> -> memref<128xi32, #tpu.memory_space<vmem>>
    %dma_start3A_1808 = arith.constant 0 : i32
    %dma_start3A_1809 = tpu.memref_slice %arg8[%dma_start3A_1808] : memref<100000xf32, #tpu.memory_space<hbm>> -> memref<100000xf32, #tpu.memory_space<hbm>>
    tpu.enqueue_indirect_dma source(%dma_start3A_1809 : memref<100000xf32, #tpu.memory_space<hbm>>) target(%dma_start3A_1804 : memref<128xf32, #tpu.memory_space<vmem>>) offsets(%dma_start3A_1807 : memref<128xi32, #tpu.memory_space<vmem>>) semaphore(%arg14 : memref<!tpu.dma_semaphore, #tpu.memory_space<semaphore_mem>>)
    %dma_wait3A = arith.constant 0 : i32
    %dma_wait3A_1810 = arith.constant 0 : i32
    %dma_wait3A_1811 = arith.constant 0 : i32
    %dma_wait3A_1812 = tpu.memref_slice %arg12[%dma_wait3A_1810, %dma_wait3A_1811] : memref<6x512xf32, #tpu.memory_space<vmem>> -> memref<1x128xf32, #tpu.memory_space<vmem>>
    %dma_wait3A_1813 = tpu.memref_squeeze %dma_wait3A_1812 : memref<1x128xf32, #tpu.memory_space<vmem>> -> memref<128xf32, #tpu.memory_space<vmem>>
    %dma_wait3A_1814 = arith.constant 0 : i32
    %dma_wait3A_1815 = tpu.memref_slice %arg11[%dma_wait3A, %dma_wait3A_1814] : memref<4x128xi32, #tpu.memory_space<vmem>> -> memref<1x128xi32, #tpu.memory_space<vmem>>
    %dma_wait3A_1816 = tpu.memref_squeeze %dma_wait3A_1815 : memref<1x128xi32, #tpu.memory_space<vmem>> -> memref<128xi32, #tpu.memory_space<vmem>>
    %dma_wait3A_1817 = arith.constant 0 : i32
    %dma_wait3A_1818 = tpu.memref_slice %arg3[%dma_wait3A_1817] : memref<100000xf32, #tpu.memory_space<hbm>> -> memref<100000xf32, #tpu.memory_space<hbm>>
    tpu.wait_indirect_dma semaphore(%arg14 : memref<!tpu.dma_semaphore, #tpu.memory_space<semaphore_mem>>) src(%dma_wait3A_1818 : memref<100000xf32, #tpu.memory_space<hbm>>) dst(%dma_wait3A_1813 : memref<128xf32, #tpu.memory_space<vmem>>)
    %dma_wait3A_1819 = arith.constant 1 : i32
    %dma_wait3A_1820 = arith.constant 0 : i32
    %dma_wait3A_1821 = arith.constant 128 : i32
    %dma_wait3A_1822 = tpu.memref_slice %arg12[%dma_wait3A_1820, %dma_wait3A_1821] : memref<6x512xf32, #tpu.memory_space<vmem>> -> memref<1x128xf32, #tpu.memory_space<vmem>>
    %dma_wait3A_1823 = tpu.memref_squeeze %dma_wait3A_1822 : memref<1x128xf32, #tpu.memory_space<vmem>> -> memref<128xf32, #tpu.memory_space<vmem>>
    %dma_wait3A_1824 = arith.constant 0 : i32
    %dma_wait3A_1825 = tpu.memref_slice %arg11[%dma_wait3A_1819, %dma_wait3A_1824] : memref<4x128xi32, #tpu.memory_space<vmem>> -> memref<1x128xi32, #tpu.memory_space<vmem>>
    %dma_wait3A_1826 = tpu.memref_squeeze %dma_wait3A_1825 : memref<1x128xi32, #tpu.memory_space<vmem>> -> memref<128xi32, #tpu.memory_space<vmem>>
    %dma_wait3A_1827 = arith.constant 0 : i32
    %dma_wait3A_1828 = tpu.memref_slice %arg3[%dma_wait3A_1827] : memref<100000xf32, #tpu.memory_space<hbm>> -> memref<100000xf32, #tpu.memory_space<hbm>>
    tpu.wait_indirect_dma semaphore(%arg14 : memref<!tpu.dma_semaphore, #tpu.memory_space<semaphore_mem>>) src(%dma_wait3A_1828 : memref<100000xf32, #tpu.memory_space<hbm>>) dst(%dma_wait3A_1823 : memref<128xf32, #tpu.memory_space<vmem>>)
    %dma_wait3A_1829 = arith.constant 2 : i32
    %dma_wait3A_1830 = arith.constant 0 : i32
    %dma_wait3A_1831 = arith.constant 256 : i32
    %dma_wait3A_1832 = tpu.memref_slice %arg12[%dma_wait3A_1830, %dma_wait3A_1831] : memref<6x512xf32, #tpu.memory_space<vmem>> -> memref<1x128xf32, #tpu.memory_space<vmem>>
    %dma_wait3A_1833 = tpu.memref_squeeze %dma_wait3A_1832 : memref<1x128xf32, #tpu.memory_space<vmem>> -> memref<128xf32, #tpu.memory_space<vmem>>
    %dma_wait3A_1834 = arith.constant 0 : i32
    %dma_wait3A_1835 = tpu.memref_slice %arg11[%dma_wait3A_1829, %dma_wait3A_1834] : memref<4x128xi32, #tpu.memory_space<vmem>> -> memref<1x128xi32, #tpu.memory_space<vmem>>
    %dma_wait3A_1836 = tpu.memref_squeeze %dma_wait3A_1835 : memref<1x128xi32, #tpu.memory_space<vmem>> -> memref<128xi32, #tpu.memory_space<vmem>>
    %dma_wait3A_1837 = arith.constant 0 : i32
    %dma_wait3A_1838 = tpu.memref_slice %arg3[%dma_wait3A_1837] : memref<100000xf32, #tpu.memory_space<hbm>> -> memref<100000xf32, #tpu.memory_space<hbm>>
    tpu.wait_indirect_dma semaphore(%arg14 : memref<!tpu.dma_semaphore, #tpu.memory_space<semaphore_mem>>) src(%dma_wait3A_1838 : memref<100000xf32, #tpu.memory_space<hbm>>) dst(%dma_wait3A_1833 : memref<128xf32, #tpu.memory_space<vmem>>)
    %dma_wait3A_1839 = arith.constant 3 : i32
    %dma_wait3A_1840 = arith.constant 0 : i32
    %dma_wait3A_1841 = arith.constant 384 : i32
    %dma_wait3A_1842 = tpu.memref_slice %arg12[%dma_wait3A_1840, %dma_wait3A_1841] : memref<6x512xf32, #tpu.memory_space<vmem>> -> memref<1x128xf32, #tpu.memory_space<vmem>>
    %dma_wait3A_1843 = tpu.memref_squeeze %dma_wait3A_1842 : memref<1x128xf32, #tpu.memory_space<vmem>> -> memref<128xf32, #tpu.memory_space<vmem>>
    %dma_wait3A_1844 = arith.constant 0 : i32
    %dma_wait3A_1845 = tpu.memref_slice %arg11[%dma_wait3A_1839, %dma_wait3A_1844] : memref<4x128xi32, #tpu.memory_space<vmem>> -> memref<1x128xi32, #tpu.memory_space<vmem>>
    %dma_wait3A_1846 = tpu.memref_squeeze %dma_wait3A_1845 : memref<1x128xi32, #tpu.memory_space<vmem>> -> memref<128xi32, #tpu.memory_space<vmem>>
    %dma_wait3A_1847 = arith.constant 0 : i32
    %dma_wait3A_1848 = tpu.memref_slice %arg3[%dma_wait3A_1847] : memref<100000xf32, #tpu.memory_space<hbm>> -> memref<100000xf32, #tpu.memory_space<hbm>>
    tpu.wait_indirect_dma semaphore(%arg14 : memref<!tpu.dma_semaphore, #tpu.memory_space<semaphore_mem>>) src(%dma_wait3A_1848 : memref<100000xf32, #tpu.memory_space<hbm>>) dst(%dma_wait3A_1843 : memref<128xf32, #tpu.memory_space<vmem>>)
    %dma_wait3A_1849 = arith.constant 0 : i32
    %dma_wait3A_1850 = arith.constant 1 : i32
    %dma_wait3A_1851 = arith.constant 0 : i32
    %dma_wait3A_1852 = tpu.memref_slice %arg12[%dma_wait3A_1850, %dma_wait3A_1851] : memref<6x512xf32, #tpu.memory_space<vmem>> -> memref<1x128xf32, #tpu.memory_space<vmem>>
    %dma_wait3A_1853 = tpu.memref_squeeze %dma_wait3A_1852 : memref<1x128xf32, #tpu.memory_space<vmem>> -> memref<128xf32, #tpu.memory_space<vmem>>
    %dma_wait3A_1854 = arith.constant 0 : i32
    %dma_wait3A_1855 = tpu.memref_slice %arg11[%dma_wait3A_1849, %dma_wait3A_1854] : memref<4x128xi32, #tpu.memory_space<vmem>> -> memref<1x128xi32, #tpu.memory_space<vmem>>
    %dma_wait3A_1856 = tpu.memref_squeeze %dma_wait3A_1855 : memref<1x128xi32, #tpu.memory_space<vmem>> -> memref<128xi32, #tpu.memory_space<vmem>>
    %dma_wait3A_1857 = arith.constant 0 : i32
    %dma_wait3A_1858 = tpu.memref_slice %arg4[%dma_wait3A_1857] : memref<100000xf32, #tpu.memory_space<hbm>> -> memref<100000xf32, #tpu.memory_space<hbm>>
    tpu.wait_indirect_dma semaphore(%arg14 : memref<!tpu.dma_semaphore, #tpu.memory_space<semaphore_mem>>) src(%dma_wait3A_1858 : memref<100000xf32, #tpu.memory_space<hbm>>) dst(%dma_wait3A_1853 : memref<128xf32, #tpu.memory_space<vmem>>)
    %dma_wait3A_1859 = arith.constant 1 : i32
    %dma_wait3A_1860 = arith.constant 1 : i32
    %dma_wait3A_1861 = arith.constant 128 : i32
    %dma_wait3A_1862 = tpu.memref_slice %arg12[%dma_wait3A_1860, %dma_wait3A_1861] : memref<6x512xf32, #tpu.memory_space<vmem>> -> memref<1x128xf32, #tpu.memory_space<vmem>>
    %dma_wait3A_1863 = tpu.memref_squeeze %dma_wait3A_1862 : memref<1x128xf32, #tpu.memory_space<vmem>> -> memref<128xf32, #tpu.memory_space<vmem>>
    %dma_wait3A_1864 = arith.constant 0 : i32
    %dma_wait3A_1865 = tpu.memref_slice %arg11[%dma_wait3A_1859, %dma_wait3A_1864] : memref<4x128xi32, #tpu.memory_space<vmem>> -> memref<1x128xi32, #tpu.memory_space<vmem>>
    %dma_wait3A_1866 = tpu.memref_squeeze %dma_wait3A_1865 : memref<1x128xi32, #tpu.memory_space<vmem>> -> memref<128xi32, #tpu.memory_space<vmem>>
    %dma_wait3A_1867 = arith.constant 0 : i32
    %dma_wait3A_1868 = tpu.memref_slice %arg4[%dma_wait3A_1867] : memref<100000xf32, #tpu.memory_space<hbm>> -> memref<100000xf32, #tpu.memory_space<hbm>>
    tpu.wait_indirect_dma semaphore(%arg14 : memref<!tpu.dma_semaphore, #tpu.memory_space<semaphore_mem>>) src(%dma_wait3A_1868 : memref<100000xf32, #tpu.memory_space<hbm>>) dst(%dma_wait3A_1863 : memref<128xf32, #tpu.memory_space<vmem>>)
    %dma_wait3A_1869 = arith.constant 2 : i32
    %dma_wait3A_1870 = arith.constant 1 : i32
    %dma_wait3A_1871 = arith.constant 256 : i32
    %dma_wait3A_1872 = tpu.memref_slice %arg12[%dma_wait3A_1870, %dma_wait3A_1871] : memref<6x512xf32, #tpu.memory_space<vmem>> -> memref<1x128xf32, #tpu.memory_space<vmem>>
    %dma_wait3A_1873 = tpu.memref_squeeze %dma_wait3A_1872 : memref<1x128xf32, #tpu.memory_space<vmem>> -> memref<128xf32, #tpu.memory_space<vmem>>
    %dma_wait3A_1874 = arith.constant 0 : i32
    %dma_wait3A_1875 = tpu.memref_slice %arg11[%dma_wait3A_1869, %dma_wait3A_1874] : memref<4x128xi32, #tpu.memory_space<vmem>> -> memref<1x128xi32, #tpu.memory_space<vmem>>
    %dma_wait3A_1876 = tpu.memref_squeeze %dma_wait3A_1875 : memref<1x128xi32, #tpu.memory_space<vmem>> -> memref<128xi32, #tpu.memory_space<vmem>>
    %dma_wait3A_1877 = arith.constant 0 : i32
    %dma_wait3A_1878 = tpu.memref_slice %arg4[%dma_wait3A_1877] : memref<100000xf32, #tpu.memory_space<hbm>> -> memref<100000xf32, #tpu.memory_space<hbm>>
    tpu.wait_indirect_dma semaphore(%arg14 : memref<!tpu.dma_semaphore, #tpu.memory_space<semaphore_mem>>) src(%dma_wait3A_1878 : memref<100000xf32, #tpu.memory_space<hbm>>) dst(%dma_wait3A_1873 : memref<128xf32, #tpu.memory_space<vmem>>)
    %dma_wait3A_1879 = arith.constant 3 : i32
    %dma_wait3A_1880 = arith.constant 1 : i32
    %dma_wait3A_1881 = arith.constant 384 : i32
    %dma_wait3A_1882 = tpu.memref_slice %arg12[%dma_wait3A_1880, %dma_wait3A_1881] : memref<6x512xf32, #tpu.memory_space<vmem>> -> memref<1x128xf32, #tpu.memory_space<vmem>>
    %dma_wait3A_1883 = tpu.memref_squeeze %dma_wait3A_1882 : memref<1x128xf32, #tpu.memory_space<vmem>> -> memref<128xf32, #tpu.memory_space<vmem>>
    %dma_wait3A_1884 = arith.constant 0 : i32
    %dma_wait3A_1885 = tpu.memref_slice %arg11[%dma_wait3A_1879, %dma_wait3A_1884] : memref<4x128xi32, #tpu.memory_space<vmem>> -> memref<1x128xi32, #tpu.memory_space<vmem>>
    %dma_wait3A_1886 = tpu.memref_squeeze %dma_wait3A_1885 : memref<1x128xi32, #tpu.memory_space<vmem>> -> memref<128xi32, #tpu.memory_space<vmem>>
    %dma_wait3A_1887 = arith.constant 0 : i32
    %dma_wait3A_1888 = tpu.memref_slice %arg4[%dma_wait3A_1887] : memref<100000xf32, #tpu.memory_space<hbm>> -> memref<100000xf32, #tpu.memory_space<hbm>>
    tpu.wait_indirect_dma semaphore(%arg14 : memref<!tpu.dma_semaphore, #tpu.memory_space<semaphore_mem>>) src(%dma_wait3A_1888 : memref<100000xf32, #tpu.memory_space<hbm>>) dst(%dma_wait3A_1883 : memref<128xf32, #tpu.memory_space<vmem>>)
    %dma_wait3A_1889 = arith.constant 0 : i32
    %dma_wait3A_1890 = arith.constant 2 : i32
    %dma_wait3A_1891 = arith.constant 0 : i32
    %dma_wait3A_1892 = tpu.memref_slice %arg12[%dma_wait3A_1890, %dma_wait3A_1891] : memref<6x512xf32, #tpu.memory_space<vmem>> -> memref<1x128xf32, #tpu.memory_space<vmem>>
    %dma_wait3A_1893 = tpu.memref_squeeze %dma_wait3A_1892 : memref<1x128xf32, #tpu.memory_space<vmem>> -> memref<128xf32, #tpu.memory_space<vmem>>
    %dma_wait3A_1894 = arith.constant 0 : i32
    %dma_wait3A_1895 = tpu.memref_slice %arg11[%dma_wait3A_1889, %dma_wait3A_1894] : memref<4x128xi32, #tpu.memory_space<vmem>> -> memref<1x128xi32, #tpu.memory_space<vmem>>
    %dma_wait3A_1896 = tpu.memref_squeeze %dma_wait3A_1895 : memref<1x128xi32, #tpu.memory_space<vmem>> -> memref<128xi32, #tpu.memory_space<vmem>>
    %dma_wait3A_1897 = arith.constant 0 : i32
    %dma_wait3A_1898 = tpu.memref_slice %arg5[%dma_wait3A_1897] : memref<100000xf32, #tpu.memory_space<hbm>> -> memref<100000xf32, #tpu.memory_space<hbm>>
    tpu.wait_indirect_dma semaphore(%arg14 : memref<!tpu.dma_semaphore, #tpu.memory_space<semaphore_mem>>) src(%dma_wait3A_1898 : memref<100000xf32, #tpu.memory_space<hbm>>) dst(%dma_wait3A_1893 : memref<128xf32, #tpu.memory_space<vmem>>)
    %dma_wait3A_1899 = arith.constant 1 : i32
    %dma_wait3A_1900 = arith.constant 2 : i32
    %dma_wait3A_1901 = arith.constant 128 : i32
    %dma_wait3A_1902 = tpu.memref_slice %arg12[%dma_wait3A_1900, %dma_wait3A_1901] : memref<6x512xf32, #tpu.memory_space<vmem>> -> memref<1x128xf32, #tpu.memory_space<vmem>>
    %dma_wait3A_1903 = tpu.memref_squeeze %dma_wait3A_1902 : memref<1x128xf32, #tpu.memory_space<vmem>> -> memref<128xf32, #tpu.memory_space<vmem>>
    %dma_wait3A_1904 = arith.constant 0 : i32
    %dma_wait3A_1905 = tpu.memref_slice %arg11[%dma_wait3A_1899, %dma_wait3A_1904] : memref<4x128xi32, #tpu.memory_space<vmem>> -> memref<1x128xi32, #tpu.memory_space<vmem>>
    %dma_wait3A_1906 = tpu.memref_squeeze %dma_wait3A_1905 : memref<1x128xi32, #tpu.memory_space<vmem>> -> memref<128xi32, #tpu.memory_space<vmem>>
    %dma_wait3A_1907 = arith.constant 0 : i32
    %dma_wait3A_1908 = tpu.memref_slice %arg5[%dma_wait3A_1907] : memref<100000xf32, #tpu.memory_space<hbm>> -> memref<100000xf32, #tpu.memory_space<hbm>>
    tpu.wait_indirect_dma semaphore(%arg14 : memref<!tpu.dma_semaphore, #tpu.memory_space<semaphore_mem>>) src(%dma_wait3A_1908 : memref<100000xf32, #tpu.memory_space<hbm>>) dst(%dma_wait3A_1903 : memref<128xf32, #tpu.memory_space<vmem>>)
    %dma_wait3A_1909 = arith.constant 2 : i32
    %dma_wait3A_1910 = arith.constant 2 : i32
    %dma_wait3A_1911 = arith.constant 256 : i32
    %dma_wait3A_1912 = tpu.memref_slice %arg12[%dma_wait3A_1910, %dma_wait3A_1911] : memref<6x512xf32, #tpu.memory_space<vmem>> -> memref<1x128xf32, #tpu.memory_space<vmem>>
    %dma_wait3A_1913 = tpu.memref_squeeze %dma_wait3A_1912 : memref<1x128xf32, #tpu.memory_space<vmem>> -> memref<128xf32, #tpu.memory_space<vmem>>
    %dma_wait3A_1914 = arith.constant 0 : i32
    %dma_wait3A_1915 = tpu.memref_slice %arg11[%dma_wait3A_1909, %dma_wait3A_1914] : memref<4x128xi32, #tpu.memory_space<vmem>> -> memref<1x128xi32, #tpu.memory_space<vmem>>
    %dma_wait3A_1916 = tpu.memref_squeeze %dma_wait3A_1915 : memref<1x128xi32, #tpu.memory_space<vmem>> -> memref<128xi32, #tpu.memory_space<vmem>>
    %dma_wait3A_1917 = arith.constant 0 : i32
    %dma_wait3A_1918 = tpu.memref_slice %arg5[%dma_wait3A_1917] : memref<100000xf32, #tpu.memory_space<hbm>> -> memref<100000xf32, #tpu.memory_space<hbm>>
    tpu.wait_indirect_dma semaphore(%arg14 : memref<!tpu.dma_semaphore, #tpu.memory_space<semaphore_mem>>) src(%dma_wait3A_1918 : memref<100000xf32, #tpu.memory_space<hbm>>) dst(%dma_wait3A_1913 : memref<128xf32, #tpu.memory_space<vmem>>)
    %dma_wait3A_1919 = arith.constant 3 : i32
    %dma_wait3A_1920 = arith.constant 2 : i32
    %dma_wait3A_1921 = arith.constant 384 : i32
    %dma_wait3A_1922 = tpu.memref_slice %arg12[%dma_wait3A_1920, %dma_wait3A_1921] : memref<6x512xf32, #tpu.memory_space<vmem>> -> memref<1x128xf32, #tpu.memory_space<vmem>>
    %dma_wait3A_1923 = tpu.memref_squeeze %dma_wait3A_1922 : memref<1x128xf32, #tpu.memory_space<vmem>> -> memref<128xf32, #tpu.memory_space<vmem>>
    %dma_wait3A_1924 = arith.constant 0 : i32
    %dma_wait3A_1925 = tpu.memref_slice %arg11[%dma_wait3A_1919, %dma_wait3A_1924] : memref<4x128xi32, #tpu.memory_space<vmem>> -> memref<1x128xi32, #tpu.memory_space<vmem>>
    %dma_wait3A_1926 = tpu.memref_squeeze %dma_wait3A_1925 : memref<1x128xi32, #tpu.memory_space<vmem>> -> memref<128xi32, #tpu.memory_space<vmem>>
    %dma_wait3A_1927 = arith.constant 0 : i32
    %dma_wait3A_1928 = tpu.memref_slice %arg5[%dma_wait3A_1927] : memref<100000xf32, #tpu.memory_space<hbm>> -> memref<100000xf32, #tpu.memory_space<hbm>>
    tpu.wait_indirect_dma semaphore(%arg14 : memref<!tpu.dma_semaphore, #tpu.memory_space<semaphore_mem>>) src(%dma_wait3A_1928 : memref<100000xf32, #tpu.memory_space<hbm>>) dst(%dma_wait3A_1923 : memref<128xf32, #tpu.memory_space<vmem>>)
    %dma_wait3A_1929 = arith.constant 0 : i32
    %dma_wait3A_1930 = arith.constant 3 : i32
    %dma_wait3A_1931 = arith.constant 0 : i32
    %dma_wait3A_1932 = tpu.memref_slice %arg12[%dma_wait3A_1930, %dma_wait3A_1931] : memref<6x512xf32, #tpu.memory_space<vmem>> -> memref<1x128xf32, #tpu.memory_space<vmem>>
    %dma_wait3A_1933 = tpu.memref_squeeze %dma_wait3A_1932 : memref<1x128xf32, #tpu.memory_space<vmem>> -> memref<128xf32, #tpu.memory_space<vmem>>
    %dma_wait3A_1934 = arith.constant 0 : i32
    %dma_wait3A_1935 = tpu.memref_slice %arg11[%dma_wait3A_1929, %dma_wait3A_1934] : memref<4x128xi32, #tpu.memory_space<vmem>> -> memref<1x128xi32, #tpu.memory_space<vmem>>
    %dma_wait3A_1936 = tpu.memref_squeeze %dma_wait3A_1935 : memref<1x128xi32, #tpu.memory_space<vmem>> -> memref<128xi32, #tpu.memory_space<vmem>>
    %dma_wait3A_1937 = arith.constant 0 : i32
    %dma_wait3A_1938 = tpu.memref_slice %arg6[%dma_wait3A_1937] : memref<100000xf32, #tpu.memory_space<hbm>> -> memref<100000xf32, #tpu.memory_space<hbm>>
    tpu.wait_indirect_dma semaphore(%arg14 : memref<!tpu.dma_semaphore, #tpu.memory_space<semaphore_mem>>) src(%dma_wait3A_1938 : memref<100000xf32, #tpu.memory_space<hbm>>) dst(%dma_wait3A_1933 : memref<128xf32, #tpu.memory_space<vmem>>)
    %dma_wait3A_1939 = arith.constant 1 : i32
    %dma_wait3A_1940 = arith.constant 3 : i32
    %dma_wait3A_1941 = arith.constant 128 : i32
    %dma_wait3A_1942 = tpu.memref_slice %arg12[%dma_wait3A_1940, %dma_wait3A_1941] : memref<6x512xf32, #tpu.memory_space<vmem>> -> memref<1x128xf32, #tpu.memory_space<vmem>>
    %dma_wait3A_1943 = tpu.memref_squeeze %dma_wait3A_1942 : memref<1x128xf32, #tpu.memory_space<vmem>> -> memref<128xf32, #tpu.memory_space<vmem>>
    %dma_wait3A_1944 = arith.constant 0 : i32
    %dma_wait3A_1945 = tpu.memref_slice %arg11[%dma_wait3A_1939, %dma_wait3A_1944] : memref<4x128xi32, #tpu.memory_space<vmem>> -> memref<1x128xi32, #tpu.memory_space<vmem>>
    %dma_wait3A_1946 = tpu.memref_squeeze %dma_wait3A_1945 : memref<1x128xi32, #tpu.memory_space<vmem>> -> memref<128xi32, #tpu.memory_space<vmem>>
    %dma_wait3A_1947 = arith.constant 0 : i32
    %dma_wait3A_1948 = tpu.memref_slice %arg6[%dma_wait3A_1947] : memref<100000xf32, #tpu.memory_space<hbm>> -> memref<100000xf32, #tpu.memory_space<hbm>>
    tpu.wait_indirect_dma semaphore(%arg14 : memref<!tpu.dma_semaphore, #tpu.memory_space<semaphore_mem>>) src(%dma_wait3A_1948 : memref<100000xf32, #tpu.memory_space<hbm>>) dst(%dma_wait3A_1943 : memref<128xf32, #tpu.memory_space<vmem>>)
    %dma_wait3A_1949 = arith.constant 2 : i32
    %dma_wait3A_1950 = arith.constant 3 : i32
    %dma_wait3A_1951 = arith.constant 256 : i32
    %dma_wait3A_1952 = tpu.memref_slice %arg12[%dma_wait3A_1950, %dma_wait3A_1951] : memref<6x512xf32, #tpu.memory_space<vmem>> -> memref<1x128xf32, #tpu.memory_space<vmem>>
    %dma_wait3A_1953 = tpu.memref_squeeze %dma_wait3A_1952 : memref<1x128xf32, #tpu.memory_space<vmem>> -> memref<128xf32, #tpu.memory_space<vmem>>
    %dma_wait3A_1954 = arith.constant 0 : i32
    %dma_wait3A_1955 = tpu.memref_slice %arg11[%dma_wait3A_1949, %dma_wait3A_1954] : memref<4x128xi32, #tpu.memory_space<vmem>> -> memref<1x128xi32, #tpu.memory_space<vmem>>
    %dma_wait3A_1956 = tpu.memref_squeeze %dma_wait3A_1955 : memref<1x128xi32, #tpu.memory_space<vmem>> -> memref<128xi32, #tpu.memory_space<vmem>>
    %dma_wait3A_1957 = arith.constant 0 : i32
    %dma_wait3A_1958 = tpu.memref_slice %arg6[%dma_wait3A_1957] : memref<100000xf32, #tpu.memory_space<hbm>> -> memref<100000xf32, #tpu.memory_space<hbm>>
    tpu.wait_indirect_dma semaphore(%arg14 : memref<!tpu.dma_semaphore, #tpu.memory_space<semaphore_mem>>) src(%dma_wait3A_1958 : memref<100000xf32, #tpu.memory_space<hbm>>) dst(%dma_wait3A_1953 : memref<128xf32, #tpu.memory_space<vmem>>)
    %dma_wait3A_1959 = arith.constant 3 : i32
    %dma_wait3A_1960 = arith.constant 3 : i32
    %dma_wait3A_1961 = arith.constant 384 : i32
    %dma_wait3A_1962 = tpu.memref_slice %arg12[%dma_wait3A_1960, %dma_wait3A_1961] : memref<6x512xf32, #tpu.memory_space<vmem>> -> memref<1x128xf32, #tpu.memory_space<vmem>>
    %dma_wait3A_1963 = tpu.memref_squeeze %dma_wait3A_1962 : memref<1x128xf32, #tpu.memory_space<vmem>> -> memref<128xf32, #tpu.memory_space<vmem>>
    %dma_wait3A_1964 = arith.constant 0 : i32
    %dma_wait3A_1965 = tpu.memref_slice %arg11[%dma_wait3A_1959, %dma_wait3A_1964] : memref<4x128xi32, #tpu.memory_space<vmem>> -> memref<1x128xi32, #tpu.memory_space<vmem>>
    %dma_wait3A_1966 = tpu.memref_squeeze %dma_wait3A_1965 : memref<1x128xi32, #tpu.memory_space<vmem>> -> memref<128xi32, #tpu.memory_space<vmem>>
    %dma_wait3A_1967 = arith.constant 0 : i32
    %dma_wait3A_1968 = tpu.memref_slice %arg6[%dma_wait3A_1967] : memref<100000xf32, #tpu.memory_space<hbm>> -> memref<100000xf32, #tpu.memory_space<hbm>>
    tpu.wait_indirect_dma semaphore(%arg14 : memref<!tpu.dma_semaphore, #tpu.memory_space<semaphore_mem>>) src(%dma_wait3A_1968 : memref<100000xf32, #tpu.memory_space<hbm>>) dst(%dma_wait3A_1963 : memref<128xf32, #tpu.memory_space<vmem>>)
    %dma_wait3A_1969 = arith.constant 0 : i32
    %dma_wait3A_1970 = arith.constant 4 : i32
    %dma_wait3A_1971 = arith.constant 0 : i32
    %dma_wait3A_1972 = tpu.memref_slice %arg12[%dma_wait3A_1970, %dma_wait3A_1971] : memref<6x512xf32, #tpu.memory_space<vmem>> -> memref<1x128xf32, #tpu.memory_space<vmem>>
    %dma_wait3A_1973 = tpu.memref_squeeze %dma_wait3A_1972 : memref<1x128xf32, #tpu.memory_space<vmem>> -> memref<128xf32, #tpu.memory_space<vmem>>
    %dma_wait3A_1974 = arith.constant 0 : i32
    %dma_wait3A_1975 = tpu.memref_slice %arg11[%dma_wait3A_1969, %dma_wait3A_1974] : memref<4x128xi32, #tpu.memory_space<vmem>> -> memref<1x128xi32, #tpu.memory_space<vmem>>
    %dma_wait3A_1976 = tpu.memref_squeeze %dma_wait3A_1975 : memref<1x128xi32, #tpu.memory_space<vmem>> -> memref<128xi32, #tpu.memory_space<vmem>>
    %dma_wait3A_1977 = arith.constant 0 : i32
    %dma_wait3A_1978 = tpu.memref_slice %arg7[%dma_wait3A_1977] : memref<100000xf32, #tpu.memory_space<hbm>> -> memref<100000xf32, #tpu.memory_space<hbm>>
    tpu.wait_indirect_dma semaphore(%arg14 : memref<!tpu.dma_semaphore, #tpu.memory_space<semaphore_mem>>) src(%dma_wait3A_1978 : memref<100000xf32, #tpu.memory_space<hbm>>) dst(%dma_wait3A_1973 : memref<128xf32, #tpu.memory_space<vmem>>)
    %dma_wait3A_1979 = arith.constant 1 : i32
    %dma_wait3A_1980 = arith.constant 4 : i32
    %dma_wait3A_1981 = arith.constant 128 : i32
    %dma_wait3A_1982 = tpu.memref_slice %arg12[%dma_wait3A_1980, %dma_wait3A_1981] : memref<6x512xf32, #tpu.memory_space<vmem>> -> memref<1x128xf32, #tpu.memory_space<vmem>>
    %dma_wait3A_1983 = tpu.memref_squeeze %dma_wait3A_1982 : memref<1x128xf32, #tpu.memory_space<vmem>> -> memref<128xf32, #tpu.memory_space<vmem>>
    %dma_wait3A_1984 = arith.constant 0 : i32
    %dma_wait3A_1985 = tpu.memref_slice %arg11[%dma_wait3A_1979, %dma_wait3A_1984] : memref<4x128xi32, #tpu.memory_space<vmem>> -> memref<1x128xi32, #tpu.memory_space<vmem>>
    %dma_wait3A_1986 = tpu.memref_squeeze %dma_wait3A_1985 : memref<1x128xi32, #tpu.memory_space<vmem>> -> memref<128xi32, #tpu.memory_space<vmem>>
    %dma_wait3A_1987 = arith.constant 0 : i32
    %dma_wait3A_1988 = tpu.memref_slice %arg7[%dma_wait3A_1987] : memref<100000xf32, #tpu.memory_space<hbm>> -> memref<100000xf32, #tpu.memory_space<hbm>>
    tpu.wait_indirect_dma semaphore(%arg14 : memref<!tpu.dma_semaphore, #tpu.memory_space<semaphore_mem>>) src(%dma_wait3A_1988 : memref<100000xf32, #tpu.memory_space<hbm>>) dst(%dma_wait3A_1983 : memref<128xf32, #tpu.memory_space<vmem>>)
    %dma_wait3A_1989 = arith.constant 2 : i32
    %dma_wait3A_1990 = arith.constant 4 : i32
    %dma_wait3A_1991 = arith.constant 256 : i32
    %dma_wait3A_1992 = tpu.memref_slice %arg12[%dma_wait3A_1990, %dma_wait3A_1991] : memref<6x512xf32, #tpu.memory_space<vmem>> -> memref<1x128xf32, #tpu.memory_space<vmem>>
    %dma_wait3A_1993 = tpu.memref_squeeze %dma_wait3A_1992 : memref<1x128xf32, #tpu.memory_space<vmem>> -> memref<128xf32, #tpu.memory_space<vmem>>
    %dma_wait3A_1994 = arith.constant 0 : i32
    %dma_wait3A_1995 = tpu.memref_slice %arg11[%dma_wait3A_1989, %dma_wait3A_1994] : memref<4x128xi32, #tpu.memory_space<vmem>> -> memref<1x128xi32, #tpu.memory_space<vmem>>
    %dma_wait3A_1996 = tpu.memref_squeeze %dma_wait3A_1995 : memref<1x128xi32, #tpu.memory_space<vmem>> -> memref<128xi32, #tpu.memory_space<vmem>>
    %dma_wait3A_1997 = arith.constant 0 : i32
    %dma_wait3A_1998 = tpu.memref_slice %arg7[%dma_wait3A_1997] : memref<100000xf32, #tpu.memory_space<hbm>> -> memref<100000xf32, #tpu.memory_space<hbm>>
    tpu.wait_indirect_dma semaphore(%arg14 : memref<!tpu.dma_semaphore, #tpu.memory_space<semaphore_mem>>) src(%dma_wait3A_1998 : memref<100000xf32, #tpu.memory_space<hbm>>) dst(%dma_wait3A_1993 : memref<128xf32, #tpu.memory_space<vmem>>)
    %dma_wait3A_1999 = arith.constant 3 : i32
    %dma_wait3A_2000 = arith.constant 4 : i32
    %dma_wait3A_2001 = arith.constant 384 : i32
    %dma_wait3A_2002 = tpu.memref_slice %arg12[%dma_wait3A_2000, %dma_wait3A_2001] : memref<6x512xf32, #tpu.memory_space<vmem>> -> memref<1x128xf32, #tpu.memory_space<vmem>>
    %dma_wait3A_2003 = tpu.memref_squeeze %dma_wait3A_2002 : memref<1x128xf32, #tpu.memory_space<vmem>> -> memref<128xf32, #tpu.memory_space<vmem>>
    %dma_wait3A_2004 = arith.constant 0 : i32
    %dma_wait3A_2005 = tpu.memref_slice %arg11[%dma_wait3A_1999, %dma_wait3A_2004] : memref<4x128xi32, #tpu.memory_space<vmem>> -> memref<1x128xi32, #tpu.memory_space<vmem>>
    %dma_wait3A_2006 = tpu.memref_squeeze %dma_wait3A_2005 : memref<1x128xi32, #tpu.memory_space<vmem>> -> memref<128xi32, #tpu.memory_space<vmem>>
    %dma_wait3A_2007 = arith.constant 0 : i32
    %dma_wait3A_2008 = tpu.memref_slice %arg7[%dma_wait3A_2007] : memref<100000xf32, #tpu.memory_space<hbm>> -> memref<100000xf32, #tpu.memory_space<hbm>>
    tpu.wait_indirect_dma semaphore(%arg14 : memref<!tpu.dma_semaphore, #tpu.memory_space<semaphore_mem>>) src(%dma_wait3A_2008 : memref<100000xf32, #tpu.memory_space<hbm>>) dst(%dma_wait3A_2003 : memref<128xf32, #tpu.memory_space<vmem>>)
    %dma_wait3A_2009 = arith.constant 0 : i32
    %dma_wait3A_2010 = arith.constant 5 : i32
    %dma_wait3A_2011 = arith.constant 0 : i32
    %dma_wait3A_2012 = tpu.memref_slice %arg12[%dma_wait3A_2010, %dma_wait3A_2011] : memref<6x512xf32, #tpu.memory_space<vmem>> -> memref<1x128xf32, #tpu.memory_space<vmem>>
    %dma_wait3A_2013 = tpu.memref_squeeze %dma_wait3A_2012 : memref<1x128xf32, #tpu.memory_space<vmem>> -> memref<128xf32, #tpu.memory_space<vmem>>
    %dma_wait3A_2014 = arith.constant 0 : i32
    %dma_wait3A_2015 = tpu.memref_slice %arg11[%dma_wait3A_2009, %dma_wait3A_2014] : memref<4x128xi32, #tpu.memory_space<vmem>> -> memref<1x128xi32, #tpu.memory_space<vmem>>
    %dma_wait3A_2016 = tpu.memref_squeeze %dma_wait3A_2015 : memref<1x128xi32, #tpu.memory_space<vmem>> -> memref<128xi32, #tpu.memory_space<vmem>>
    %dma_wait3A_2017 = arith.constant 0 : i32
    %dma_wait3A_2018 = tpu.memref_slice %arg8[%dma_wait3A_2017] : memref<100000xf32, #tpu.memory_space<hbm>> -> memref<100000xf32, #tpu.memory_space<hbm>>
    tpu.wait_indirect_dma semaphore(%arg14 : memref<!tpu.dma_semaphore, #tpu.memory_space<semaphore_mem>>) src(%dma_wait3A_2018 : memref<100000xf32, #tpu.memory_space<hbm>>) dst(%dma_wait3A_2013 : memref<128xf32, #tpu.memory_space<vmem>>)
    %dma_wait3A_2019 = arith.constant 1 : i32
    %dma_wait3A_2020 = arith.constant 5 : i32
    %dma_wait3A_2021 = arith.constant 128 : i32
    %dma_wait3A_2022 = tpu.memref_slice %arg12[%dma_wait3A_2020, %dma_wait3A_2021] : memref<6x512xf32, #tpu.memory_space<vmem>> -> memref<1x128xf32, #tpu.memory_space<vmem>>
    %dma_wait3A_2023 = tpu.memref_squeeze %dma_wait3A_2022 : memref<1x128xf32, #tpu.memory_space<vmem>> -> memref<128xf32, #tpu.memory_space<vmem>>
    %dma_wait3A_2024 = arith.constant 0 : i32
    %dma_wait3A_2025 = tpu.memref_slice %arg11[%dma_wait3A_2019, %dma_wait3A_2024] : memref<4x128xi32, #tpu.memory_space<vmem>> -> memref<1x128xi32, #tpu.memory_space<vmem>>
    %dma_wait3A_2026 = tpu.memref_squeeze %dma_wait3A_2025 : memref<1x128xi32, #tpu.memory_space<vmem>> -> memref<128xi32, #tpu.memory_space<vmem>>
    %dma_wait3A_2027 = arith.constant 0 : i32
    %dma_wait3A_2028 = tpu.memref_slice %arg8[%dma_wait3A_2027] : memref<100000xf32, #tpu.memory_space<hbm>> -> memref<100000xf32, #tpu.memory_space<hbm>>
    tpu.wait_indirect_dma semaphore(%arg14 : memref<!tpu.dma_semaphore, #tpu.memory_space<semaphore_mem>>) src(%dma_wait3A_2028 : memref<100000xf32, #tpu.memory_space<hbm>>) dst(%dma_wait3A_2023 : memref<128xf32, #tpu.memory_space<vmem>>)
    %dma_wait3A_2029 = arith.constant 2 : i32
    %dma_wait3A_2030 = arith.constant 5 : i32
    %dma_wait3A_2031 = arith.constant 256 : i32
    %dma_wait3A_2032 = tpu.memref_slice %arg12[%dma_wait3A_2030, %dma_wait3A_2031] : memref<6x512xf32, #tpu.memory_space<vmem>> -> memref<1x128xf32, #tpu.memory_space<vmem>>
    %dma_wait3A_2033 = tpu.memref_squeeze %dma_wait3A_2032 : memref<1x128xf32, #tpu.memory_space<vmem>> -> memref<128xf32, #tpu.memory_space<vmem>>
    %dma_wait3A_2034 = arith.constant 0 : i32
    %dma_wait3A_2035 = tpu.memref_slice %arg11[%dma_wait3A_2029, %dma_wait3A_2034] : memref<4x128xi32, #tpu.memory_space<vmem>> -> memref<1x128xi32, #tpu.memory_space<vmem>>
    %dma_wait3A_2036 = tpu.memref_squeeze %dma_wait3A_2035 : memref<1x128xi32, #tpu.memory_space<vmem>> -> memref<128xi32, #tpu.memory_space<vmem>>
    %dma_wait3A_2037 = arith.constant 0 : i32
    %dma_wait3A_2038 = tpu.memref_slice %arg8[%dma_wait3A_2037] : memref<100000xf32, #tpu.memory_space<hbm>> -> memref<100000xf32, #tpu.memory_space<hbm>>
    tpu.wait_indirect_dma semaphore(%arg14 : memref<!tpu.dma_semaphore, #tpu.memory_space<semaphore_mem>>) src(%dma_wait3A_2038 : memref<100000xf32, #tpu.memory_space<hbm>>) dst(%dma_wait3A_2033 : memref<128xf32, #tpu.memory_space<vmem>>)
    %dma_wait3A_2039 = arith.constant 3 : i32
    %dma_wait3A_2040 = arith.constant 5 : i32
    %dma_wait3A_2041 = arith.constant 384 : i32
    %dma_wait3A_2042 = tpu.memref_slice %arg12[%dma_wait3A_2040, %dma_wait3A_2041] : memref<6x512xf32, #tpu.memory_space<vmem>> -> memref<1x128xf32, #tpu.memory_space<vmem>>
    %dma_wait3A_2043 = tpu.memref_squeeze %dma_wait3A_2042 : memref<1x128xf32, #tpu.memory_space<vmem>> -> memref<128xf32, #tpu.memory_space<vmem>>
    %dma_wait3A_2044 = arith.constant 0 : i32
    %dma_wait3A_2045 = tpu.memref_slice %arg11[%dma_wait3A_2039, %dma_wait3A_2044] : memref<4x128xi32, #tpu.memory_space<vmem>> -> memref<1x128xi32, #tpu.memory_space<vmem>>
    %dma_wait3A_2046 = tpu.memref_squeeze %dma_wait3A_2045 : memref<1x128xi32, #tpu.memory_space<vmem>> -> memref<128xi32, #tpu.memory_space<vmem>>
    %dma_wait3A_2047 = arith.constant 0 : i32
    %dma_wait3A_2048 = tpu.memref_slice %arg8[%dma_wait3A_2047] : memref<100000xf32, #tpu.memory_space<hbm>> -> memref<100000xf32, #tpu.memory_space<hbm>>
    tpu.wait_indirect_dma semaphore(%arg14 : memref<!tpu.dma_semaphore, #tpu.memory_space<semaphore_mem>>) src(%dma_wait3A_2048 : memref<100000xf32, #tpu.memory_space<hbm>>) dst(%dma_wait3A_2043 : memref<128xf32, #tpu.memory_space<vmem>>)
    %broadcast_in_dim3A = arith.constant 0.000000e+00 : f32
    %broadcast_in_dim3A_2049 = vector.broadcast %broadcast_in_dim3A : f32 to vector<16xf32>
    %broadcast_in_dim3A_2050 = arith.constant 1.000000e+00 : f32
    %broadcast_in_dim3A_2051 = vector.broadcast %broadcast_in_dim3A_2050 : f32 to vector<16xf32>
    %scan3A_2052 = arith.constant 0 : i32
    %scan3A_2053 = arith.constant 0 : i32
    %scan3A_2054 = arith.constant 32 : i32
    %scan3A_2055 = arith.addi %scan3A_2053, %scan3A_2054 : i32
    %scan3A_2056 = arith.constant 1 : i32
    scf.for %scan3A_2058 = %scan3A_2053 to %scan3A_2055 step %scan3A_2056  : i32 {
      %mul3A_2059 = arith.constant 16 : i32
      %mul3A_2060 = arith.muli %scan3A_2058, %mul3A_2059 : i32
      %iota3A = tpu.iota {dimensions = array<i32: 0>} : vector<16xi32>
      %add3A_2061 = vector.broadcast %mul3A_2060 : i32 to vector<16xi32>
      %add3A_2062 = arith.addi %add3A_2061, %iota3A : vector<16xi32>
      %get3A_2063 = arith.constant 0 : i32
      %get3A_2064 = arith.index_cast %get3A_2063 : i32 to index
      %get3A_2065 = arith.index_cast %mul3A_2060 : i32 to index
      %get3A_2066 = tpu.vector_load %arg12[%get3A_2064, %get3A_2065] {strides = array<i32>} : memref<6x512xf32, #tpu.memory_space<vmem>>, vector<16xf32>,
      %get3A_2067 = arith.constant 1 : i32
      %get3A_2068 = arith.index_cast %get3A_2067 : i32 to index
      %get3A_2069 = arith.index_cast %mul3A_2060 : i32 to index
      %get3A_2070 = tpu.vector_load %arg12[%get3A_2068, %get3A_2069] {strides = array<i32>} : memref<6x512xf32, #tpu.memory_space<vmem>>, vector<16xf32>,
      %get3A_2071 = arith.constant 2 : i32
      %get3A_2072 = arith.index_cast %get3A_2071 : i32 to index
      %get3A_2073 = arith.index_cast %mul3A_2060 : i32 to index
      %get3A_2074 = tpu.vector_load %arg12[%get3A_2072, %get3A_2073] {strides = array<i32>} : memref<6x512xf32, #tpu.memory_space<vmem>>, vector<16xf32>,
      %get3A_2075 = arith.constant 3 : i32
      %get3A_2076 = arith.index_cast %get3A_2075 : i32 to index
      %get3A_2077 = arith.index_cast %mul3A_2060 : i32 to index
      %get3A_2078 = tpu.vector_load %arg12[%get3A_2076, %get3A_2077] {strides = array<i32>} : memref<6x512xf32, #tpu.memory_space<vmem>>, vector<16xf32>,
      %get3A_2079 = arith.constant 4 : i32
      %get3A_2080 = arith.index_cast %get3A_2079 : i32 to index
      %get3A_2081 = arith.index_cast %mul3A_2060 : i32 to index
      %get3A_2082 = tpu.vector_load %arg12[%get3A_2080, %get3A_2081] {strides = array<i32>} : memref<6x512xf32, #tpu.memory_space<vmem>>, vector<16xf32>,
      %get3A_2083 = arith.constant 5 : i32
      %get3A_2084 = arith.index_cast %get3A_2083 : i32 to index
      %get3A_2085 = arith.index_cast %mul3A_2060 : i32 to index
      %get3A_2086 = tpu.vector_load %arg12[%get3A_2084, %get3A_2085] {strides = array<i32>} : memref<6x512xf32, #tpu.memory_space<vmem>>, vector<16xf32>,
      %mul3A_2087 = arith.mulf %get3A_2066, %get3A_2066 : vector<16xf32>
      %mul3A_2088 = arith.mulf %get3A_2070, %get3A_2070 : vector<16xf32>
      %mul3A_2089 = arith.mulf %get3A_2074, %get3A_2074 : vector<16xf32>
      %add3A_2090 = arith.addf %mul3A_2087, %mul3A_2088 : vector<16xf32>
      %add3A_2091 = arith.addf %add3A_2090, %mul3A_2089 : vector<16xf32>
      %broadcast_in_dim3A_2092 = arith.constant 2.81145736E-15 : f32
      %broadcast_in_dim3A_2093 = vector.broadcast %broadcast_in_dim3A_2092 : f32 to vector<16xf32>
      %broadcast_in_dim3A_2094 = arith.constant 1.56192068E-16 : f32
      %broadcast_in_dim3A_2095 = vector.broadcast %broadcast_in_dim3A_2094 : f32 to vector<16xf32>
      %mul3A_2096 = arith.mulf %broadcast_in_dim3A_2093, %add3A_2091 : vector<16xf32>
      %add3A_2097 = arith.constant -7.6471636E-13 : f32
      %add3A_2098 = vector.broadcast %add3A_2097 : f32 to vector<16xf32>
      %add3A_2099 = arith.addf %mul3A_2096, %add3A_2098 : vector<16xf32>
      %mul3A_2100 = arith.mulf %broadcast_in_dim3A_2095, %add3A_2091 : vector<16xf32>
      %add3A_2101 = arith.constant -4.77947726E-14 : f32
      %add3A_2102 = vector.broadcast %add3A_2101 : f32 to vector<16xf32>
      %add3A_2103 = arith.addf %mul3A_2100, %add3A_2102 : vector<16xf32>
      %mul3A_2104 = arith.mulf %add3A_2099, %add3A_2091 : vector<16xf32>
      %add3A_2105 = arith.constant 1.60590444E-10 : f32
      %add3A_2106 = vector.broadcast %add3A_2105 : f32 to vector<16xf32>
      %add3A_2107 = arith.addf %mul3A_2104, %add3A_2106 : vector<16xf32>
      %mul3A_2108 = arith.mulf %add3A_2103, %add3A_2091 : vector<16xf32>
      %add3A_2109 = arith.constant 1.14707454E-11 : f32
      %add3A_2110 = vector.broadcast %add3A_2109 : f32 to vector<16xf32>
      %add3A_2111 = arith.addf %mul3A_2108, %add3A_2110 : vector<16xf32>
      %mul3A_2112 = arith.mulf %add3A_2107, %add3A_2091 : vector<16xf32>
      %add3A_2113 = arith.constant -2.50521079E-8 : f32
      %add3A_2114 = vector.broadcast %add3A_2113 : f32 to vector<16xf32>
      %add3A_2115 = arith.addf %mul3A_2112, %add3A_2114 : vector<16xf32>
      %mul3A_2116 = arith.mulf %add3A_2111, %add3A_2091 : vector<16xf32>
      %add3A_2117 = arith.constant -2.08767559E-9 : f32
      %add3A_2118 = vector.broadcast %add3A_2117 : f32 to vector<16xf32>
      %add3A_2119 = arith.addf %mul3A_2116, %add3A_2118 : vector<16xf32>
      %mul3A_2120 = arith.mulf %add3A_2115, %add3A_2091 : vector<16xf32>
      %add3A_2121 = arith.constant 2.75573188E-6 : f32
      %add3A_2122 = vector.broadcast %add3A_2121 : f32 to vector<16xf32>
      %add3A_2123 = arith.addf %mul3A_2120, %add3A_2122 : vector<16xf32>
      %mul3A_2124 = arith.mulf %add3A_2119, %add3A_2091 : vector<16xf32>
      %add3A_2125 = arith.constant 2.755732E-7 : f32
      %add3A_2126 = vector.broadcast %add3A_2125 : f32 to vector<16xf32>
      %add3A_2127 = arith.addf %mul3A_2124, %add3A_2126 : vector<16xf32>
      %mul3A_2128 = arith.mulf %add3A_2123, %add3A_2091 : vector<16xf32>
      %add3A_2129 = arith.constant -1.98412701E-4 : f32
      %add3A_2130 = vector.broadcast %add3A_2129 : f32 to vector<16xf32>
      %add3A_2131 = arith.addf %mul3A_2128, %add3A_2130 : vector<16xf32>
      %mul3A_2132 = arith.mulf %add3A_2127, %add3A_2091 : vector<16xf32>
      %add3A_2133 = arith.constant -2.48015876E-5 : f32
      %add3A_2134 = vector.broadcast %add3A_2133 : f32 to vector<16xf32>
      %add3A_2135 = arith.addf %mul3A_2132, %add3A_2134 : vector<16xf32>
      %mul3A_2136 = arith.mulf %add3A_2131, %add3A_2091 : vector<16xf32>
      %add3A_2137 = arith.constant 0.00833333377 : f32
      %add3A_2138 = vector.broadcast %add3A_2137 : f32 to vector<16xf32>
      %add3A_2139 = arith.addf %mul3A_2136, %add3A_2138 : vector<16xf32>
      %mul3A_2140 = arith.mulf %add3A_2135, %add3A_2091 : vector<16xf32>
      %add3A_2141 = arith.constant 0.00138888892 : f32
      %add3A_2142 = vector.broadcast %add3A_2141 : f32 to vector<16xf32>
      %add3A_2143 = arith.addf %mul3A_2140, %add3A_2142 : vector<16xf32>
      %mul3A_2144 = arith.mulf %add3A_2139, %add3A_2091 : vector<16xf32>
      %add3A_2145 = arith.constant -0.166666672 : f32
      %add3A_2146 = vector.broadcast %add3A_2145 : f32 to vector<16xf32>
      %add3A_2147 = arith.addf %mul3A_2144, %add3A_2146 : vector<16xf32>
      %mul3A_2148 = arith.mulf %add3A_2143, %add3A_2091 : vector<16xf32>
      %add3A_2149 = arith.constant -0.0416666679 : f32
      %add3A_2150 = vector.broadcast %add3A_2149 : f32 to vector<16xf32>
      %add3A_2151 = arith.addf %mul3A_2148, %add3A_2150 : vector<16xf32>
      %mul3A_2152 = arith.mulf %add3A_2147, %add3A_2091 : vector<16xf32>
      %add3A_2153 = arith.constant 1.000000e+00 : f32
      %add3A_2154 = vector.broadcast %add3A_2153 : f32 to vector<16xf32>
      %add3A_2155 = arith.addf %mul3A_2152, %add3A_2154 : vector<16xf32>
      %mul3A_2156 = arith.mulf %add3A_2151, %add3A_2091 : vector<16xf32>
      %add3A_2157 = arith.constant 5.000000e-01 : f32
      %add3A_2158 = vector.broadcast %add3A_2157 : f32 to vector<16xf32>
      %add3A_2159 = arith.addf %mul3A_2156, %add3A_2158 : vector<16xf32>
      %mul3A_2160 = arith.mulf %get3A_2066, %get3A_2070 : vector<16xf32>
      %mul3A_2161 = arith.mulf %add3A_2159, %mul3A_2160 : vector<16xf32>
      %mul3A_2162 = arith.mulf %get3A_2066, %get3A_2074 : vector<16xf32>
      %mul3A_2163 = arith.mulf %add3A_2159, %mul3A_2162 : vector<16xf32>
      %mul3A_2164 = arith.mulf %get3A_2070, %get3A_2074 : vector<16xf32>
      %mul3A_2165 = arith.mulf %add3A_2159, %mul3A_2164 : vector<16xf32>
      %mul3A_2166 = arith.mulf %add3A_2155, %get3A_2066 : vector<16xf32>
      %mul3A_2167 = arith.mulf %add3A_2155, %get3A_2070 : vector<16xf32>
      %mul3A_2168 = arith.mulf %add3A_2155, %get3A_2074 : vector<16xf32>
      %add3A_2169 = arith.addf %mul3A_2088, %mul3A_2089 : vector<16xf32>
      %mul3A_2170 = arith.mulf %add3A_2159, %add3A_2169 : vector<16xf32>
      %sub3A_2171 = arith.subf %broadcast_in_dim3A_2051, %mul3A_2170 : vector<16xf32>
      %sub3A_2172 = arith.subf %mul3A_2161, %mul3A_2168 : vector<16xf32>
      %add3A_2173 = arith.addf %mul3A_2167, %mul3A_2163 : vector<16xf32>
      %add3A_2174 = arith.addf %mul3A_2168, %mul3A_2161 : vector<16xf32>
      %add3A_2175 = arith.addf %mul3A_2087, %mul3A_2089 : vector<16xf32>
      %mul3A_2176 = arith.mulf %add3A_2159, %add3A_2175 : vector<16xf32>
      %sub3A_2177 = arith.subf %broadcast_in_dim3A_2051, %mul3A_2176 : vector<16xf32>
      %sub3A_2178 = arith.subf %mul3A_2165, %mul3A_2166 : vector<16xf32>
      %sub3A_2179 = arith.subf %mul3A_2163, %mul3A_2167 : vector<16xf32>
      %add3A_2180 = arith.addf %mul3A_2166, %mul3A_2165 : vector<16xf32>
      %add3A_2181 = arith.addf %mul3A_2087, %mul3A_2088 : vector<16xf32>
      %mul3A_2182 = arith.mulf %add3A_2159, %add3A_2181 : vector<16xf32>
      %sub3A_2183 = arith.subf %broadcast_in_dim3A_2051, %mul3A_2182 : vector<16xf32>
      %broadcast_in_dim3A_2184 = arith.constant 0 : i32
      %broadcast_in_dim3A_2185 = vector.broadcast %broadcast_in_dim3A_2184 : i32 to vector<16xi32>
      tpu.vector_store_idx %arg13[%add3A_2062, %broadcast_in_dim3A_2185], %sub3A_2171 : memref<512x16xf32, #tpu.memory_space<vmem>>[vector<16xi32>, vector<16xi32>], vector<16xf32>,
      %broadcast_in_dim3A_2186 = arith.constant 1 : i32
      %broadcast_in_dim3A_2187 = vector.broadcast %broadcast_in_dim3A_2186 : i32 to vector<16xi32>
      tpu.vector_store_idx %arg13[%add3A_2062, %broadcast_in_dim3A_2187], %sub3A_2172 : memref<512x16xf32, #tpu.memory_space<vmem>>[vector<16xi32>, vector<16xi32>], vector<16xf32>,
      %broadcast_in_dim3A_2188 = arith.constant 2 : i32
      %broadcast_in_dim3A_2189 = vector.broadcast %broadcast_in_dim3A_2188 : i32 to vector<16xi32>
      tpu.vector_store_idx %arg13[%add3A_2062, %broadcast_in_dim3A_2189], %add3A_2173 : memref<512x16xf32, #tpu.memory_space<vmem>>[vector<16xi32>, vector<16xi32>], vector<16xf32>,
      %broadcast_in_dim3A_2190 = arith.constant 3 : i32
      %broadcast_in_dim3A_2191 = vector.broadcast %broadcast_in_dim3A_2190 : i32 to vector<16xi32>
      tpu.vector_store_idx %arg13[%add3A_2062, %broadcast_in_dim3A_2191], %get3A_2078 : memref<512x16xf32, #tpu.memory_space<vmem>>[vector<16xi32>, vector<16xi32>], vector<16xf32>,
      %broadcast_in_dim3A_2192 = arith.constant 4 : i32
      %broadcast_in_dim3A_2193 = vector.broadcast %broadcast_in_dim3A_2192 : i32 to vector<16xi32>
      tpu.vector_store_idx %arg13[%add3A_2062, %broadcast_in_dim3A_2193], %add3A_2174 : memref<512x16xf32, #tpu.memory_space<vmem>>[vector<16xi32>, vector<16xi32>], vector<16xf32>,
      %broadcast_in_dim3A_2194 = arith.constant 5 : i32
      %broadcast_in_dim3A_2195 = vector.broadcast %broadcast_in_dim3A_2194 : i32 to vector<16xi32>
      tpu.vector_store_idx %arg13[%add3A_2062, %broadcast_in_dim3A_2195], %sub3A_2177 : memref<512x16xf32, #tpu.memory_space<vmem>>[vector<16xi32>, vector<16xi32>], vector<16xf32>,
      %broadcast_in_dim3A_2196 = arith.constant 6 : i32
      %broadcast_in_dim3A_2197 = vector.broadcast %broadcast_in_dim3A_2196 : i32 to vector<16xi32>
      tpu.vector_store_idx %arg13[%add3A_2062, %broadcast_in_dim3A_2197], %sub3A_2178 : memref<512x16xf32, #tpu.memory_space<vmem>>[vector<16xi32>, vector<16xi32>], vector<16xf32>,
      %broadcast_in_dim3A_2198 = arith.constant 7 : i32
      %broadcast_in_dim3A_2199 = vector.broadcast %broadcast_in_dim3A_2198 : i32 to vector<16xi32>
      tpu.vector_store_idx %arg13[%add3A_2062, %broadcast_in_dim3A_2199], %get3A_2082 : memref<512x16xf32, #tpu.memory_space<vmem>>[vector<16xi32>, vector<16xi32>], vector<16xf32>,
      %broadcast_in_dim3A_2200 = arith.constant 8 : i32
      %broadcast_in_dim3A_2201 = vector.broadcast %broadcast_in_dim3A_2200 : i32 to vector<16xi32>
      tpu.vector_store_idx %arg13[%add3A_2062, %broadcast_in_dim3A_2201], %sub3A_2179 : memref<512x16xf32, #tpu.memory_space<vmem>>[vector<16xi32>, vector<16xi32>], vector<16xf32>,
      %broadcast_in_dim3A_2202 = arith.constant 9 : i32
      %broadcast_in_dim3A_2203 = vector.broadcast %broadcast_in_dim3A_2202 : i32 to vector<16xi32>
      tpu.vector_store_idx %arg13[%add3A_2062, %broadcast_in_dim3A_2203], %add3A_2180 : memref<512x16xf32, #tpu.memory_space<vmem>>[vector<16xi32>, vector<16xi32>], vector<16xf32>,
      %broadcast_in_dim3A_2204 = arith.constant 10 : i32
      %broadcast_in_dim3A_2205 = vector.broadcast %broadcast_in_dim3A_2204 : i32 to vector<16xi32>
      tpu.vector_store_idx %arg13[%add3A_2062, %broadcast_in_dim3A_2205], %sub3A_2183 : memref<512x16xf32, #tpu.memory_space<vmem>>[vector<16xi32>, vector<16xi32>], vector<16xf32>,
      %broadcast_in_dim3A_2206 = arith.constant 11 : i32
      %broadcast_in_dim3A_2207 = vector.broadcast %broadcast_in_dim3A_2206 : i32 to vector<16xi32>
      tpu.vector_store_idx %arg13[%add3A_2062, %broadcast_in_dim3A_2207], %get3A_2086 : memref<512x16xf32, #tpu.memory_space<vmem>>[vector<16xi32>, vector<16xi32>], vector<16xf32>,
      %broadcast_in_dim3A_2208 = arith.constant 12 : i32
      %broadcast_in_dim3A_2209 = vector.broadcast %broadcast_in_dim3A_2208 : i32 to vector<16xi32>
      tpu.vector_store_idx %arg13[%add3A_2062, %broadcast_in_dim3A_2209], %broadcast_in_dim3A_2049 : memref<512x16xf32, #tpu.memory_space<vmem>>[vector<16xi32>, vector<16xi32>], vector<16xf32>,
      %broadcast_in_dim3A_2210 = arith.constant 13 : i32
      %broadcast_in_dim3A_2211 = vector.broadcast %broadcast_in_dim3A_2210 : i32 to vector<16xi32>
      tpu.vector_store_idx %arg13[%add3A_2062, %broadcast_in_dim3A_2211], %broadcast_in_dim3A_2049 : memref<512x16xf32, #tpu.memory_space<vmem>>[vector<16xi32>, vector<16xi32>], vector<16xf32>,
      %broadcast_in_dim3A_2212 = arith.constant 14 : i32
      %broadcast_in_dim3A_2213 = vector.broadcast %broadcast_in_dim3A_2212 : i32 to vector<16xi32>
      tpu.vector_store_idx %arg13[%add3A_2062, %broadcast_in_dim3A_2213], %broadcast_in_dim3A_2049 : memref<512x16xf32, #tpu.memory_space<vmem>>[vector<16xi32>, vector<16xi32>], vector<16xf32>,
      %broadcast_in_dim3A_2214 = arith.constant 15 : i32
      %broadcast_in_dim3A_2215 = vector.broadcast %broadcast_in_dim3A_2214 : i32 to vector<16xi32>
      tpu.vector_store_idx %arg13[%add3A_2062, %broadcast_in_dim3A_2215], %broadcast_in_dim3A_2051 : memref<512x16xf32, #tpu.memory_space<vmem>>[vector<16xi32>, vector<16xi32>], vector<16xf32>,
    }
    %scan3A_2057 = arith.constant 32 : i32
    "tpu.region"() ({
      %run_scoped3A_2058 = tpu.sem_alloc : memref<!tpu.dma_semaphore, #tpu.memory_space<semaphore_mem>>
      %dma_start3A_2059 = arith.constant 0 : i32
      %dma_start3A_2060 = tpu.memref_slice %arg9[%mul3A_2, %dma_start3A_2059] : memref<16384x16xf32, #tpu.memory_space<hbm>> -> memref<512x16xf32, #tpu.memory_space<hbm>>
      %dma_start3A_2061 = arith.constant 0 : i32
      %dma_start3A_2062 = tpu.memref_slice %arg9[%mul3A_2, %dma_start3A_2061] : memref<16384x16xf32, #tpu.memory_space<hbm>> -> memref<512x16xf32, #tpu.memory_space<hbm>>
      tpu.enqueue_dma source(%arg13 : memref<512x16xf32, #tpu.memory_space<vmem>>) target(%dma_start3A_2062 : memref<512x16xf32, #tpu.memory_space<hbm>>) target_semaphore(%run_scoped3A_2058 : memref<!tpu.dma_semaphore, #tpu.memory_space<semaphore_mem>>)
      %dma_wait3A_2063 = arith.constant 0 : i32
      %dma_wait3A_2064 = tpu.memref_slice %arg9[%mul3A_2, %dma_wait3A_2063] : memref<16384x16xf32, #tpu.memory_space<hbm>> -> memref<512x16xf32, #tpu.memory_space<hbm>>
      %dma_wait3A_2065 = arith.constant 0 : i32
      %dma_wait3A_2066 = tpu.memref_slice %arg9[%mul3A_2, %dma_wait3A_2065] : memref<16384x16xf32, #tpu.memory_space<hbm>> -> memref<512x16xf32, #tpu.memory_space<hbm>>
      tpu.wait_dma2 semaphore(%run_scoped3A_2058 : memref<!tpu.dma_semaphore, #tpu.memory_space<semaphore_mem>>) src(%arg13 : memref<512x16xf32, #tpu.memory_space<vmem>>) dst(%dma_wait3A_2066 : memref<512x16xf32, #tpu.memory_space<hbm>>)
      tpu.yield
    }) : () -> ()
    return
  }
}

</mosaic_0001>

<sc_bundles>
// kernel: kernel.3.cloned.1.call-start
scs
__scs_entry_jumppad:
0x0: {  	(pc) =	sbr.rel $0x88, $3  }
0x1: {  	(tag) =	ssettag $0x0;
	lr =	simm.s32 $0x1  }
0x2: {  	[smem:$0x3F9E] =	sst lr;
	_ =	strace $0xD0000000  }
0x3: {  	_ = 	snop  }
0x4: {  	_ = 	snop  }
0x5: {  	_ = 	snop  }
0x6: {  	_ = 	snop  }
0x7: {  	_ = 	snop  }
__scs_overlays_trampoline_lowered:
0x8: {  	[smem:$0x3FAD] =	sst s0  }
0x9: {  	[smem:$0x3FAE] =	sst s1  }
0xa: {  	[smem:$0x3FAF] =	sst s2  }
0xb: {  	[smem:$0x3FB0] =	sst s3  }
0xc: {  	[smem:$0x3FB1] =	sst s4  }
0xd: {  	[smem:$0x3FB2] =	sst s5  }
0xe: {  	[smem:$0x3FB3] =	sst s6  }
0xf: {  	[smem:$0x3FB4] =	sst s7  }
0x10: {  	[smem:$0x3FB5] =	sst s8  }
0x11: {  	[smem:$0x3FB6] =	sst s9;
	s0 =	simm.s32 @!p0 $0x0  }
0x12: {  	s1 =	sld [smem:$0x3F9C];
	s0 =	simm.s32 @p0 $0x1  }
0x13: {  	[smem:$0x3FB7] =	sst s0;
	s0 =	simm.s32 @!p1 $0x0  }
0x14: {  	s2 =	sld [smem:$0x3F9B];
	s0 =	simm.s32 @p1 $0x1  }
0x15: {  	[smem:$0x3FB8] =	sst s0;
	s0 =	simm.s32 @!p2 $0x0  }
0x16: {  	s3 =	sld [smem:$0x3FDB];
	s0 =	simm.s32 @p2 $0x1  }
0x17: {  	s4 =	simm.s32 $0x1BF5;
	[smem:$0x3FBA] =	sst s0  }
0x18: {  	s0 =	sld [smem:$0x3F9D];
	_ =	swait.ge [sflag:s4], $0x0  }
0x19: {  	s7 =	sld [smem:$0x3F9E]  }
0x1a: {  	s8 =	sadd.s32 $0xFFFFE003, lr  }
0x1b: {  	s9 =	sadd.s32 $0xFFFFFEF7, lr;
	s5 =	simm.s32 $0xFFFFFFFF;
	p2 =	slt.u32 s8, $0xFFFFF086  }
0x1c: {  	p1 =	slt.u32 s9, $0xF7A;
	s5 =	simm.s32 @!p2 $0x0  }
0x1d: {  	s5 =	simm.s32 @p1 $0x1;
	p0 =	seq.s32 s7, s2  }
0x1e: {  	s7 =	smul.u32 @!p0 $0xF7A, s2;
	p2 =	seq.s32 @!p0 s5, $0x0  }
0x1f: {  	s9 =	smul.u32 $0xF7A, s1;
	s8 =	simm.s32 @!p0 $0x1BF5;
	p2 =	por !p2, p0  }
0x20: {  	[sflag:s8] =	ssyncset.s32 @!p0 $0xFFFFF086;
	s6 =	sadd.s32 @!p0 s3, s7;
	s7 =	simm.s32 @!p0 $0x108  }
0x21: {  	s3 =	sadd.s32 s3, s9;
	s6 =	sadd.s32 @!p0 $0x88, s6;
	s7 =	simm.s32 @p2 $0x1082  }
0x22: {  	[simem:s7], [sflag:s8] =	dma.local @!p0 [hbm:s6], $0xF7A  }
0x23: {  	s9 =	sor.u32 $0xD0000000, s2;
	s6 =	simm.s32 $0x108;
	_ =	swait.ge @!p0 [sflag:s8], $0x0  }
0x24: {  	s3 =	sadd.s32 $0x88, s3;
	s6 =	simm.s32 @!p1 $0x1082;
	[sflag:s4] =	ssyncset.s32 $0xFFFFF086  }
0x25: {  	[simem:s6], [sflag:s4] =	dma.local [hbm:s3], $0xF7A  }
0x26: {  	[smem:$0x3F9E] =	sst s1;
	(tag) =	ssettag s2;
	_ =	strace s9  }
0x27: {  	s1 =	sld [smem:$0x3FAE]  }
0x28: {  	s2 =	sld [smem:$0x3FAF]  }
0x29: {  	s4 =	sld [smem:$0x3FB1]  }
0x2a: {  	p0 =	seq.s32 s5, $0x0;
	s5 =	sld [smem:$0x3FB2]  }
0x2b: {  	s6 =	sld [smem:$0x3FB3]  }
0x2c: {  	s7 =	sld [smem:$0x3FB4]  }
0x2d: {  	s3 =	simm.s32 $0x108;
	s8 =	sld [smem:$0x3FB5]  }
0x2e: {  	s3 =	simm.s32 @!p0 $0x1082;
	s9 =	sld [smem:$0x3FB6]  }
0x2f: {  	lr =	sadd.s32 s0, s3;
	s0 =	sld [smem:$0x3FAD]  }
0x30: {  	s3 =	sld [smem:$0x3FB0]  }
0x31: {  	[smem:$0x3FB9] =	sst s10  }
0x32: {  	s10 =	sld [smem:$0x3FB7];
	_ =	sdelay $0x3  }
0x33: {  	p0 =	seq.s32 s10, $0x1;
	s10 =	sld [smem:$0x3FB9];
	_ =	sdelay $0x3  }
0x34: {  	[smem:$0x3FB9] =	sst s10  }
0x35: {  	s10 =	sld [smem:$0x3FB8];
	_ =	sdelay $0x3  }
0x36: {  	p1 =	seq.s32 s10, $0x1;
	s10 =	sld [smem:$0x3FB9];
	_ =	sdelay $0x3  }
0x37: {  	[smem:$0x3FB9] =	sst s10  }
0x38: {  	s10 =	sld [smem:$0x3FBA]  }
0x39: {  	_ = 	snop;
	(pc) =	sbr.ind lr, $3  }
0x3a: {  	_ = 	snop  }
0x3b: {  	_ = 	snop  }
0x3c: {  	p2 =	seq.s32 s10, $0x1;
	s10 =	sld [smem:$0x3FB9]  }
0x3d: {  	_ =	shalt  }
0x3e: {  	_ =	shalt  }
0x3f: {  	_ =	shalt  }
0x40: {  	_ =	shalt  }
0x41: {  	_ =	shalt  }
0x42: {  	_ =	shalt  }
0x43: {  	_ =	shalt  }
0x44: {  	_ =	shalt  }
0x45: {  	_ =	shalt  }
0x46: {  	_ =	shalt  }
0x47: {  	_ =	shalt  }
0x48: {  	_ =	shalt  }
0x49: {  	_ =	shalt  }
0x4a: {  	_ =	shalt  }
0x4b: {  	_ =	shalt  }
0x4c: {  	_ =	shalt  }
0x4d: {  	_ =	shalt  }
0x4e: {  	_ =	shalt  }
0x4f: {  	_ =	shalt  }
0x50: {  	_ =	shalt  }
0x51: {  	_ =	shalt  }
0x52: {  	_ =	shalt  }
0x53: {  	_ =	shalt  }
0x54: {  	_ =	shalt  }
0x55: {  	_ =	shalt  }
0x56: {  	_ =	shalt  }
0x57: {  	_ =	shalt  }
0x58: {  	_ =	shalt  }
0x59: {  	_ =	shalt  }
0x5a: {  	_ =	shalt  }
0x5b: {  	_ =	shalt  }
0x5c: {  	_ =	shalt  }
0x5d: {  	_ =	shalt  }
0x5e: {  	_ =	shalt  }
0x5f: {  	_ =	shalt  }
0x60: {  	_ =	shalt  }
0x61: {  	_ =	shalt  }
0x62: {  	_ =	shalt  }
0x63: {  	_ =	shalt  }
0x64: {  	_ =	shalt  }
0x65: {  	_ =	shalt  }
0x66: {  	_ =	shalt  }
0x67: {  	_ =	shalt  }
0x68: {  	_ =	shalt  }
0x69: {  	_ =	shalt  }
0x6a: {  	_ =	shalt  }
0x6b: {  	_ =	shalt  }
0x6c: {  	_ =	shalt  }
0x6d: {  	_ =	shalt  }
0x6e: {  	_ =	shalt  }
0x6f: {  	_ =	shalt  }
0x70: {  	_ =	shalt  }
0x71: {  	_ =	shalt  }
0x72: {  	_ =	shalt  }
0x73: {  	_ =	shalt  }
0x74: {  	_ =	shalt  }
0x75: {  	_ =	shalt  }
0x76: {  	_ =	shalt  }
0x77: {  	_ =	shalt  }
0x78: {  	_ =	shalt  }
0x79: {  	_ =	shalt  }
0x7a: {  	_ =	shalt  }
0x7b: {  	_ =	shalt  }
0x7c: {  	_ =	shalt  }
0x7d: {  	_ =	shalt  }
0x7e: {  	_ =	shalt  }
0x7f: {  	_ =	shalt  }
0x80: {  	_ =	shalt  }
0x81: {  	_ =	shalt  }
0x82: {  	_ =	shalt  }
0x83: {  	_ =	shalt  }
0x84: {  	_ =	shalt  }
0x85: {  	_ =	shalt  }
0x86: {  	_ =	shalt  }
0x87: {  	_ =	shalt  }
.Lfunc_end0:
.L_simem_size_0:
called_computation_lowered:
.L_overlay_start_0:
0x88: {  	s2 =	sld [smem:$0x3FD9]  }
0x89: {  	s3 =	sld [smem:$0x3FFE];
	_ =	sdelay $0x1  }
0x8a: {  	s1 =	srdreg.scid  }
0x8b: {  	s0 =	sand.u32 $0x1, s1  }
0x8c: {  	s17 =	sshll.u32 s0, $0xA;
	s2 =	sadd.s32 s3, s2  }
0x8d: {  	s2 =	sadd.s32 s2, s17  }
0x8e: {  	[smem:$0x3FC5] =	sst s2  }
0x8f: {  	_ = 	snop  }
0x90: {  	s2 =	sld [smem:$0x3FC9]  }
0x91: {  	s18 =	sld [smem:$0x3FD0];
	(tm) =	ssettm $0x1  }
0x92: {  	s4 =	sld [smem:$0x3FFB];
	_ =	sdelay $0x3  }
0x93: {  	_ =	strace s4  }
0x94: {  	s4 =	sld [smem:$0x3FFC];
	_ =	sdelay $0x3  }
0x95: {  	_ =	strace s4  }
0x96: {  	s4 =	sld [smem:$0x3FFD];
	_ =	sdelay $0x3  }
0x97: {  	_ =	strace s4  }
0x98: {  	_ =	strace $0x8FFFFFFF  }
0x99: {  	s19 =	sld [smem:$0x3FDB];
	_ =	sdelay $0x1  }
0x9a: {  	s5 =	simm.s32 $_scs_section_size  }
0x9b: {  	s6 =	simm.s32 $_size__tile_overlayer_lowered;
	s7 =	simm.s32 $_tile_overlayer_lowered  }
0x9c: {  	s22 =	simm.s32 $0x1BFF;
	s21 =	sshll.u32 s7, $0x1;
	s4 =	sadd.s32 s5, s19  }
0x9d: {  	s8 =	simm.s32 $0x0;
	s20 =	sshll.u32 s6, $0x1;
	s6 =	sadd.s32 s21, s4  }
0x9e: {  	[timem:s8], [sflag:s22] =	dma.local [hbm:s6], s20  }
0x9f: {  	_ =	swait.ge [sflag:s22], s20  }
0xa0: {  	s5 =	ssub.s32 $0x0, s20;
	[sflag:s22] =	ssyncset.done $0x0  }
0xa1: {  	[sflag:s22] =	ssyncadd.s32 s5;
	_ =	sdelay $0x1  }
0xa2: {  	s23 =	simm.s32 $0x1B8B  }
0xa3: {  	_ =	swait.ge [sflag:s23], $0x1  }
0xa4: {  	[sflag:s23] =	ssyncset.done $0x0  }
0xa5: {  	s25 =	simm.s32 $0x1B8E;
	s24 =	sld [smem:$0x3FFE];
	[sflag:s23] =	ssyncadd.s32 $0xFFFFFFFF  }
0xa6: {  	s26 =	simm.s32 $execute0_lowered;
	[smem:$0x3FD2] =	sst s25  }
0xa7: {  	s6 =	sshll.u32 s26, $0x1;
	_ =	strace $0x80000046;
	[dreg:$0x1] =	wrdreg $0xFFFFFFFF  }
0xa8: {  	s28 =	simm.s32 $_size_execute0_lowered;
	s4 =	sadd.s32 s4, s6;
	[dreg:$0x0] =	wrdreg $0x0  }
0xa9: {  	s6 =	sshll.u32 s28, $0x1;
	[dreg:$0x2] =	wrdreg s4  }
0xaa: {  	[dreg:$0x3] =	wrdreg s6  }
0xab: {  	[dreg:$0x4] =	wrdreg $0xC0  }
0xac: {  	_ =	task [dreg:s8], $0x5FFFF  }
0xad: {  	[dreg:$0x1] =	wrdreg $0xFFFFFFFF  }
0xae: {  	[dreg:$0x0] =	wrdreg $0x60  }
0xaf: {  	[dreg:$0x2] =	wrdreg s2  }
0xb0: {  	[dreg:$0x3] =	wrdreg s24  }
0xb1: {  	[dreg:$0x4] =	wrdreg s18  }
0xb2: {  	[dreg:$0x5] =	wrdreg $0x9  }
0xb3: {  	_ =	task.clear_ibuf [dreg:s8], $0x6FFFF;
	_ =	strace $0x90000046  }
0xb4: {  	s29 =	simm.s32 $0x9;
	_ =	strace $0x80000048  }
0xb5: {  	_ =	swait.ge [sflag:s29], $0x1  }
0xb6: {  	[sflag:s29] =	ssyncadd.s32 $0xFFFFFFFF  }
0xb7: {  	_ =	strace $0x90000048  }
0xb8: {  	_ =	sfence  }
0xb9: {  	s30 =	sld [smem:$0x0];
	_ =	sdelay $0x2  }
0xba: {  	s31 =	sshll.u32 s1, $0xD;
	s1 =	sshrl.u32 s1, $0x2  }
0xbb: {  	s3 =	sand.u32 $0x4000, s31;
	s1 =	sadd.s32 s1, s30  }
0xbc: {  	s0 =	sor.u32 s3, s0;
	s1 =	sshll.u32 s1, $0x11  }
0xbd: {  	s0 =	sor.u32 s1, s0  }
0xbe: {  	s0 =	sadd.s32 $0x8F2B, s0  }
0xbf: {  	[sflag:s0] =	ssyncadd.remote.s32 $0x1  }
0xc0: {  	_ =	sfence.sel $0xFFFF  }
0xc1: {  	[dreg:$0x0] =	wrdreg $0xFFFFFFFF;
	(pc) =	sbr.abs _section_cstart, $3  }
0xc2: {  	[dreg:$0x1] =	wrdreg $0xFFFFFFFF  }
0xc3: {  	_ =	task.clear_ibuf [dreg:s8], $0x2FFFF;
	_ =	strace $0x9FFFFFFF  }
0xc4: {  	(tm) =	ssettm $0x7FFFFFFF  }
0xc5: {  	_ =	shalt  }
tec
execute0_lowered:
.L_overlay_start_1:
0x0: {  	(tag) =	ssettag $0x1  }
0x1: {  	s0 =	rddreg [dreg:$0x0]  }
0x2: {  	s1 =	rddreg [dreg:$0x1]  }
0x3: {  	s2 =	rddreg [dreg:$0x2];
	s3 =	simm.s32 $0x0  }
0x4: {  	s4 =	srdreg.scid;
	s5 =	stileid.u32;
	s15 =	simm.s32 $0x2  }
0x5: {  	s16 =	simm.s32 $0x80;
	s19 =	simm.s32 $0x200;
	s21 =	simm.s32 $0x280  }
0x6: {  	s23 =	simm.s32 $0x300;
	s25 =	simm.s32 $0x380;
	s29 =	simm.s32 $0xD00  }
0x7: {  	s30 =	simm.s32 $0xD80;
	s31 =	simm.s32 $0xE00;
	s17 =	simm.s32 $0xF80  }
0x8: {  	s18 =	simm.s32 $0x1;
	s20 =	simm.s32 $0x1000;
	s22 =	simm.s32 $0x0  }
0x9: {  	[smem:$0x7FF] =	sst s3;
	s7 =	sand.u32 $0x1, s4;
	s6 =	sshll.u32 s5, $0xA  }
0xa: {  	s4 =	sadd.s32 $0x6400, s1;
	s5 =	sadd.s32 $0x3200, s1;
	s9 =	sadd.s32 $0x9600, s1  }
0xb: {  	_ =	strace $0x80000047;
	s8 =	sshll.u32 s7, $0x9;
	s10 =	ssub.s32 $0x2, s7  }
0xc: {  	s7 =	sadd.s32 $0xC800, s1;
	s13 =	sor.u32 s8, s6;
	s6 =	sadd.s32 $0xFA00, s1  }
0xd: {  	s11 =	sshrl.u32 s10, $0x1;
	s8 =	sshrl.u32 s13, $0x3;
	s13 =	sshll.u32 s13, $0x1  }
0xe: {  	s28 =	ssub.s32 s10, s11;
	s8 =	sadd.s32 s0, s8;
	s13 =	sadd.s32 s2, s13  }
0xf: {  	v1 =	vlaneseq.u32;
	s14 =	smax.u32 s28, $0x1;
	s0 =	simm.s32 $0xE80;
	s2 =	simm.s32 $0xF00  }
0x10: {  	v0 =	vimm.f32 $1.000000000e+00;
	v2 =	vimm.f32 $0.0e+00;
	v1 =	vmul.u32 $0x10, v1;
	s10 =	sadd.s32 $0x10, s8;
	s11 =	sadd.s32 $0x20, s8;
	s12 =	sadd.s32 $0x30, s8  }
.LBB2_1:
0x11: {  	[tilespmem:s3], [sflag:$0x2] =	stream.linear.gather [hbm4b:s8+s3], $0x80, $0x38;
	[tilespmem:$0x3000] =	vst v63  }
0x12: {  	_ =	swait.ge [sflag:s15], $0x80  }
0x13: {  	[sflag:s15] =	ssyncset.done $0x0  }
0x14: {  	[sflag:s15] =	ssyncadd.s32 $0xFFFFFF80  }
0x15: {  	[tilespmem:s16], [sflag:$0x2] =	stream.linear.gather [hbm4b:s10+s3], $0x80, $0x38;
	[tilespmem:$0x3000] =	vst v63  }
0x16: {  	_ =	swait.ge [sflag:s15], $0x80  }
0x17: {  	[sflag:s15] =	ssyncset.done $0x0  }
0x18: {  	s24 =	simm.s32 $0x100;
	[sflag:s15] =	ssyncadd.s32 $0xFFFFFF80  }
0x19: {  	[tilespmem:s24], [sflag:$0x2] =	stream.linear.gather [hbm4b:s11+s3], $0x80, $0x38;
	[tilespmem:$0x3000] =	vst v63  }
0x1a: {  	_ =	swait.ge [sflag:s15], $0x80  }
0x1b: {  	[sflag:s15] =	ssyncset.done $0x0  }
0x1c: {  	s26 =	simm.s32 $0x180;
	[sflag:s15] =	ssyncadd.s32 $0xFFFFFF80  }
0x1d: {  	[tilespmem:s26], [sflag:$0x2] =	stream.linear.gather [hbm4b:s12+s3], $0x80, $0x38;
	[tilespmem:$0x3000] =	vst v63  }
0x1e: {  	_ =	swait.ge [sflag:s15], $0x80  }
0x1f: {  	[sflag:s15] =	ssyncset.done $0x0  }
0x20: {  	[sflag:s15] =	ssyncadd.s32 $0xFFFFFF80  }
0x21: {  	v3 =	vld [tilespmem:$0x0]  }
0x22: {  	v4 =	vld [tilespmem:$0x10]  }
0x23: {  	v5 =	vld [tilespmem:$0x20]  }
0x24: {  	v6 =	vld [tilespmem:$0x30]  }
0x25: {  	v7 =	vld [tilespmem:$0x40]  }
0x26: {  	[tilespmem:$0x200] =	vst v3;
	v3 =	vld [tilespmem:$0x50]  }
0x27: {  	[tilespmem:$0x210] =	vst v4;
	v4 =	vld [tilespmem:$0x60]  }
0x28: {  	[tilespmem:$0x220] =	vst v5;
	v5 =	vld [tilespmem:$0x70]  }
0x29: {  	[tilespmem:$0x230] =	vst v6;
	v6 =	vld [tilespmem:$0x80]  }
0x2a: {  	[tilespmem:$0x240] =	vst v7;
	v7 =	vld [tilespmem:$0x90]  }
0x2b: {  	[tilespmem:$0x250] =	vst v3;
	v3 =	vld [tilespmem:$0xA0]  }
0x2c: {  	[tilespmem:$0x260] =	vst v4;
	v4 =	vld [tilespmem:$0xB0]  }
0x2d: {  	[tilespmem:$0x270] =	vst v5;
	v5 =	vld [tilespmem:$0xC0]  }
0x2e: {  	[tilespmem:$0x280] =	vst v6;
	v6 =	vld [tilespmem:$0xD0]  }
0x2f: {  	[tilespmem:$0x290] =	vst v7;
	v7 =	vld [tilespmem:$0xE0]  }
0x30: {  	[tilespmem:$0x2A0] =	vst v3;
	v3 =	vld [tilespmem:$0xF0]  }
0x31: {  	[tilespmem:$0x2B0] =	vst v4;
	v4 =	vld [tilespmem:$0x100]  }
0x32: {  	[tilespmem:$0x2C0] =	vst v5;
	v5 =	vld [tilespmem:$0x110]  }
0x33: {  	[tilespmem:$0x2D0] =	vst v6;
	v6 =	vld [tilespmem:$0x120]  }
0x34: {  	[tilespmem:$0x2E0] =	vst v7;
	v7 =	vld [tilespmem:$0x130]  }
0x35: {  	[tilespmem:$0x2F0] =	vst v3;
	v3 =	vld [tilespmem:$0x140]  }
0x36: {  	[tilespmem:$0x300] =	vst v4;
	v4 =	vld [tilespmem:$0x150]  }
0x37: {  	[tilespmem:$0x310] =	vst v5;
	v5 =	vld [tilespmem:$0x160]  }
0x38: {  	[tilespmem:$0x320] =	vst v6;
	v6 =	vld [tilespmem:$0x170]  }
0x39: {  	[tilespmem:$0x330] =	vst v7;
	v7 =	vld [tilespmem:$0x180]  }
0x3a: {  	[tilespmem:$0x340] =	vst v3;
	v3 =	vld [tilespmem:$0x190]  }
0x3b: {  	[tilespmem:$0x350] =	vst v4;
	v4 =	vld [tilespmem:$0x1A0]  }
0x3c: {  	[tilespmem:$0x360] =	vst v5;
	v5 =	vld [tilespmem:$0x1B0]  }
0x3d: {  	[tilespmem:$0x370] =	vst v6;
	v6 =	vld [tilespmem:$0x1C0]  }
0x3e: {  	[tilespmem:$0x380] =	vst v7;
	v7 =	vld [tilespmem:$0x1D0]  }
0x3f: {  	[tilespmem:$0x390] =	vst v3;
	v3 =	vld [tilespmem:$0x1E0]  }
0x40: {  	[tilespmem:$0x3A0] =	vst v4;
	v4 =	vld [tilespmem:$0x1F0]  }
0x41: {  	[tilespmem:$0x3B0] =	vst v5  }
0x42: {  	[tilespmem:$0x3C0] =	vst v6  }
0x43: {  	[tilespmem:$0x3D0] =	vst v7  }
0x44: {  	[tilespmem:$0x3E0] =	vst v3  }
0x45: {  	s28 =	simm.s32 $0x400;
	[tilespmem:$0x3F0] =	vst v4  }
0x46: {  	[tilespmem:s28], [sflag:$0x1] =	stream.indirect.gather [hbm4b:s4+s16], $0x1, s19, s16, $0xb8;
	[tilespmem:$0x3000] =	vst v63  }
0x47: {  	s26 =	simm.s32 $0x480  }
0x48: {  	[tilespmem:s26], [sflag:$0x1] =	stream.indirect.gather [hbm4b:s4+s16], $0x1, s21, s16, $0xb8;
	[tilespmem:$0x3000] =	vst v63  }
0x49: {  	s28 =	simm.s32 $0x500  }
0x4a: {  	[tilespmem:s28], [sflag:$0x1] =	stream.indirect.gather [hbm4b:s4+s16], $0x1, s23, s16, $0xb8;
	[tilespmem:$0x3000] =	vst v63  }
0x4b: {  	s26 =	simm.s32 $0x580  }
0x4c: {  	[tilespmem:s26], [sflag:$0x1] =	stream.indirect.gather [hbm4b:s4+s16], $0x1, s25, s16, $0xb8;
	[tilespmem:$0x3000] =	vst v63  }
0x4d: {  	s28 =	simm.s32 $0x600  }
0x4e: {  	[tilespmem:s28], [sflag:$0x1] =	stream.indirect.gather [hbm4b:s5+s16], $0x1, s19, s16, $0xb8;
	[tilespmem:$0x3000] =	vst v63  }
0x4f: {  	s26 =	simm.s32 $0x680  }
0x50: {  	[tilespmem:s26], [sflag:$0x1] =	stream.indirect.gather [hbm4b:s5+s16], $0x1, s21, s16, $0xb8;
	[tilespmem:$0x3000] =	vst v63  }
0x51: {  	s28 =	simm.s32 $0x700  }
0x52: {  	[tilespmem:s28], [sflag:$0x1] =	stream.indirect.gather [hbm4b:s5+s16], $0x1, s23, s16, $0xb8;
	[tilespmem:$0x3000] =	vst v63  }
0x53: {  	s26 =	simm.s32 $0x780  }
0x54: {  	[tilespmem:s26], [sflag:$0x1] =	stream.indirect.gather [hbm4b:s5+s16], $0x1, s25, s16, $0xb8;
	[tilespmem:$0x3000] =	vst v63  }
0x55: {  	s28 =	simm.s32 $0x800  }
0x56: {  	[tilespmem:s28], [sflag:$0x1] =	stream.indirect.gather [hbm4b:s1+s16], $0x1, s19, s16, $0xb8;
	[tilespmem:$0x3000] =	vst v63  }
0x57: {  	s26 =	simm.s32 $0x880  }
0x58: {  	[tilespmem:s26], [sflag:$0x1] =	stream.indirect.gather [hbm4b:s1+s16], $0x1, s21, s16, $0xb8;
	[tilespmem:$0x3000] =	vst v63  }
0x59: {  	s28 =	simm.s32 $0x900  }
0x5a: {  	[tilespmem:s28], [sflag:$0x1] =	stream.indirect.gather [hbm4b:s1+s16], $0x1, s23, s16, $0xb8;
	[tilespmem:$0x3000] =	vst v63  }
0x5b: {  	s26 =	simm.s32 $0x980  }
0x5c: {  	[tilespmem:s26], [sflag:$0x1] =	stream.indirect.gather [hbm4b:s1+s16], $0x1, s25, s16, $0xb8;
	[tilespmem:$0x3000] =	vst v63  }
0x5d: {  	s24 =	simm.s32 $0xA00  }
0x5e: {  	[tilespmem:s24], [sflag:$0x1] =	stream.indirect.gather [hbm4b:s6+s16], $0x1, s19, s16, $0xb8;
	[tilespmem:$0x3000] =	vst v63  }
0x5f: {  	s26 =	simm.s32 $0xA80  }
0x60: {  	[tilespmem:s26], [sflag:$0x1] =	stream.indirect.gather [hbm4b:s6+s16], $0x1, s21, s16, $0xb8;
	[tilespmem:$0x3000] =	vst v63  }
0x61: {  	s28 =	simm.s32 $0xB00  }
0x62: {  	[tilespmem:s28], [sflag:$0x1] =	stream.indirect.gather [hbm4b:s6+s16], $0x1, s23, s16, $0xb8;
	[tilespmem:$0x3000] =	vst v63  }
0x63: {  	s28 =	simm.s32 $0xB80  }
0x64: {  	[tilespmem:s28], [sflag:$0x1] =	stream.indirect.gather [hbm4b:s6+s16], $0x1, s25, s16, $0xb8;
	[tilespmem:$0x3000] =	vst v63  }
0x65: {  	s28 =	simm.s32 $0xC00  }
0x66: {  	[tilespmem:s28], [sflag:$0x1] =	stream.indirect.gather [hbm4b:s7+s16], $0x1, s19, s16, $0xb8;
	[tilespmem:$0x3000] =	vst v63  }
0x67: {  	s28 =	simm.s32 $0xC80  }
0x68: {  	[tilespmem:s28], [sflag:$0x1] =	stream.indirect.gather [hbm4b:s7+s16], $0x1, s21, s16, $0xb8;
	[tilespmem:$0x3000] =	vst v63  }
0x69: {  	_ = 	snop  }
0x6a: {  	[tilespmem:s29], [sflag:$0x1] =	stream.indirect.gather [hbm4b:s7+s16], $0x1, s23, s16, $0xb8;
	[tilespmem:$0x3000] =	vst v63  }
0x6b: {  	_ = 	snop  }
0x6c: {  	[tilespmem:s30], [sflag:$0x1] =	stream.indirect.gather [hbm4b:s7+s16], $0x1, s25, s16, $0xb8;
	[tilespmem:$0x3000] =	vst v63  }
0x6d: {  	_ = 	snop  }
0x6e: {  	[tilespmem:s31], [sflag:$0x1] =	stream.indirect.gather [hbm4b:s9+s16], $0x1, s19, s16, $0xb8;
	[tilespmem:$0x3000] =	vst v63  }
0x6f: {  	_ = 	snop  }
0x70: {  	[tilespmem:s0], [sflag:$0x1] =	stream.indirect.gather [hbm4b:s9+s16], $0x1, s21, s16, $0xb8;
	[tilespmem:$0x3000] =	vst v63  }
0x71: {  	_ = 	snop  }
0x72: {  	[tilespmem:s2], [sflag:$0x1] =	stream.indirect.gather [hbm4b:s9+s16], $0x1, s23, s16, $0xb8;
	[tilespmem:$0x3000] =	vst v63  }
0x73: {  	_ = 	snop  }
0x74: {  	[tilespmem:s17], [sflag:$0x1] =	stream.indirect.gather [hbm4b:s9+s16], $0x1, s25, s16, $0xb8;
	[tilespmem:$0x3000] =	vst v63  }
0x75: {  	_ =	swait.ge [sflag:s18], $0x80  }
0x76: {  	[sflag:s18] =	ssyncset.done $0x0  }
0x77: {  	[sflag:s18] =	ssyncadd.s32 $0xFFFFFF80  }
0x78: {  	_ =	swait.ge [sflag:s18], $0x80  }
0x79: {  	[sflag:s18] =	ssyncset.done $0x0  }
0x7a: {  	[sflag:s18] =	ssyncadd.s32 $0xFFFFFF80  }
0x7b: {  	_ =	swait.ge [sflag:s18], $0x80  }
0x7c: {  	[sflag:s18] =	ssyncset.done $0x0  }
0x7d: {  	[sflag:s18] =	ssyncadd.s32 $0xFFFFFF80  }
0x7e: {  	_ =	swait.ge [sflag:s18], $0x80  }
0x7f: {  	[sflag:s18] =	ssyncset.done $0x0  }
0x80: {  	[sflag:s18] =	ssyncadd.s32 $0xFFFFFF80  }
0x81: {  	_ =	swait.ge [sflag:s18], $0x80  }
0x82: {  	[sflag:s18] =	ssyncset.done $0x0  }
0x83: {  	[sflag:s18] =	ssyncadd.s32 $0xFFFFFF80  }
0x84: {  	_ =	swait.ge [sflag:s18], $0x80  }
0x85: {  	[sflag:s18] =	ssyncset.done $0x0  }
0x86: {  	[sflag:s18] =	ssyncadd.s32 $0xFFFFFF80  }
0x87: {  	_ =	swait.ge [sflag:s18], $0x80  }
0x88: {  	[sflag:s18] =	ssyncset.done $0x0  }
0x89: {  	[sflag:s18] =	ssyncadd.s32 $0xFFFFFF80  }
0x8a: {  	_ =	swait.ge [sflag:s18], $0x80  }
0x8b: {  	[sflag:s18] =	ssyncset.done $0x0  }
0x8c: {  	[sflag:s18] =	ssyncadd.s32 $0xFFFFFF80  }
0x8d: {  	_ =	swait.ge [sflag:s18], $0x80  }
0x8e: {  	[sflag:s18] =	ssyncset.done $0x0  }
0x8f: {  	[sflag:s18] =	ssyncadd.s32 $0xFFFFFF80  }
0x90: {  	_ =	swait.ge [sflag:s18], $0x80  }
0x91: {  	[sflag:s18] =	ssyncset.done $0x0  }
0x92: {  	[sflag:s18] =	ssyncadd.s32 $0xFFFFFF80  }
0x93: {  	_ =	swait.ge [sflag:s18], $0x80  }
0x94: {  	[sflag:s18] =	ssyncset.done $0x0  }
0x95: {  	[sflag:s18] =	ssyncadd.s32 $0xFFFFFF80  }
0x96: {  	_ =	swait.ge [sflag:s18], $0x80  }
0x97: {  	[sflag:s18] =	ssyncset.done $0x0  }
0x98: {  	[sflag:s18] =	ssyncadd.s32 $0xFFFFFF80  }
0x99: {  	_ =	swait.ge [sflag:s18], $0x80  }
0x9a: {  	[sflag:s18] =	ssyncset.done $0x0  }
0x9b: {  	[sflag:s18] =	ssyncadd.s32 $0xFFFFFF80  }
0x9c: {  	_ =	swait.ge [sflag:s18], $0x80  }
0x9d: {  	[sflag:s18] =	ssyncset.done $0x0  }
0x9e: {  	[sflag:s18] =	ssyncadd.s32 $0xFFFFFF80  }
0x9f: {  	_ =	swait.ge [sflag:s18], $0x80  }
0xa0: {  	[sflag:s18] =	ssyncset.done $0x0  }
0xa1: {  	[sflag:s18] =	ssyncadd.s32 $0xFFFFFF80  }
0xa2: {  	_ =	swait.ge [sflag:s18], $0x80  }
0xa3: {  	[sflag:s18] =	ssyncset.done $0x0  }
0xa4: {  	[sflag:s18] =	ssyncadd.s32 $0xFFFFFF80  }
0xa5: {  	_ =	swait.ge [sflag:s18], $0x80  }
0xa6: {  	[sflag:s18] =	ssyncset.done $0x0  }
0xa7: {  	[sflag:s18] =	ssyncadd.s32 $0xFFFFFF80  }
0xa8: {  	_ =	swait.ge [sflag:s18], $0x80  }
0xa9: {  	[sflag:s18] =	ssyncset.done $0x0  }
0xaa: {  	[sflag:s18] =	ssyncadd.s32 $0xFFFFFF80  }
0xab: {  	_ =	swait.ge [sflag:s18], $0x80  }
0xac: {  	[sflag:s18] =	ssyncset.done $0x0  }
0xad: {  	[sflag:s18] =	ssyncadd.s32 $0xFFFFFF80  }
0xae: {  	_ =	swait.ge [sflag:s18], $0x80  }
0xaf: {  	[sflag:s18] =	ssyncset.done $0x0  }
0xb0: {  	[sflag:s18] =	ssyncadd.s32 $0xFFFFFF80  }
0xb1: {  	_ =	swait.ge [sflag:s18], $0x80  }
0xb2: {  	[sflag:s18] =	ssyncset.done $0x0  }
0xb3: {  	[sflag:s18] =	ssyncadd.s32 $0xFFFFFF80  }
0xb4: {  	_ =	swait.ge [sflag:s18], $0x80  }
0xb5: {  	[sflag:s18] =	ssyncset.done $0x0  }
0xb6: {  	[sflag:s18] =	ssyncadd.s32 $0xFFFFFF80  }
0xb7: {  	_ =	swait.ge [sflag:s18], $0x80  }
0xb8: {  	[sflag:s18] =	ssyncset.done $0x0  }
0xb9: {  	[sflag:s18] =	ssyncadd.s32 $0xFFFFFF80  }
0xba: {  	_ =	swait.ge [sflag:s18], $0x80  }
0xbb: {  	[sflag:s18] =	ssyncset.done $0x0  }
0xbc: {  	[sflag:s18] =	ssyncadd.s32 $0xFFFFFF80  }
0xbd: {  	v3 =	vld [tilespmem:s24+$0xFFFFFA00]  }
0xbe: {  	v4 =	vld [tilespmem:s24+$0xFFFFFC00];
	_ =	sdelay $0x1  }
0xbf: {  	v5 =	vld [tilespmem:s24+$0xFFFFFE00];
	_ =	sdelay $0x2  }
0xc0: {  	v6 =	vmul.f32 v3, v3;
	v7 =	vmul.f32 v4, v4;
	_ =	sdelay $0x1  }
0xc1: {  	v8 =	vmul.f32 v5, v5;
	v9 =	vadd.f32 v7, v6;
	_ =	sdelay $0x1  }
0xc2: {  	v10 =	vadd.f32 v8, v9;
	_ =	sdelay $0x1  }
0xc3: {  	v11 =	vmul.f32 $1.561920680e-16, v10  }
0xc4: {  	v12 =	vmul.f32 $2.811457360e-15, v10  }
0xc5: {  	v11 =	vadd.f32 $-4.779477260e-14, v11  }
0xc6: {  	v12 =	vadd.f32 $-7.647163600e-13, v12  }
0xc7: {  	v11 =	vmul.f32 v11, v10  }
0xc8: {  	v12 =	vmul.f32 v12, v10  }
0xc9: {  	v11 =	vadd.f32 $1.147074540e-11, v11  }
0xca: {  	v12 =	vadd.f32 $1.605904440e-10, v12  }
0xcb: {  	v11 =	vmul.f32 v11, v10  }
0xcc: {  	v12 =	vmul.f32 v12, v10  }
0xcd: {  	v11 =	vadd.f32 $-2.087675590e-09, v11  }
0xce: {  	v12 =	vadd.f32 $-2.505210790e-08, v12  }
0xcf: {  	v11 =	vmul.f32 v11, v10  }
0xd0: {  	v12 =	vmul.f32 v12, v10  }
0xd1: {  	v11 =	vadd.f32 $2.755732000e-07, v11  }
0xd2: {  	v12 =	vadd.f32 $2.755731880e-06, v12  }
0xd3: {  	v11 =	vmul.f32 v11, v10  }
0xd4: {  	v12 =	vmul.f32 v12, v10  }
0xd5: {  	v11 =	vadd.f32 $-2.480158760e-05, v11  }
0xd6: {  	v12 =	vadd.f32 $-1.984127010e-04, v12  }
0xd7: {  	v11 =	vmul.f32 v11, v10  }
0xd8: {  	v12 =	vmul.f32 v12, v10  }
0xd9: {  	v11 =	vadd.f32 $1.388888920e-03, v11  }
0xda: {  	v12 =	vadd.f32 $8.333333770e-03, v12  }
0xdb: {  	v11 =	vmul.f32 v11, v10  }
0xdc: {  	v12 =	vmul.f32 v12, v10  }
0xdd: {  	v11 =	vadd.f32 $-4.166666790e-02, v11  }
0xde: {  	v12 =	vadd.f32 $-1.666666720e-01, v12  }
0xdf: {  	v14 =	vmov s3;
	v11 =	vmul.f32 v11, v10  }
0xe0: {  	v56 =	vshll.u32 v14, $0x4;
	v10 =	vmul.f32 v12, v10  }
0xe1: {  	v13 =	vmul.f32 v4, v3;
	v7 =	vadd.f32 v8, v7;
	v11 =	vadd.f32 $5.000000000e-01, v11  }
0xe2: {  	v57 =	vmul.f32 v5, v3;
	v12 =	vor.u32 v1, v56;
	v10 =	vadd.f32 $1.000000000e+00, v10  }
0xe3: {  	v15 =	vor.u32 $0x1, v12;
	v16 =	vor.u32 $0x2, v12;
	v7 =	vmul.f32 v11, v7  }
0xe4: {  	v21 =	vor.u32 $0x3, v12;
	v13 =	vmul.f32 v11, v13;
	v18 =	vmul.f32 v10, v5  }
0xe5: {  	v19 =	vld [tilespmem:s24+$0x0];
	v14 =	vmul.f32 v11, v57;
	v20 =	vmul.f32 v10, v4;
	v7 =	vsub.f32 $1.000000000e+00, v7  }
0xe6: {  	v17 =	vld [tilespmem:s24+$0x400];
	v6 =	vadd.f32 v8, v6;
	v23 =	vor.u32 $0x4, v12;
	v22 =	vsub.f32 v13, v18  }
0xe7: {  	v58 =	vld [tilespmem:s24+$0x200];
	v4 =	vmul.f32 v5, v4;
	v5 =	vadd.f32 v14, v20;
	[tilespmem:v12+s20+$0x0] =	vst.idx.msk $0xffff, v7;
	v7 =	vor.u32 $0x5, v12  }
0xe8: {  	v59 =	vor.u32 $0x6, v12;
	v6 =	vmul.f32 v11, v6;
	v3 =	vmul.f32 v10, v3;
	[tilespmem:v15+s20+$0x0] =	vst.idx.msk $0xffff, v22  }
0xe9: {  	v13 =	vadd.f32 v13, v18;
	v4 =	vmul.f32 v11, v4;
	[tilespmem:v16+s20+$0x0] =	vst.idx.msk $0xffff, v5;
	v5 =	vor.u32 $0x7, v12  }
0xea: {  	v60 =	vor.u32 $0x8, v12;
	v6 =	vsub.f32 $1.000000000e+00, v6;
	[tilespmem:v21+s20+$0x0] =	vst.idx.msk $0xffff, v19  }
0xeb: {  	v62 =	vor.u32 $0x9, v12;
	v61 =	vsub.f32 v4, v3;
	[tilespmem:v23+s20+$0x0] =	vst.idx.msk $0xffff, v13  }
0xec: {  	[tilespmem:v7+s20+$0x0] =	vst.idx.msk $0xffff, v6;
	v6 =	vor.u32 $0xA, v12  }
0xed: {  	v63 =	vor.u32 $0xB, v12;
	v9 =	vmul.f32 v11, v9;
	v7 =	vsub.f32 v14, v20;
	[tilespmem:v59+s20+$0x0] =	vst.idx.msk $0xffff, v61  }
0xee: {  	v3 =	vadd.f32 v4, v3;
	v4 =	vor.u32 $0xC, v12;
	[tilespmem:v5+s20+$0x0] =	vst.idx.msk $0xffff, v58  }
0xef: {  	v5 =	vsub.f32 $1.000000000e+00, v9;
	[tilespmem:v60+s20+$0x0] =	vst.idx.msk $0xffff, v7  }
0xf0: {  	[tilespmem:v62+s20+$0x0] =	vst.idx.msk $0xffff, v3  }
0xf1: {  	v7 =	vor.u32 $0xD, v12;
	[tilespmem:v6+s20+$0x0] =	vst.idx.msk $0xffff, v5  }
0xf2: {  	[tilespmem:v63+s20+$0x0] =	vst.idx.msk $0xffff, v17  }
0xf3: {  	[tilespmem:v4+s20+$0x0] =	vst.idx.msk $0xffff, v2;
	v4 =	vor.u32 $0xE, v12  }
0xf4: {  	v3 =	vor.u32 $0xF, v12;
	_ =	sdelay $0x1  }
0xf5: {  	s26 =	simm.s32 $0x10;
	[tilespmem:v7+s20+$0x0] =	vst.idx.msk $0xffff, v2  }
.LBB2_2:
0xf6: {  	p0 =	sne.s32 s26, $0x1F0  }
0xf7: {  	[tilespmem:v4+s20+$0x0] =	vst.idx.msk $0xffff, v2;
	s24 =	sadd.s32 $0x10, s24;
	s28 =	smov.u32 s26;
	s26 =	sadd.s32 $0x10, s26  }
0xf8: {  	[tilespmem:v3+s20+$0x0] =	vst.idx.msk $0xffff, v0  }
0xf9: {  	v3 =	vld [tilespmem:s24+$0xFFFFFA00]  }
0xfa: {  	v4 =	vld [tilespmem:s24+$0xFFFFFC00]  }
0xfb: {  	v5 =	vld [tilespmem:s24+$0xFFFFFE00];
	_ =	sdelay $0x3  }
0xfc: {  	v6 =	vmul.f32 v3, v3;
	v7 =	vmul.f32 v4, v4  }
0xfd: {  	v8 =	vmul.f32 v4, v3;
	v9 =	vmul.f32 v5, v3  }
0xfe: {  	v10 =	vmul.f32 v5, v5;
	v12 =	vmul.f32 v5, v4;
	v11 =	vadd.f32 v7, v6;
	_ =	sdelay $0x1  }
0xff: {  	v7 =	vadd.f32 v10, v7;
	v13 =	vadd.f32 v10, v11  }
0x100: {  	v6 =	vadd.f32 v10, v6  }
0x101: {  	v10 =	vmul.f32 $2.811457360e-15, v13;
	v14 =	vmul.f32 $1.561920680e-16, v13;
	_ =	sdelay $0x1  }
0x102: {  	v10 =	vadd.f32 $-7.647163600e-13, v10;
	v14 =	vadd.f32 $-4.779477260e-14, v14;
	_ =	sdelay $0x1  }
0x103: {  	v10 =	vmul.f32 v10, v13;
	v14 =	vmul.f32 v14, v13;
	_ =	sdelay $0x1  }
0x104: {  	v10 =	vadd.f32 $1.605904440e-10, v10;
	v14 =	vadd.f32 $1.147074540e-11, v14;
	_ =	sdelay $0x1  }
0x105: {  	v10 =	vmul.f32 v10, v13;
	v14 =	vmul.f32 v14, v13;
	_ =	sdelay $0x1  }
0x106: {  	v10 =	vadd.f32 $-2.505210790e-08, v10;
	v14 =	vadd.f32 $-2.087675590e-09, v14;
	_ =	sdelay $0x1  }
0x107: {  	v10 =	vmul.f32 v10, v13;
	v14 =	vmul.f32 v14, v13;
	_ =	sdelay $0x1  }
0x108: {  	v10 =	vadd.f32 $2.755731880e-06, v10;
	v14 =	vadd.f32 $2.755732000e-07, v14;
	_ =	sdelay $0x1  }
0x109: {  	v10 =	vmul.f32 v10, v13;
	v14 =	vmul.f32 v14, v13;
	_ =	sdelay $0x1  }
0x10a: {  	v10 =	vadd.f32 $-1.984127010e-04, v10;
	v14 =	vadd.f32 $-2.480158760e-05, v14;
	_ =	sdelay $0x1  }
0x10b: {  	v10 =	vmul.f32 v10, v13;
	v14 =	vmul.f32 v14, v13;
	_ =	sdelay $0x1  }
0x10c: {  	v10 =	vadd.f32 $8.333333770e-03, v10;
	v14 =	vadd.f32 $1.388888920e-03, v14;
	_ =	sdelay $0x1  }
0x10d: {  	v10 =	vmul.f32 v10, v13;
	v14 =	vmul.f32 v14, v13;
	_ =	sdelay $0x1  }
0x10e: {  	v10 =	vadd.f32 $-1.666666720e-01, v10;
	v14 =	vadd.f32 $-4.166666790e-02, v14;
	_ =	sdelay $0x1  }
0x10f: {  	v15 =	vmov s28;
	v10 =	vmul.f32 v10, v13;
	v13 =	vmul.f32 v14, v13  }
0x110: {  	v14 =	vshll.u32 v15, $0x4  }
0x111: {  	v14 =	vor.u32 v1, v14;
	v10 =	vadd.f32 $1.000000000e+00, v10;
	v13 =	vadd.f32 $5.000000000e-01, v13  }
0x112: {  	v15 =	vor.u32 $0x2, v14  }
0x113: {  	v16 =	vor.u32 $0x1, v14;
	v8 =	vmul.f32 v13, v8;
	v7 =	vmul.f32 v13, v7  }
0x114: {  	v9 =	vmul.f32 v13, v9;
	v5 =	vmul.f32 v10, v5;
	v17 =	vld [tilespmem:s24+$0x400]  }
0x115: {  	v19 =	vor.u32 $0x3, v14;
	v4 =	vmul.f32 v10, v4;
	v18 =	vld [tilespmem:s24+$0x0];
	v7 =	vsub.f32 $1.000000000e+00, v7  }
0x116: {  	v21 =	vsub.f32 v8, v5;
	v5 =	vadd.f32 v8, v5;
	v8 =	vor.u32 $0x4, v14;
	v20 =	vld [tilespmem:s24+$0x200]  }
0x117: {  	v6 =	vmul.f32 v13, v6;
	v22 =	vadd.f32 v9, v4;
	[tilespmem:v14+s20+$0x0] =	vst.idx.msk $0xffff, v7;
	v7 =	vor.u32 $0x5, v14  }
0x118: {  	v12 =	vmul.f32 v13, v12;
	v3 =	vmul.f32 v10, v3;
	v10 =	vor.u32 $0x6, v14;
	[tilespmem:v16+s20+$0x0] =	vst.idx.msk $0xffff, v21  }
0x119: {  	v4 =	vsub.f32 v9, v4;
	v9 =	vmul.f32 v13, v11;
	v11 =	vor.u32 $0x7, v14;
	[tilespmem:v15+s20+$0x0] =	vst.idx.msk $0xffff, v22  }
0x11a: {  	v6 =	vsub.f32 $1.000000000e+00, v6;
	v13 =	vsub.f32 v12, v3;
	v15 =	vor.u32 $0x8, v14;
	[tilespmem:v19+s20+$0x0] =	vst.idx.msk $0xffff, v18  }
0x11b: {  	v3 =	vadd.f32 v12, v3;
	[tilespmem:v8+s20+$0x0] =	vst.idx.msk $0xffff, v5;
	v5 =	vor.u32 $0x9, v14  }
0x11c: {  	[tilespmem:v7+s20+$0x0] =	vst.idx.msk $0xffff, v6;
	v6 =	vor.u32 $0xA, v14  }
0x11d: {  	v7 =	vor.u32 $0xB, v14;
	[tilespmem:v10+s20+$0x0] =	vst.idx.msk $0xffff, v13  }
0x11e: {  	v8 =	vor.u32 $0xC, v14;
	[tilespmem:v11+s20+$0x0] =	vst.idx.msk $0xffff, v20  }
0x11f: {  	v9 =	vsub.f32 $1.000000000e+00, v9;
	v10 =	vor.u32 $0xD, v14;
	[tilespmem:v15+s20+$0x0] =	vst.idx.msk $0xffff, v4  }
.Ltmp0:
0x120: {  	v4 =	vor.u32 $0xE, v14;
	[tilespmem:v5+s20+$0x0] =	vst.idx.msk $0xffff, v3;
	(pc) =	sbr.rel @p0 .LBB2_2-.Ltmp0, $4  }
0x121: {  	v3 =	vor.u32 $0xF, v14;
	[tilespmem:v6+s20+$0x0] =	vst.idx.msk $0xffff, v9  }
0x122: {  	[tilespmem:v7+s20+$0x0] =	vst.idx.msk $0xffff, v17  }
0x123: {  	[tilespmem:v8+s20+$0x0] =	vst.idx.msk $0xffff, v2  }
0x124: {  	[tilespmem:v10+s20+$0x0] =	vst.idx.msk $0xffff, v2  }
0x125: {  	_ =	sdelay $0x2  }
0x126: {  	s22 =	sadd.s32 $0x1, s22  }
0x127: {  	[tilespmem:v4+s20+$0x0] =	vst.idx.msk $0xffff, v2;
	p0 =	sne.s32 s22, s14  }
.Ltmp1:
0x128: {  	[tilespmem:v3+s20+$0x0] =	vst.idx.msk $0xffff, v0;
	(pc) =	sbr.rel @p0 .LBB2_1-.Ltmp1, $4  }
0x129: {  	[hbm4b:s13+s3] =	stream.linear.scatter [tilespmem:s20], [sflag:$0x2], $0x2000, $0x38;
	[tilespmem:$0x3000] =	vst v63  }
0x12a: {  	_ =	swait.ge [sflag:s15], $0x2000  }
0x12b: {  	[sflag:s15] =	ssyncset.done $0x0  }
0x12c: {  	[sflag:s15] =	ssyncadd.s32 $0xFFFFE000  }
0x12d: {  	_ =	sfence.sel $0x180000  }
0x12e: {  	[bflag:$0x0] =	sbarrier.arrive $0xFFFF  }
0x12f: {  	_ =	strace $0x90000047  }
0x130: {  	s0 =	stileid.u32;
	[bflag:$0x2] =	sbarrier.arrive $0xFFFF  }
0x131: {  	p0 =	sne.s32 s0, $0x0;
	s0 =	rddreg [dreg:$0x3]  }
0x132: {  	s0 =	sadd.s32 @!p0 $0x100000, s0  }
0x133: {  	[sflag:s0] =	ssyncadd.tile.s32 @!p0 $0x1;
	_ =	shalt  }
.Lfunc_end2:
_tile_overlayer_lowered:
.L_overlay_start_2:
0x134: {  	(tag) =	ssettag $0x2  }
0x135: {  	s0 =	rddreg [dreg:$0x0];
	s2 =	stileid.u32  }
0x136: {  	s1 =	rddreg [dreg:$0x1];
	p0 =	sne.s32 s2, $0x0  }
0x137: {  	s3 =	rddreg [dreg:$0x2];
	[bflag:$0x3] =	sbarrier.arrive $0xFFFF;
	s2 =	simm.s32 @!p0 $0x1C02  }
0x138: {  	[timem:s3], [sflag:s2] =	dma.local @!p0 [hbm:s0], s1  }
0x139: {  	s0 =	simm.s32 @!p0 $0x2  }
0x13a: {  	_ =	swait.ge @!p0 [sflag:s0], s1  }
0x13b: {  	s1 =	ssub.s32 @!p0 $0x0, s1;
	[sflag:s0] =	ssyncset.done @!p0 $0x0  }
0x13c: {  	[sflag:s0] =	ssyncadd.s32 @!p0 s1  }
0x13d: {  	[bflag:$0x3] =	sbarrier.arrive $0xFFFF  }
0x13e: {  	_ =	shalt  }

</sc_bundles>
